<compile_context>
chip_gen: v7x
topology: tpu7x:2x2x1
jax: 0.10.2.dev20260603
libtpu: 0.0.44.dev20260713+nightly
codegen_flags: <defaults>
</compile_context>

<pallas_src>
import functools

import jax
import jax.numpy as jnp
from jax import lax
from jax.experimental import pallas as pl
from jax.experimental.pallas import tpu as pltpu
from jax.experimental.pallas import tpu_sc as plsc

N = 10000
E = 320000
D = 128
G = 512
K = 1024
COMMIT = 0.25
GAMMA = 0.5

NC = 2
NS = 16
NW = NC * NS
E_PER_TILE = E // NW
CHUNK = 40
NCHUNK = E_PER_TILE // CHUNK
U = 10
NG = NCHUNK // U
R = 5
GLEAD = 2
ILEAD = 4
NPAD = 10240
ROWS_PER_TILE = NPAD // NS


def _edge_agg_kernel(x_hbm, src_hbm, dst_hbm, zeros_hbm, out_hbm,
                     srcb, dstb, r0, r1, r2, r3, r4, acc_sh,
                     isem, gsem, ssem):
    rows = [r0, r1, r2, r3, r4]
    cid = lax.axis_index("c")
    sid = lax.axis_index("s")
    wid = cid * NS + sid
    pltpu.sync_copy(zeros_hbm.at[pl.ds(sid * ROWS_PER_TILE, ROWS_PER_TILE)],
                    acc_sh.at[pl.ds(sid * ROWS_PER_TILE, ROWS_PER_TILE)])
    plsc.subcore_barrier()

    base = wid * E_PER_TILE

    def fire_idx(c, s):
        off = base + c * CHUNK
        pltpu.async_copy(src_hbm.at[pl.ds(off, CHUNK)], srcb.at[s], isem.at[s])
        pltpu.async_copy(dst_hbm.at[pl.ds(off, CHUNK)], dstb.at[s], isem.at[s])

    def wait_idx(s):
        pltpu.make_async_copy(src_hbm.at[pl.ds(0, CHUNK)], srcb.at[s],
                              isem.at[s]).wait()
        pltpu.make_async_copy(dst_hbm.at[pl.ds(0, CHUNK)], dstb.at[s],
                              isem.at[s]).wait()

    def fire_gather(s, r):
        pltpu.async_copy(x_hbm.at[srcb.at[s]], rows[r], gsem.at[r])

    def wait_gather(r):
        pltpu.make_async_copy(x_hbm.at[srcb.at[0]], rows[r], gsem.at[r]).wait()

    def fire_scatter(s, r):
        pltpu.async_copy(rows[r], acc_sh.at[dstb.at[s]], ssem.at[r], add=True)

    def wait_scatter(r):
        pltpu.make_async_copy(rows[r], acc_sh.at[dstb.at[0]],
                              ssem.at[r]).wait()

    for c in range(ILEAD):
        fire_idx(c, c)
    for c in range(GLEAD):
        wait_idx(c)
        fire_gather(c, c)

    def body(g, carry):
        for b in range(U):
            c = g * U + b
            ci = c + ILEAD
            si = (b + ILEAD) % U
            if b < U - ILEAD:
                fire_idx(ci, si)
            else:
                @pl.when(g <= NG - 2)
                def _():
                    fire_idx(ci, si)
            cg = c + GLEAD
            sg = (b + GLEAD) % U
            rg = (b + GLEAD) % R
            if b < U - GLEAD:
                if b < R - GLEAD:
                    @pl.when(g >= 1)
                    def _():
                        wait_scatter(rg)
                else:
                    wait_scatter(rg)
                wait_idx(sg)
                fire_gather(sg, rg)
            else:
                @pl.when(g <= NG - 2)
                def _():
                    wait_scatter(rg)
                    wait_idx(sg)
                    fire_gather(sg, rg)
            wait_gather(b % R)
            fire_scatter(b, b % R)
        return carry

    lax.fori_loop(0, NG, body, 0)
    for r in range(R):
        wait_scatter(r)
    plsc.subcore_barrier()
    pltpu.sync_copy(acc_sh.at[pl.ds(sid * ROWS_PER_TILE, ROWS_PER_TILE)],
                    out_hbm.at[cid, pl.ds(sid * ROWS_PER_TILE, ROWS_PER_TILE)])


@functools.cache
def _edge_agg():
    return pl.kernel(
        _edge_agg_kernel,
        mesh=plsc.VectorSubcoreMesh(core_axis_name="c", subcore_axis_name="s"),
        out_type=jax.ShapeDtypeStruct((NC, NPAD, D), jnp.float32),
        scratch_types=[
            pltpu.VMEM((U, CHUNK), jnp.int32),
            pltpu.VMEM((U, CHUNK), jnp.int32),
            pltpu.VMEM((CHUNK, D), jnp.float32),
            pltpu.VMEM((CHUNK, D), jnp.float32),
            pltpu.VMEM((CHUNK, D), jnp.float32),
            pltpu.VMEM((CHUNK, D), jnp.float32),
            pltpu.VMEM((CHUNK, D), jnp.float32),
            pltpu.VMEM_SHARED((NPAD, D), jnp.float32),
            pltpu.SemaphoreType.DMA((U,)),
            pltpu.SemaphoreType.DMA((R,)),
            pltpu.SemaphoreType.DMA((R,)),
        ],
    )


N_BLK = 1000
N_GRID = N // N_BLK


def _node_kernel(x_ref, p0_ref, p1_ref, b_ref,
                 wgs_ref, wge_ref, ws1_ref, bs1_ref, ws2_ref, bs2_ref,
                 cb_ref, wc1_ref, bc1_ref, wc2_ref, bc2_ref, gam_ref, bet_ref,
                 c_sum_ref, s_sum_ref, aux_ref,
                 logit_ref, cg_ref, sg_ref, scal_ref):
    i = pl.program_id(0)
    f32 = jnp.float32
    y = x_ref[...] + p0_ref[...] + p1_ref[...]
    h_sep = jnp.maximum(jnp.dot(y, wgs_ref[...], preferred_element_type=f32), 0.0)
    s_hid = jnp.maximum(jnp.dot(h_sep, ws1_ref[...], preferred_element_type=f32)
                        + bs1_ref[...], 0.0)
    score = jax.nn.sigmoid(jnp.dot(s_hid, ws2_ref[...], preferred_element_type=f32)
                           + bs2_ref[...])
    pos = jnp.mean(score, axis=1, keepdims=True)
    nf = jnp.maximum(jnp.dot(y, wge_ref[...], preferred_element_type=f32), 0.0)
    cb = cb_ref[...]
    d2 = (jnp.sum(nf * nf, axis=1, keepdims=True)
          - 2.0 * jnp.dot(nf, cb.T, preferred_element_type=f32)
          + jnp.sum(cb * cb, axis=1)[None, :])
    m = jnp.min(d2, axis=1, keepdims=True)
    kio = lax.broadcasted_iota(jnp.int32, (N_BLK, K), 1)
    idx = jnp.min(jnp.where(d2 == m, kio, K), axis=1)
    onehot = (kio == idx[:, None]).astype(f32)
    quant = jnp.dot(onehot, cb, preferred_element_type=f32)
    res = nf + quant
    c_node = res * score
    s_node = res * (1.0 - score)
    cmt_row = jnp.sum((nf - quant) ** 2, axis=1, keepdims=True)
    b = b_ref[0]
    giota = lax.broadcasted_iota(jnp.int32, (G, N_BLK), 0)
    seg = (giota == b).astype(f32)
    ones = jnp.ones((N_BLK, 1), f32)
    zeros4 = jnp.zeros((N_BLK, 4), f32)
    auxv = jnp.concatenate([pos, 1.0 - pos, ones, cmt_row, zeros4], axis=1)
    c_part = jnp.dot(seg, c_node, preferred_element_type=f32)
    s_part = jnp.dot(seg, s_node, preferred_element_type=f32)
    a_part = jnp.dot(seg, auxv, preferred_element_type=f32)

    @pl.when(i == 0)
    def _():
        c_sum_ref[...] = c_part
        s_sum_ref[...] = s_part
        aux_ref[...] = a_part

    @pl.when(i > 0)
    def _():
        c_sum_ref[...] += c_part
        s_sum_ref[...] += s_part
        aux_ref[...] += a_part

    @pl.when(i == N_GRID - 1)
    def _():
        aux = aux_ref[...]
        cnt = jnp.maximum(aux[:, 2:3], 1.0)
        c_graph = c_sum_ref[...] / cnt
        s_graph = s_sum_ref[...] / cnt
        cg_ref[...] = c_graph
        sg_ref[...] = s_graph
        h = (jnp.dot(c_graph, wc1_ref[...], preferred_element_type=f32)
             + bc1_ref[...])
        mu = jnp.mean(h, axis=0, keepdims=True)
        var = jnp.mean((h - mu) ** 2, axis=0, keepdims=True)
        h = (h - mu) / jnp.sqrt(var + 1e-5) * gam_ref[...] + bet_ref[...]
        h = jnp.maximum(h, 0.0)
        logit_ref[...] = (jnp.dot(h, wc2_ref[...], preferred_element_type=f32)
                          + bc2_ref[...])
        pos_s = aux[:, 0:1] + 1e-8
        neg_s = aux[:, 1:2] + 1e-8
        loss_reg = jnp.mean(jnp.abs(pos_s / (pos_s + neg_s) - GAMMA))
        cmt_loss = COMMIT * jnp.sum(aux[:, 3:4]) / (N * D)
        scal_ref[...] = jnp.concatenate(
            [jnp.full((1, 1), cmt_loss, f32), jnp.full((1, 1), loss_reg, f32)],
            axis=1)


def kernel(x, edge_index, batch, Wg_sep, Wg_enc, Wsep1, bsep1, Wsep2, bsep2,
           codebook, Wc1, bc1, Wc2, bc2, bn_gamma, bn_beta):
    zeros = jnp.zeros((NPAD, D), jnp.float32)
    parts = _edge_agg()(x, edge_index[0], edge_index[1], zeros)

    batch3 = batch.reshape(N_GRID, 1, N_BLK)
    full = lambda *s: pl.BlockSpec(s, lambda i: (0,) * len(s))
    outs = pl.pallas_call(
        _node_kernel,
        grid=(N_GRID,),
        in_specs=[
            pl.BlockSpec((N_BLK, D), lambda i: (i, 0)),
            pl.BlockSpec((N_BLK, D), lambda i: (i, 0)),
            pl.BlockSpec((N_BLK, D), lambda i: (i, 0)),
            pl.BlockSpec((1, 1, N_BLK), lambda i: (i, 0, 0)),
            full(D, D), full(D, D), full(D, 2 * D), full(1, 2 * D),
            full(2 * D, D), full(1, D), full(K, D),
            full(D, 2 * D), full(1, 2 * D), full(2 * D, 1), full(1, 1),
            full(1, 2 * D), full(1, 2 * D),
        ],
        out_specs=[
            pl.BlockSpec((G, D), lambda i: (0, 0)),
            pl.BlockSpec((G, D), lambda i: (0, 0)),
            pl.BlockSpec((G, 8), lambda i: (0, 0)),
            pl.BlockSpec((G, 1), lambda i: (0, 0)),
            pl.BlockSpec((G, D), lambda i: (0, 0)),
            pl.BlockSpec((G, D), lambda i: (0, 0)),
            pl.BlockSpec((1, 2), lambda i: (0, 0)),
        ],
        out_shape=[
            jax.ShapeDtypeStruct((G, D), jnp.float32),
            jax.ShapeDtypeStruct((G, D), jnp.float32),
            jax.ShapeDtypeStruct((G, 8), jnp.float32),
            jax.ShapeDtypeStruct((G, 1), jnp.float32),
            jax.ShapeDtypeStruct((G, D), jnp.float32),
            jax.ShapeDtypeStruct((G, D), jnp.float32),
            jax.ShapeDtypeStruct((1, 2), jnp.float32),
        ],
    )(x, parts[0], parts[1], batch3,
      Wg_sep, Wg_enc, Wsep1, bsep1.reshape(1, 2 * D), Wsep2,
      bsep2.reshape(1, D), codebook,
      Wc1, bc1.reshape(1, 2 * D), Wc2, bc2.reshape(1, 1),
      bn_gamma.reshape(1, 2 * D), bn_beta.reshape(1, 2 * D))
    c_logit, c_graph, s_graph, scal = outs[3], outs[4], outs[5], outs[6]
    return (c_logit, c_graph, s_graph, scal[0, 0], scal[0, 1])

# --- scband reference (transcript-rebuilt; emitter-appended) ---
"""Pipeline reference for scband-my-model-71227737637138 (READ-ONLY COPY).

The authoritative reference and input builder live on the scoring server;
editing this copy changes nothing except your own understanding.
"""

import jax, jax.numpy as jnp
import numpy as np

N = 10000
E = 320000
D = 128
G = 512
K = 1024
COMMIT = 0.25
GAMMA = 0.5


def setup_inputs(seed: int = 0) -> dict:
    key = jax.random.key(seed)
    ks = jax.random.split(key, 20)
    x = jax.random.normal(ks[0], (N, D), dtype=jnp.float32)
    edge_index = jax.random.randint(ks[1], (2, E), 0, N)
    batch = jnp.sort(jax.random.randint(ks[2], (N,), 0, G))
    s = 0.05
    Wg_sep = jax.random.normal(ks[3], (D, D), dtype=jnp.float32) * s
    Wg_enc = jax.random.normal(ks[4], (D, D), dtype=jnp.float32) * s
    Wsep1 = jax.random.normal(ks[5], (D, 2 * D), dtype=jnp.float32) * s
    bsep1 = jnp.zeros((2 * D,), dtype=jnp.float32)
    Wsep2 = jax.random.normal(ks[6], (2 * D, D), dtype=jnp.float32) * s
    bsep2 = jnp.zeros((D,), dtype=jnp.float32)
    codebook = jax.random.normal(ks[7], (K, D), dtype=jnp.float32)
    Wc1 = jax.random.normal(ks[8], (D, 2 * D), dtype=jnp.float32) * s
    bc1 = jnp.zeros((2 * D,), dtype=jnp.float32)
    Wc2 = jax.random.normal(ks[9], (2 * D, 1), dtype=jnp.float32) * s
    bc2 = jnp.zeros((1,), dtype=jnp.float32)
    bn_gamma = jnp.ones((2 * D,), dtype=jnp.float32)
    bn_beta = jnp.zeros((2 * D,), dtype=jnp.float32)
    return {"x": x, "edge_index": edge_index, "batch": batch, "Wg_sep": Wg_sep,
            "Wg_enc": Wg_enc, "Wsep1": Wsep1, "bsep1": bsep1, "Wsep2": Wsep2,
            "bsep2": bsep2, "codebook": codebook, "Wc1": Wc1, "bc1": bc1,
            "Wc2": Wc2, "bc2": bc2, "bn_gamma": bn_gamma, "bn_beta": bn_beta}


def reference(x, edge_index, batch, Wg_sep, Wg_enc, Wsep1, bsep1, Wsep2, bsep2,
              codebook, Wc1, bc1, Wc2, bc2, bn_gamma, bn_beta):
    src, dst = edge_index[0], edge_index[1]
    # ---- Separator: GIN-style message passing + MLP with sigmoid gate ----
    agg = jax.ops.segment_sum(x[src], dst, num_segments=N)
    h_sep = jax.nn.relu((x + agg) @ Wg_sep)
    s_hid = jax.nn.relu(h_sep @ Wsep1 + bsep1)
    score = jax.nn.sigmoid(s_hid @ Wsep2 + bsep2)
    pos_node = score.mean(axis=1)
    pos_score = jax.ops.segment_sum(pos_node, batch, num_segments=G) + 1e-8
    neg_score = jax.ops.segment_sum(1.0 - pos_node, batch, num_segments=G) + 1e-8
    # ---- Encoder GNN ----
    agg2 = jax.ops.segment_sum(x[src], dst, num_segments=N)
    node_feat = jax.nn.relu((x + agg2) @ Wg_enc)
    # ---- Vector quantization (nearest codebook, straight-through) ----
    d2 = (jnp.sum(node_feat ** 2, axis=1, keepdims=True)
          - 2.0 * node_feat @ codebook.T
          + jnp.sum(codebook ** 2, axis=1)[None, :])
    idx = jnp.argmin(d2, axis=1)
    quant = codebook[idx]
    cmt_loss = COMMIT * jnp.mean((node_feat - jax.lax.stop_gradient(quant)) ** 2)
    node_v = node_feat + jax.lax.stop_gradient(quant - node_feat)
    node_res = node_feat + node_v
    c_node = node_res * score
    s_node = node_res * (1.0 - score)
    # ---- global mean pool per graph ----
    cnt = jnp.maximum(jax.ops.segment_sum(jnp.ones((N,), jnp.float32), batch, num_segments=G), 1.0)[:, None]
    c_graph = jax.ops.segment_sum(c_node, batch, num_segments=G) / cnt
    s_graph = jax.ops.segment_sum(s_node, batch, num_segments=G) / cnt
    # ---- classifier: Linear -> BatchNorm -> ReLU -> Linear ----
    h = c_graph @ Wc1 + bc1
    mu = h.mean(axis=0)
    var = h.var(axis=0)
    h = (h - mu) / jnp.sqrt(var + 1e-5) * bn_gamma + bn_beta
    h = jax.nn.relu(h)
    c_logit = h @ Wc2 + bc2
    loss_reg = jnp.mean(jnp.abs(pos_score / (pos_score + neg_score) - GAMMA))
    return (c_logit, c_graph, s_graph, cmt_loss, loss_reg)

if __name__ == "__main__":
    import jax
    _d = setup_inputs()
    print(jax.jit(kernel)(*tuple(_d.values())))

</pallas_src>

<mosaic_0001>
#map = affine_map<(d0, d1) -> (0, 0)>
#map1 = affine_map<(d0, d1) -> (0)>
#map2 = affine_map<(d0, d1) -> (0, 0, 0)>
module attributes {stable_mosaic.version = 14 : i64} {
  func.func @_edge_agg_kernel(%arg0: i32, %arg1: i32, %arg2: memref<10000x128xf32, #tpu.memory_space<hbm>>, %arg3: memref<320000xi32, #tpu.memory_space<hbm>>, %arg4: memref<320000xi32, #tpu.memory_space<hbm>>, %arg5: memref<10240x128xf32, #tpu.memory_space<hbm>>, %arg6: memref<2x10240x128xf32, #tpu.memory_space<hbm>>, %arg7: memref<10x40xi32, #tpu.memory_space<vmem>>, %arg8: memref<10x40xi32, #tpu.memory_space<vmem>>, %arg9: memref<40x128xf32, #tpu.memory_space<vmem>>, %arg10: memref<40x128xf32, #tpu.memory_space<vmem>>, %arg11: memref<40x128xf32, #tpu.memory_space<vmem>>, %arg12: memref<40x128xf32, #tpu.memory_space<vmem>>, %arg13: memref<40x128xf32, #tpu.memory_space<vmem>>, %arg14: memref<10240x128xf32, #tpu.memory_space<vmem_shared>>, %arg15: memref<10x!tpu.dma_semaphore, #tpu.memory_space<semaphore_mem>>, %arg16: memref<5x!tpu.dma_semaphore, #tpu.memory_space<semaphore_mem>>, %arg17: memref<5x!tpu.dma_semaphore, #tpu.memory_space<semaphore_mem>>) attributes {dimension_semantics = [#tpu.dimension_semantics<core_parallel>, #tpu.dimension_semantics<subcore_parallel>], iteration_bounds = array<i64: 2, 16>, scalar_prefetch = 0 : i64, scratch_operands = 11 : i64, tpu.core_type = #tpu.core_type<sc_vector_subcore>, window_params = [{transform_indices = #map}, {transform_indices = #map1}, {transform_indices = #map1}, {transform_indices = #map}, {transform_indices = #map2}]} {
    %mul3A = arith.constant 16 : i32
    %mul3A_0 = arith.muli %arg0, %mul3A : i32
    %add3A = arith.addi %mul3A_0, %arg1 : i32
    %mul3A_1 = arith.constant 640 : i32
    %mul3A_2 = arith.muli %arg1, %mul3A_1 : i32
    %mul3A_3 = arith.constant 640 : i32
    %mul3A_4 = arith.muli %arg1, %mul3A_3 : i32
    "tpu.region"() ({
      %run_scoped3A = tpu.sem_alloc : memref<!tpu.dma_semaphore, #tpu.memory_space<semaphore_mem>>
      %dma_start3A_245 = arith.constant 0 : i32
      %dma_start3A_246 = tpu.memref_slice %arg14[%mul3A_4, %dma_start3A_245] : memref<10240x128xf32, #tpu.memory_space<vmem_shared>> -> memref<640x128xf32, #tpu.memory_space<vmem_shared>>
      %dma_start3A_247 = arith.constant 0 : i32
      %dma_start3A_248 = tpu.memref_slice %arg5[%mul3A_2, %dma_start3A_247] : memref<10240x128xf32, #tpu.memory_space<hbm>> -> memref<640x128xf32, #tpu.memory_space<hbm>>
      tpu.enqueue_dma source(%dma_start3A_248 : memref<640x128xf32, #tpu.memory_space<hbm>>) target(%dma_start3A_246 : memref<640x128xf32, #tpu.memory_space<vmem_shared>>) target_semaphore(%run_scoped3A : memref<!tpu.dma_semaphore, #tpu.memory_space<semaphore_mem>>)
      %dma_wait3A_249 = arith.constant 0 : i32
      %dma_wait3A_250 = tpu.memref_slice %arg14[%mul3A_4, %dma_wait3A_249] : memref<10240x128xf32, #tpu.memory_space<vmem_shared>> -> memref<640x128xf32, #tpu.memory_space<vmem_shared>>
      %dma_wait3A_251 = arith.constant 0 : i32
      %dma_wait3A_252 = tpu.memref_slice %arg5[%mul3A_2, %dma_wait3A_251] : memref<10240x128xf32, #tpu.memory_space<hbm>> -> memref<640x128xf32, #tpu.memory_space<hbm>>
      tpu.wait_dma2 semaphore(%run_scoped3A : memref<!tpu.dma_semaphore, #tpu.memory_space<semaphore_mem>>) src(%dma_wait3A_252 : memref<640x128xf32, #tpu.memory_space<hbm>>) dst(%dma_wait3A_250 : memref<640x128xf32, #tpu.memory_space<vmem_shared>>)
      tpu.yield
    }) : () -> ()
    %barrier3A = arith.constant 0 : index
    tpu.barrier barrier_id(%barrier3A)
    %mul3A_5 = arith.constant 10000 : i32
    %mul3A_6 = arith.muli %add3A, %mul3A_5 : i32
    %add3A_7 = arith.constant 0 : i32
    %add3A_8 = arith.addi %mul3A_6, %add3A_7 : i32
    %dma_start3A = arith.constant 0 : i32
    %dma_start3A_9 = arith.constant 0 : i32
    %dma_start3A_10 = arith.constant 0 : i32
    %dma_start3A_11 = tpu.memref_slice %arg7[%dma_start3A, %dma_start3A_10] : memref<10x40xi32, #tpu.memory_space<vmem>> -> memref<1x40xi32, #tpu.memory_space<vmem>>
    %dma_start3A_12 = tpu.memref_squeeze %dma_start3A_11 : memref<1x40xi32, #tpu.memory_space<vmem>> -> memref<40xi32, #tpu.memory_space<vmem>>
    %dma_start3A_13 = tpu.memref_slice %arg3[%add3A_8] : memref<320000xi32, #tpu.memory_space<hbm>> -> memref<40xi32, #tpu.memory_space<hbm>>
    %dma_start3A_14 = tpu.memref_slice %arg15[%dma_start3A_9] : memref<10x!tpu.dma_semaphore, #tpu.memory_space<semaphore_mem>> -> memref<1x!tpu.dma_semaphore, #tpu.memory_space<semaphore_mem>>
    %dma_start3A_15 = tpu.memref_squeeze %dma_start3A_14 : memref<1x!tpu.dma_semaphore, #tpu.memory_space<semaphore_mem>> -> memref<!tpu.dma_semaphore, #tpu.memory_space<semaphore_mem>>
    %dma_start3A_16 = arith.constant 0 : i32
    %dma_start3A_17 = tpu.memref_slice %arg7[%dma_start3A, %dma_start3A_16] : memref<10x40xi32, #tpu.memory_space<vmem>> -> memref<1x40xi32, #tpu.memory_space<vmem>>
    %dma_start3A_18 = tpu.memref_squeeze %dma_start3A_17 : memref<1x40xi32, #tpu.memory_space<vmem>> -> memref<40xi32, #tpu.memory_space<vmem>>
    %dma_start3A_19 = tpu.memref_slice %arg3[%add3A_8] : memref<320000xi32, #tpu.memory_space<hbm>> -> memref<40xi32, #tpu.memory_space<hbm>>
    tpu.enqueue_dma source(%dma_start3A_19 : memref<40xi32, #tpu.memory_space<hbm>>) target(%dma_start3A_18 : memref<40xi32, #tpu.memory_space<vmem>>) target_semaphore(%dma_start3A_15 : memref<!tpu.dma_semaphore, #tpu.memory_space<semaphore_mem>>)
    %dma_start3A_20 = arith.constant 0 : i32
    %dma_start3A_21 = arith.constant 0 : i32
    %dma_start3A_22 = arith.constant 0 : i32
    %dma_start3A_23 = tpu.memref_slice %arg8[%dma_start3A_20, %dma_start3A_22] : memref<10x40xi32, #tpu.memory_space<vmem>> -> memref<1x40xi32, #tpu.memory_space<vmem>>
    %dma_start3A_24 = tpu.memref_squeeze %dma_start3A_23 : memref<1x40xi32, #tpu.memory_space<vmem>> -> memref<40xi32, #tpu.memory_space<vmem>>
    %dma_start3A_25 = tpu.memref_slice %arg4[%add3A_8] : memref<320000xi32, #tpu.memory_space<hbm>> -> memref<40xi32, #tpu.memory_space<hbm>>
    %dma_start3A_26 = tpu.memref_slice %arg15[%dma_start3A_21] : memref<10x!tpu.dma_semaphore, #tpu.memory_space<semaphore_mem>> -> memref<1x!tpu.dma_semaphore, #tpu.memory_space<semaphore_mem>>
    %dma_start3A_27 = tpu.memref_squeeze %dma_start3A_26 : memref<1x!tpu.dma_semaphore, #tpu.memory_space<semaphore_mem>> -> memref<!tpu.dma_semaphore, #tpu.memory_space<semaphore_mem>>
    %dma_start3A_28 = arith.constant 0 : i32
    %dma_start3A_29 = tpu.memref_slice %arg8[%dma_start3A_20, %dma_start3A_28] : memref<10x40xi32, #tpu.memory_space<vmem>> -> memref<1x40xi32, #tpu.memory_space<vmem>>
    %dma_start3A_30 = tpu.memref_squeeze %dma_start3A_29 : memref<1x40xi32, #tpu.memory_space<vmem>> -> memref<40xi32, #tpu.memory_space<vmem>>
    %dma_start3A_31 = tpu.memref_slice %arg4[%add3A_8] : memref<320000xi32, #tpu.memory_space<hbm>> -> memref<40xi32, #tpu.memory_space<hbm>>
    tpu.enqueue_dma source(%dma_start3A_31 : memref<40xi32, #tpu.memory_space<hbm>>) target(%dma_start3A_30 : memref<40xi32, #tpu.memory_space<vmem>>) target_semaphore(%dma_start3A_27 : memref<!tpu.dma_semaphore, #tpu.memory_space<semaphore_mem>>)
    %add3A_32 = arith.constant 40 : i32
    %add3A_33 = arith.addi %mul3A_6, %add3A_32 : i32
    %dma_start3A_34 = arith.constant 1 : i32
    %dma_start3A_35 = arith.constant 1 : i32
    %dma_start3A_36 = arith.constant 0 : i32
    %dma_start3A_37 = tpu.memref_slice %arg7[%dma_start3A_34, %dma_start3A_36] : memref<10x40xi32, #tpu.memory_space<vmem>> -> memref<1x40xi32, #tpu.memory_space<vmem>>
    %dma_start3A_38 = tpu.memref_squeeze %dma_start3A_37 : memref<1x40xi32, #tpu.memory_space<vmem>> -> memref<40xi32, #tpu.memory_space<vmem>>
    %dma_start3A_39 = tpu.memref_slice %arg3[%add3A_33] : memref<320000xi32, #tpu.memory_space<hbm>> -> memref<40xi32, #tpu.memory_space<hbm>>
    %dma_start3A_40 = tpu.memref_slice %arg15[%dma_start3A_35] : memref<10x!tpu.dma_semaphore, #tpu.memory_space<semaphore_mem>> -> memref<1x!tpu.dma_semaphore, #tpu.memory_space<semaphore_mem>>
    %dma_start3A_41 = tpu.memref_squeeze %dma_start3A_40 : memref<1x!tpu.dma_semaphore, #tpu.memory_space<semaphore_mem>> -> memref<!tpu.dma_semaphore, #tpu.memory_space<semaphore_mem>>
    %dma_start3A_42 = arith.constant 0 : i32
    %dma_start3A_43 = tpu.memref_slice %arg7[%dma_start3A_34, %dma_start3A_42] : memref<10x40xi32, #tpu.memory_space<vmem>> -> memref<1x40xi32, #tpu.memory_space<vmem>>
    %dma_start3A_44 = tpu.memref_squeeze %dma_start3A_43 : memref<1x40xi32, #tpu.memory_space<vmem>> -> memref<40xi32, #tpu.memory_space<vmem>>
    %dma_start3A_45 = tpu.memref_slice %arg3[%add3A_33] : memref<320000xi32, #tpu.memory_space<hbm>> -> memref<40xi32, #tpu.memory_space<hbm>>
    tpu.enqueue_dma source(%dma_start3A_45 : memref<40xi32, #tpu.memory_space<hbm>>) target(%dma_start3A_44 : memref<40xi32, #tpu.memory_space<vmem>>) target_semaphore(%dma_start3A_41 : memref<!tpu.dma_semaphore, #tpu.memory_space<semaphore_mem>>)
    %dma_start3A_46 = arith.constant 1 : i32
    %dma_start3A_47 = arith.constant 1 : i32
    %dma_start3A_48 = arith.constant 0 : i32
    %dma_start3A_49 = tpu.memref_slice %arg8[%dma_start3A_46, %dma_start3A_48] : memref<10x40xi32, #tpu.memory_space<vmem>> -> memref<1x40xi32, #tpu.memory_space<vmem>>
    %dma_start3A_50 = tpu.memref_squeeze %dma_start3A_49 : memref<1x40xi32, #tpu.memory_space<vmem>> -> memref<40xi32, #tpu.memory_space<vmem>>
    %dma_start3A_51 = tpu.memref_slice %arg4[%add3A_33] : memref<320000xi32, #tpu.memory_space<hbm>> -> memref<40xi32, #tpu.memory_space<hbm>>
    %dma_start3A_52 = tpu.memref_slice %arg15[%dma_start3A_47] : memref<10x!tpu.dma_semaphore, #tpu.memory_space<semaphore_mem>> -> memref<1x!tpu.dma_semaphore, #tpu.memory_space<semaphore_mem>>
    %dma_start3A_53 = tpu.memref_squeeze %dma_start3A_52 : memref<1x!tpu.dma_semaphore, #tpu.memory_space<semaphore_mem>> -> memref<!tpu.dma_semaphore, #tpu.memory_space<semaphore_mem>>
    %dma_start3A_54 = arith.constant 0 : i32
    %dma_start3A_55 = tpu.memref_slice %arg8[%dma_start3A_46, %dma_start3A_54] : memref<10x40xi32, #tpu.memory_space<vmem>> -> memref<1x40xi32, #tpu.memory_space<vmem>>
    %dma_start3A_56 = tpu.memref_squeeze %dma_start3A_55 : memref<1x40xi32, #tpu.memory_space<vmem>> -> memref<40xi32, #tpu.memory_space<vmem>>
    %dma_start3A_57 = tpu.memref_slice %arg4[%add3A_33] : memref<320000xi32, #tpu.memory_space<hbm>> -> memref<40xi32, #tpu.memory_space<hbm>>
    tpu.enqueue_dma source(%dma_start3A_57 : memref<40xi32, #tpu.memory_space<hbm>>) target(%dma_start3A_56 : memref<40xi32, #tpu.memory_space<vmem>>) target_semaphore(%dma_start3A_53 : memref<!tpu.dma_semaphore, #tpu.memory_space<semaphore_mem>>)
    %add3A_58 = arith.constant 80 : i32
    %add3A_59 = arith.addi %mul3A_6, %add3A_58 : i32
    %dma_start3A_60 = arith.constant 2 : i32
    %dma_start3A_61 = arith.constant 2 : i32
    %dma_start3A_62 = arith.constant 0 : i32
    %dma_start3A_63 = tpu.memref_slice %arg7[%dma_start3A_60, %dma_start3A_62] : memref<10x40xi32, #tpu.memory_space<vmem>> -> memref<1x40xi32, #tpu.memory_space<vmem>>
    %dma_start3A_64 = tpu.memref_squeeze %dma_start3A_63 : memref<1x40xi32, #tpu.memory_space<vmem>> -> memref<40xi32, #tpu.memory_space<vmem>>
    %dma_start3A_65 = tpu.memref_slice %arg3[%add3A_59] : memref<320000xi32, #tpu.memory_space<hbm>> -> memref<40xi32, #tpu.memory_space<hbm>>
    %dma_start3A_66 = tpu.memref_slice %arg15[%dma_start3A_61] : memref<10x!tpu.dma_semaphore, #tpu.memory_space<semaphore_mem>> -> memref<1x!tpu.dma_semaphore, #tpu.memory_space<semaphore_mem>>
    %dma_start3A_67 = tpu.memref_squeeze %dma_start3A_66 : memref<1x!tpu.dma_semaphore, #tpu.memory_space<semaphore_mem>> -> memref<!tpu.dma_semaphore, #tpu.memory_space<semaphore_mem>>
    %dma_start3A_68 = arith.constant 0 : i32
    %dma_start3A_69 = tpu.memref_slice %arg7[%dma_start3A_60, %dma_start3A_68] : memref<10x40xi32, #tpu.memory_space<vmem>> -> memref<1x40xi32, #tpu.memory_space<vmem>>
    %dma_start3A_70 = tpu.memref_squeeze %dma_start3A_69 : memref<1x40xi32, #tpu.memory_space<vmem>> -> memref<40xi32, #tpu.memory_space<vmem>>
    %dma_start3A_71 = tpu.memref_slice %arg3[%add3A_59] : memref<320000xi32, #tpu.memory_space<hbm>> -> memref<40xi32, #tpu.memory_space<hbm>>
    tpu.enqueue_dma source(%dma_start3A_71 : memref<40xi32, #tpu.memory_space<hbm>>) target(%dma_start3A_70 : memref<40xi32, #tpu.memory_space<vmem>>) target_semaphore(%dma_start3A_67 : memref<!tpu.dma_semaphore, #tpu.memory_space<semaphore_mem>>)
    %dma_start3A_72 = arith.constant 2 : i32
    %dma_start3A_73 = arith.constant 2 : i32
    %dma_start3A_74 = arith.constant 0 : i32
    %dma_start3A_75 = tpu.memref_slice %arg8[%dma_start3A_72, %dma_start3A_74] : memref<10x40xi32, #tpu.memory_space<vmem>> -> memref<1x40xi32, #tpu.memory_space<vmem>>
    %dma_start3A_76 = tpu.memref_squeeze %dma_start3A_75 : memref<1x40xi32, #tpu.memory_space<vmem>> -> memref<40xi32, #tpu.memory_space<vmem>>
    %dma_start3A_77 = tpu.memref_slice %arg4[%add3A_59] : memref<320000xi32, #tpu.memory_space<hbm>> -> memref<40xi32, #tpu.memory_space<hbm>>
    %dma_start3A_78 = tpu.memref_slice %arg15[%dma_start3A_73] : memref<10x!tpu.dma_semaphore, #tpu.memory_space<semaphore_mem>> -> memref<1x!tpu.dma_semaphore, #tpu.memory_space<semaphore_mem>>
    %dma_start3A_79 = tpu.memref_squeeze %dma_start3A_78 : memref<1x!tpu.dma_semaphore, #tpu.memory_space<semaphore_mem>> -> memref<!tpu.dma_semaphore, #tpu.memory_space<semaphore_mem>>
    %dma_start3A_80 = arith.constant 0 : i32
    %dma_start3A_81 = tpu.memref_slice %arg8[%dma_start3A_72, %dma_start3A_80] : memref<10x40xi32, #tpu.memory_space<vmem>> -> memref<1x40xi32, #tpu.memory_space<vmem>>
    %dma_start3A_82 = tpu.memref_squeeze %dma_start3A_81 : memref<1x40xi32, #tpu.memory_space<vmem>> -> memref<40xi32, #tpu.memory_space<vmem>>
    %dma_start3A_83 = tpu.memref_slice %arg4[%add3A_59] : memref<320000xi32, #tpu.memory_space<hbm>> -> memref<40xi32, #tpu.memory_space<hbm>>
    tpu.enqueue_dma source(%dma_start3A_83 : memref<40xi32, #tpu.memory_space<hbm>>) target(%dma_start3A_82 : memref<40xi32, #tpu.memory_space<vmem>>) target_semaphore(%dma_start3A_79 : memref<!tpu.dma_semaphore, #tpu.memory_space<semaphore_mem>>)
    %add3A_84 = arith.constant 120 : i32
    %add3A_85 = arith.addi %mul3A_6, %add3A_84 : i32
    %dma_start3A_86 = arith.constant 3 : i32
    %dma_start3A_87 = arith.constant 3 : i32
    %dma_start3A_88 = arith.constant 0 : i32
    %dma_start3A_89 = tpu.memref_slice %arg7[%dma_start3A_86, %dma_start3A_88] : memref<10x40xi32, #tpu.memory_space<vmem>> -> memref<1x40xi32, #tpu.memory_space<vmem>>
    %dma_start3A_90 = tpu.memref_squeeze %dma_start3A_89 : memref<1x40xi32, #tpu.memory_space<vmem>> -> memref<40xi32, #tpu.memory_space<vmem>>
    %dma_start3A_91 = tpu.memref_slice %arg3[%add3A_85] : memref<320000xi32, #tpu.memory_space<hbm>> -> memref<40xi32, #tpu.memory_space<hbm>>
    %dma_start3A_92 = tpu.memref_slice %arg15[%dma_start3A_87] : memref<10x!tpu.dma_semaphore, #tpu.memory_space<semaphore_mem>> -> memref<1x!tpu.dma_semaphore, #tpu.memory_space<semaphore_mem>>
    %dma_start3A_93 = tpu.memref_squeeze %dma_start3A_92 : memref<1x!tpu.dma_semaphore, #tpu.memory_space<semaphore_mem>> -> memref<!tpu.dma_semaphore, #tpu.memory_space<semaphore_mem>>
    %dma_start3A_94 = arith.constant 0 : i32
    %dma_start3A_95 = tpu.memref_slice %arg7[%dma_start3A_86, %dma_start3A_94] : memref<10x40xi32, #tpu.memory_space<vmem>> -> memref<1x40xi32, #tpu.memory_space<vmem>>
    %dma_start3A_96 = tpu.memref_squeeze %dma_start3A_95 : memref<1x40xi32, #tpu.memory_space<vmem>> -> memref<40xi32, #tpu.memory_space<vmem>>
    %dma_start3A_97 = tpu.memref_slice %arg3[%add3A_85] : memref<320000xi32, #tpu.memory_space<hbm>> -> memref<40xi32, #tpu.memory_space<hbm>>
    tpu.enqueue_dma source(%dma_start3A_97 : memref<40xi32, #tpu.memory_space<hbm>>) target(%dma_start3A_96 : memref<40xi32, #tpu.memory_space<vmem>>) target_semaphore(%dma_start3A_93 : memref<!tpu.dma_semaphore, #tpu.memory_space<semaphore_mem>>)
    %dma_start3A_98 = arith.constant 3 : i32
    %dma_start3A_99 = arith.constant 3 : i32
    %dma_start3A_100 = arith.constant 0 : i32
    %dma_start3A_101 = tpu.memref_slice %arg8[%dma_start3A_98, %dma_start3A_100] : memref<10x40xi32, #tpu.memory_space<vmem>> -> memref<1x40xi32, #tpu.memory_space<vmem>>
    %dma_start3A_102 = tpu.memref_squeeze %dma_start3A_101 : memref<1x40xi32, #tpu.memory_space<vmem>> -> memref<40xi32, #tpu.memory_space<vmem>>
    %dma_start3A_103 = tpu.memref_slice %arg4[%add3A_85] : memref<320000xi32, #tpu.memory_space<hbm>> -> memref<40xi32, #tpu.memory_space<hbm>>
    %dma_start3A_104 = tpu.memref_slice %arg15[%dma_start3A_99] : memref<10x!tpu.dma_semaphore, #tpu.memory_space<semaphore_mem>> -> memref<1x!tpu.dma_semaphore, #tpu.memory_space<semaphore_mem>>
    %dma_start3A_105 = tpu.memref_squeeze %dma_start3A_104 : memref<1x!tpu.dma_semaphore, #tpu.memory_space<semaphore_mem>> -> memref<!tpu.dma_semaphore, #tpu.memory_space<semaphore_mem>>
    %dma_start3A_106 = arith.constant 0 : i32
    %dma_start3A_107 = tpu.memref_slice %arg8[%dma_start3A_98, %dma_start3A_106] : memref<10x40xi32, #tpu.memory_space<vmem>> -> memref<1x40xi32, #tpu.memory_space<vmem>>
    %dma_start3A_108 = tpu.memref_squeeze %dma_start3A_107 : memref<1x40xi32, #tpu.memory_space<vmem>> -> memref<40xi32, #tpu.memory_space<vmem>>
    %dma_start3A_109 = tpu.memref_slice %arg4[%add3A_85] : memref<320000xi32, #tpu.memory_space<hbm>> -> memref<40xi32, #tpu.memory_space<hbm>>
    tpu.enqueue_dma source(%dma_start3A_109 : memref<40xi32, #tpu.memory_space<hbm>>) target(%dma_start3A_108 : memref<40xi32, #tpu.memory_space<vmem>>) target_semaphore(%dma_start3A_105 : memref<!tpu.dma_semaphore, #tpu.memory_space<semaphore_mem>>)
    %dma_wait3A = arith.constant 0 : i32
    %dma_wait3A_110 = arith.constant 0 : i32
    %dma_wait3A_111 = arith.constant 0 : i32
    %dma_wait3A_112 = tpu.memref_slice %arg7[%dma_wait3A, %dma_wait3A_111] : memref<10x40xi32, #tpu.memory_space<vmem>> -> memref<1x40xi32, #tpu.memory_space<vmem>>
    %dma_wait3A_113 = tpu.memref_squeeze %dma_wait3A_112 : memref<1x40xi32, #tpu.memory_space<vmem>> -> memref<40xi32, #tpu.memory_space<vmem>>
    %dma_wait3A_114 = arith.constant 0 : i32
    %dma_wait3A_115 = tpu.memref_slice %arg3[%dma_wait3A_114] : memref<320000xi32, #tpu.memory_space<hbm>> -> memref<40xi32, #tpu.memory_space<hbm>>
    %dma_wait3A_116 = tpu.memref_slice %arg15[%dma_wait3A_110] : memref<10x!tpu.dma_semaphore, #tpu.memory_space<semaphore_mem>> -> memref<1x!tpu.dma_semaphore, #tpu.memory_space<semaphore_mem>>
    %dma_wait3A_117 = tpu.memref_squeeze %dma_wait3A_116 : memref<1x!tpu.dma_semaphore, #tpu.memory_space<semaphore_mem>> -> memref<!tpu.dma_semaphore, #tpu.memory_space<semaphore_mem>>
    %dma_wait3A_118 = arith.constant 0 : i32
    %dma_wait3A_119 = tpu.memref_slice %arg7[%dma_wait3A, %dma_wait3A_118] : memref<10x40xi32, #tpu.memory_space<vmem>> -> memref<1x40xi32, #tpu.memory_space<vmem>>
    %dma_wait3A_120 = tpu.memref_squeeze %dma_wait3A_119 : memref<1x40xi32, #tpu.memory_space<vmem>> -> memref<40xi32, #tpu.memory_space<vmem>>
    %dma_wait3A_121 = arith.constant 0 : i32
    %dma_wait3A_122 = tpu.memref_slice %arg3[%dma_wait3A_121] : memref<320000xi32, #tpu.memory_space<hbm>> -> memref<40xi32, #tpu.memory_space<hbm>>
    tpu.wait_dma2 semaphore(%dma_wait3A_117 : memref<!tpu.dma_semaphore, #tpu.memory_space<semaphore_mem>>) src(%dma_wait3A_122 : memref<40xi32, #tpu.memory_space<hbm>>) dst(%dma_wait3A_120 : memref<40xi32, #tpu.memory_space<vmem>>)
    %dma_wait3A_123 = arith.constant 0 : i32
    %dma_wait3A_124 = arith.constant 0 : i32
    %dma_wait3A_125 = arith.constant 0 : i32
    %dma_wait3A_126 = tpu.memref_slice %arg8[%dma_wait3A_123, %dma_wait3A_125] : memref<10x40xi32, #tpu.memory_space<vmem>> -> memref<1x40xi32, #tpu.memory_space<vmem>>
    %dma_wait3A_127 = tpu.memref_squeeze %dma_wait3A_126 : memref<1x40xi32, #tpu.memory_space<vmem>> -> memref<40xi32, #tpu.memory_space<vmem>>
    %dma_wait3A_128 = arith.constant 0 : i32
    %dma_wait3A_129 = tpu.memref_slice %arg4[%dma_wait3A_128] : memref<320000xi32, #tpu.memory_space<hbm>> -> memref<40xi32, #tpu.memory_space<hbm>>
    %dma_wait3A_130 = tpu.memref_slice %arg15[%dma_wait3A_124] : memref<10x!tpu.dma_semaphore, #tpu.memory_space<semaphore_mem>> -> memref<1x!tpu.dma_semaphore, #tpu.memory_space<semaphore_mem>>
    %dma_wait3A_131 = tpu.memref_squeeze %dma_wait3A_130 : memref<1x!tpu.dma_semaphore, #tpu.memory_space<semaphore_mem>> -> memref<!tpu.dma_semaphore, #tpu.memory_space<semaphore_mem>>
    %dma_wait3A_132 = arith.constant 0 : i32
    %dma_wait3A_133 = tpu.memref_slice %arg8[%dma_wait3A_123, %dma_wait3A_132] : memref<10x40xi32, #tpu.memory_space<vmem>> -> memref<1x40xi32, #tpu.memory_space<vmem>>
    %dma_wait3A_134 = tpu.memref_squeeze %dma_wait3A_133 : memref<1x40xi32, #tpu.memory_space<vmem>> -> memref<40xi32, #tpu.memory_space<vmem>>
    %dma_wait3A_135 = arith.constant 0 : i32
    %dma_wait3A_136 = tpu.memref_slice %arg4[%dma_wait3A_135] : memref<320000xi32, #tpu.memory_space<hbm>> -> memref<40xi32, #tpu.memory_space<hbm>>
    tpu.wait_dma2 semaphore(%dma_wait3A_131 : memref<!tpu.dma_semaphore, #tpu.memory_space<semaphore_mem>>) src(%dma_wait3A_136 : memref<40xi32, #tpu.memory_space<hbm>>) dst(%dma_wait3A_134 : memref<40xi32, #tpu.memory_space<vmem>>)
    %dma_start3A_137 = arith.constant 0 : i32
    %dma_start3A_138 = arith.constant 0 : i32
    %dma_start3A_139 = arith.constant 0 : i32
    %dma_start3A_140 = tpu.memref_slice %arg7[%dma_start3A_137, %dma_start3A_139] : memref<10x40xi32, #tpu.memory_space<vmem>> -> memref<1x40xi32, #tpu.memory_space<vmem>>
    %dma_start3A_141 = tpu.memref_squeeze %dma_start3A_140 : memref<1x40xi32, #tpu.memory_space<vmem>> -> memref<40xi32, #tpu.memory_space<vmem>>
    %dma_start3A_142 = arith.constant 0 : i32
    %dma_start3A_143 = arith.constant 0 : i32
    %dma_start3A_144 = tpu.memref_slice %arg2[%dma_start3A_142, %dma_start3A_143] : memref<10000x128xf32, #tpu.memory_space<hbm>> -> memref<10000x128xf32, #tpu.memory_space<hbm>>
    %dma_start3A_145 = tpu.memref_slice %arg16[%dma_start3A_138] : memref<5x!tpu.dma_semaphore, #tpu.memory_space<semaphore_mem>> -> memref<1x!tpu.dma_semaphore, #tpu.memory_space<semaphore_mem>>
    %dma_start3A_146 = tpu.memref_squeeze %dma_start3A_145 : memref<1x!tpu.dma_semaphore, #tpu.memory_space<semaphore_mem>> -> memref<!tpu.dma_semaphore, #tpu.memory_space<semaphore_mem>>
    tpu.enqueue_indirect_dma source(%dma_start3A_144 : memref<10000x128xf32, #tpu.memory_space<hbm>>) target(%arg9 : memref<40x128xf32, #tpu.memory_space<vmem>>) offsets(%dma_start3A_141 : memref<40xi32, #tpu.memory_space<vmem>>) semaphore(%dma_start3A_146 : memref<!tpu.dma_semaphore, #tpu.memory_space<semaphore_mem>>)
    %dma_wait3A_147 = arith.constant 1 : i32
    %dma_wait3A_148 = arith.constant 1 : i32
    %dma_wait3A_149 = arith.constant 0 : i32
    %dma_wait3A_150 = tpu.memref_slice %arg7[%dma_wait3A_147, %dma_wait3A_149] : memref<10x40xi32, #tpu.memory_space<vmem>> -> memref<1x40xi32, #tpu.memory_space<vmem>>
    %dma_wait3A_151 = tpu.memref_squeeze %dma_wait3A_150 : memref<1x40xi32, #tpu.memory_space<vmem>> -> memref<40xi32, #tpu.memory_space<vmem>>
    %dma_wait3A_152 = arith.constant 0 : i32
    %dma_wait3A_153 = tpu.memref_slice %arg3[%dma_wait3A_152] : memref<320000xi32, #tpu.memory_space<hbm>> -> memref<40xi32, #tpu.memory_space<hbm>>
    %dma_wait3A_154 = tpu.memref_slice %arg15[%dma_wait3A_148] : memref<10x!tpu.dma_semaphore, #tpu.memory_space<semaphore_mem>> -> memref<1x!tpu.dma_semaphore, #tpu.memory_space<semaphore_mem>>
    %dma_wait3A_155 = tpu.memref_squeeze %dma_wait3A_154 : memref<1x!tpu.dma_semaphore, #tpu.memory_space<semaphore_mem>> -> memref<!tpu.dma_semaphore, #tpu.memory_space<semaphore_mem>>
    %dma_wait3A_156 = arith.constant 0 : i32
    %dma_wait3A_157 = tpu.memref_slice %arg7[%dma_wait3A_147, %dma_wait3A_156] : memref<10x40xi32, #tpu.memory_space<vmem>> -> memref<1x40xi32, #tpu.memory_space<vmem>>
    %dma_wait3A_158 = tpu.memref_squeeze %dma_wait3A_157 : memref<1x40xi32, #tpu.memory_space<vmem>> -> memref<40xi32, #tpu.memory_space<vmem>>
    %dma_wait3A_159 = arith.constant 0 : i32
    %dma_wait3A_160 = tpu.memref_slice %arg3[%dma_wait3A_159] : memref<320000xi32, #tpu.memory_space<hbm>> -> memref<40xi32, #tpu.memory_space<hbm>>
    tpu.wait_dma2 semaphore(%dma_wait3A_155 : memref<!tpu.dma_semaphore, #tpu.memory_space<semaphore_mem>>) src(%dma_wait3A_160 : memref<40xi32, #tpu.memory_space<hbm>>) dst(%dma_wait3A_158 : memref<40xi32, #tpu.memory_space<vmem>>)
    %dma_wait3A_161 = arith.constant 1 : i32
    %dma_wait3A_162 = arith.constant 1 : i32
    %dma_wait3A_163 = arith.constant 0 : i32
    %dma_wait3A_164 = tpu.memref_slice %arg8[%dma_wait3A_161, %dma_wait3A_163] : memref<10x40xi32, #tpu.memory_space<vmem>> -> memref<1x40xi32, #tpu.memory_space<vmem>>
    %dma_wait3A_165 = tpu.memref_squeeze %dma_wait3A_164 : memref<1x40xi32, #tpu.memory_space<vmem>> -> memref<40xi32, #tpu.memory_space<vmem>>
    %dma_wait3A_166 = arith.constant 0 : i32
    %dma_wait3A_167 = tpu.memref_slice %arg4[%dma_wait3A_166] : memref<320000xi32, #tpu.memory_space<hbm>> -> memref<40xi32, #tpu.memory_space<hbm>>
    %dma_wait3A_168 = tpu.memref_slice %arg15[%dma_wait3A_162] : memref<10x!tpu.dma_semaphore, #tpu.memory_space<semaphore_mem>> -> memref<1x!tpu.dma_semaphore, #tpu.memory_space<semaphore_mem>>
    %dma_wait3A_169 = tpu.memref_squeeze %dma_wait3A_168 : memref<1x!tpu.dma_semaphore, #tpu.memory_space<semaphore_mem>> -> memref<!tpu.dma_semaphore, #tpu.memory_space<semaphore_mem>>
    %dma_wait3A_170 = arith.constant 0 : i32
    %dma_wait3A_171 = tpu.memref_slice %arg8[%dma_wait3A_161, %dma_wait3A_170] : memref<10x40xi32, #tpu.memory_space<vmem>> -> memref<1x40xi32, #tpu.memory_space<vmem>>
    %dma_wait3A_172 = tpu.memref_squeeze %dma_wait3A_171 : memref<1x40xi32, #tpu.memory_space<vmem>> -> memref<40xi32, #tpu.memory_space<vmem>>
    %dma_wait3A_173 = arith.constant 0 : i32
    %dma_wait3A_174 = tpu.memref_slice %arg4[%dma_wait3A_173] : memref<320000xi32, #tpu.memory_space<hbm>> -> memref<40xi32, #tpu.memory_space<hbm>>
    tpu.wait_dma2 semaphore(%dma_wait3A_169 : memref<!tpu.dma_semaphore, #tpu.memory_space<semaphore_mem>>) src(%dma_wait3A_174 : memref<40xi32, #tpu.memory_space<hbm>>) dst(%dma_wait3A_172 : memref<40xi32, #tpu.memory_space<vmem>>)
    %dma_start3A_175 = arith.constant 1 : i32
    %dma_start3A_176 = arith.constant 1 : i32
    %dma_start3A_177 = arith.constant 0 : i32
    %dma_start3A_178 = tpu.memref_slice %arg7[%dma_start3A_175, %dma_start3A_177] : memref<10x40xi32, #tpu.memory_space<vmem>> -> memref<1x40xi32, #tpu.memory_space<vmem>>
    %dma_start3A_179 = tpu.memref_squeeze %dma_start3A_178 : memref<1x40xi32, #tpu.memory_space<vmem>> -> memref<40xi32, #tpu.memory_space<vmem>>
    %dma_start3A_180 = arith.constant 0 : i32
    %dma_start3A_181 = arith.constant 0 : i32
    %dma_start3A_182 = tpu.memref_slice %arg2[%dma_start3A_180, %dma_start3A_181] : memref<10000x128xf32, #tpu.memory_space<hbm>> -> memref<10000x128xf32, #tpu.memory_space<hbm>>
    %dma_start3A_183 = tpu.memref_slice %arg16[%dma_start3A_176] : memref<5x!tpu.dma_semaphore, #tpu.memory_space<semaphore_mem>> -> memref<1x!tpu.dma_semaphore, #tpu.memory_space<semaphore_mem>>
    %dma_start3A_184 = tpu.memref_squeeze %dma_start3A_183 : memref<1x!tpu.dma_semaphore, #tpu.memory_space<semaphore_mem>> -> memref<!tpu.dma_semaphore, #tpu.memory_space<semaphore_mem>>
    tpu.enqueue_indirect_dma source(%dma_start3A_182 : memref<10000x128xf32, #tpu.memory_space<hbm>>) target(%arg10 : memref<40x128xf32, #tpu.memory_space<vmem>>) offsets(%dma_start3A_179 : memref<40xi32, #tpu.memory_space<vmem>>) semaphore(%dma_start3A_184 : memref<!tpu.dma_semaphore, #tpu.memory_space<semaphore_mem>>)
    %scan3A = arith.constant 0 : i32
    %scan3A_185 = arith.constant 0 : i32
    %scan3A_186 = arith.constant 25 : i32
    %scan3A_187 = arith.addi %scan3A_185, %scan3A_186 : i32
    %scan3A_188 = arith.constant 1 : i32
    scf.for %scan3A_245 = %scan3A_185 to %scan3A_187 step %scan3A_188  : i32 {
      %mul3A_246 = arith.constant 10 : i32
      %mul3A_247 = arith.muli %scan3A_245, %mul3A_246 : i32
      %add3A_248 = arith.constant 0 : i32
      %add3A_249 = arith.addi %mul3A_247, %add3A_248 : i32
      %add3A_250 = arith.constant 4 : i32
      %add3A_251 = arith.addi %add3A_249, %add3A_250 : i32
      %mul3A_252 = arith.constant 40 : i32
      %mul3A_253 = arith.muli %add3A_251, %mul3A_252 : i32
      %add3A_254 = arith.addi %mul3A_6, %mul3A_253 : i32
      %dma_start3A_255 = arith.constant 4 : i32
      %dma_start3A_256 = arith.constant 4 : i32
      %dma_start3A_257 = arith.constant 0 : i32
      %dma_start3A_258 = tpu.memref_slice %arg7[%dma_start3A_255, %dma_start3A_257] : memref<10x40xi32, #tpu.memory_space<vmem>> -> memref<1x40xi32, #tpu.memory_space<vmem>>
      %dma_start3A_259 = tpu.memref_squeeze %dma_start3A_258 : memref<1x40xi32, #tpu.memory_space<vmem>> -> memref<40xi32, #tpu.memory_space<vmem>>
      %dma_start3A_260 = tpu.memref_slice %arg3[%add3A_254] : memref<320000xi32, #tpu.memory_space<hbm>> -> memref<40xi32, #tpu.memory_space<hbm>>
      %dma_start3A_261 = tpu.memref_slice %arg15[%dma_start3A_256] : memref<10x!tpu.dma_semaphore, #tpu.memory_space<semaphore_mem>> -> memref<1x!tpu.dma_semaphore, #tpu.memory_space<semaphore_mem>>
      %dma_start3A_262 = tpu.memref_squeeze %dma_start3A_261 : memref<1x!tpu.dma_semaphore, #tpu.memory_space<semaphore_mem>> -> memref<!tpu.dma_semaphore, #tpu.memory_space<semaphore_mem>>
      %dma_start3A_263 = arith.constant 0 : i32
      %dma_start3A_264 = tpu.memref_slice %arg7[%dma_start3A_255, %dma_start3A_263] : memref<10x40xi32, #tpu.memory_space<vmem>> -> memref<1x40xi32, #tpu.memory_space<vmem>>
      %dma_start3A_265 = tpu.memref_squeeze %dma_start3A_264 : memref<1x40xi32, #tpu.memory_space<vmem>> -> memref<40xi32, #tpu.memory_space<vmem>>
      %dma_start3A_266 = tpu.memref_slice %arg3[%add3A_254] : memref<320000xi32, #tpu.memory_space<hbm>> -> memref<40xi32, #tpu.memory_space<hbm>>
      tpu.enqueue_dma source(%dma_start3A_266 : memref<40xi32, #tpu.memory_space<hbm>>) target(%dma_start3A_265 : memref<40xi32, #tpu.memory_space<vmem>>) target_semaphore(%dma_start3A_262 : memref<!tpu.dma_semaphore, #tpu.memory_space<semaphore_mem>>)
      %dma_start3A_267 = arith.constant 4 : i32
      %dma_start3A_268 = arith.constant 4 : i32
      %dma_start3A_269 = arith.constant 0 : i32
      %dma_start3A_270 = tpu.memref_slice %arg8[%dma_start3A_267, %dma_start3A_269] : memref<10x40xi32, #tpu.memory_space<vmem>> -> memref<1x40xi32, #tpu.memory_space<vmem>>
      %dma_start3A_271 = tpu.memref_squeeze %dma_start3A_270 : memref<1x40xi32, #tpu.memory_space<vmem>> -> memref<40xi32, #tpu.memory_space<vmem>>
      %dma_start3A_272 = tpu.memref_slice %arg4[%add3A_254] : memref<320000xi32, #tpu.memory_space<hbm>> -> memref<40xi32, #tpu.memory_space<hbm>>
      %dma_start3A_273 = tpu.memref_slice %arg15[%dma_start3A_268] : memref<10x!tpu.dma_semaphore, #tpu.memory_space<semaphore_mem>> -> memref<1x!tpu.dma_semaphore, #tpu.memory_space<semaphore_mem>>
      %dma_start3A_274 = tpu.memref_squeeze %dma_start3A_273 : memref<1x!tpu.dma_semaphore, #tpu.memory_space<semaphore_mem>> -> memref<!tpu.dma_semaphore, #tpu.memory_space<semaphore_mem>>
      %dma_start3A_275 = arith.constant 0 : i32
      %dma_start3A_276 = tpu.memref_slice %arg8[%dma_start3A_267, %dma_start3A_275] : memref<10x40xi32, #tpu.memory_space<vmem>> -> memref<1x40xi32, #tpu.memory_space<vmem>>
      %dma_start3A_277 = tpu.memref_squeeze %dma_start3A_276 : memref<1x40xi32, #tpu.memory_space<vmem>> -> memref<40xi32, #tpu.memory_space<vmem>>
      %dma_start3A_278 = tpu.memref_slice %arg4[%add3A_254] : memref<320000xi32, #tpu.memory_space<hbm>> -> memref<40xi32, #tpu.memory_space<hbm>>
      tpu.enqueue_dma source(%dma_start3A_278 : memref<40xi32, #tpu.memory_space<hbm>>) target(%dma_start3A_277 : memref<40xi32, #tpu.memory_space<vmem>>) target_semaphore(%dma_start3A_274 : memref<!tpu.dma_semaphore, #tpu.memory_space<semaphore_mem>>)
      %add3A_279 = arith.constant 2 : i32
      %add3A_280 = arith.addi %add3A_249, %add3A_279 : i32
      %ge3A = arith.constant 1 : i32
      %ge3A_281 = arith.cmpi sge, %scan3A_245, %ge3A : i32
      %convert_element_type3A = arith.extui %ge3A_281 : i1 to i32
      %cond3A = arith.constant 0 : i32
      %cond3A_282 = arith.cmpi ne, %convert_element_type3A, %cond3A : i32
      scf.if %cond3A_282 {
        %dma_wait3A_1083 = arith.constant 0 : i32
        %dma_wait3A_1084 = arith.constant 2 : i32
        %dma_wait3A_1085 = arith.constant 0 : i32
        %dma_wait3A_1086 = tpu.memref_slice %arg8[%dma_wait3A_1083, %dma_wait3A_1085] : memref<10x40xi32, #tpu.memory_space<vmem>> -> memref<1x40xi32, #tpu.memory_space<vmem>>
        %dma_wait3A_1087 = tpu.memref_squeeze %dma_wait3A_1086 : memref<1x40xi32, #tpu.memory_space<vmem>> -> memref<40xi32, #tpu.memory_space<vmem>>
        %dma_wait3A_1088 = arith.constant 0 : i32
        %dma_wait3A_1089 = arith.constant 0 : i32
        %dma_wait3A_1090 = tpu.memref_slice %arg14[%dma_wait3A_1088, %dma_wait3A_1089] : memref<10240x128xf32, #tpu.memory_space<vmem_shared>> -> memref<10240x128xf32, #tpu.memory_space<vmem_shared>>
        %dma_wait3A_1091 = tpu.memref_slice %arg17[%dma_wait3A_1084] : memref<5x!tpu.dma_semaphore, #tpu.memory_space<semaphore_mem>> -> memref<1x!tpu.dma_semaphore, #tpu.memory_space<semaphore_mem>>
        %dma_wait3A_1092 = tpu.memref_squeeze %dma_wait3A_1091 : memref<1x!tpu.dma_semaphore, #tpu.memory_space<semaphore_mem>> -> memref<!tpu.dma_semaphore, #tpu.memory_space<semaphore_mem>>
        tpu.wait_indirect_dma semaphore(%dma_wait3A_1092 : memref<!tpu.dma_semaphore, #tpu.memory_space<semaphore_mem>>) src(%arg11 : memref<40x128xf32, #tpu.memory_space<vmem>>) dst(%dma_wait3A_1090 : memref<10240x128xf32, #tpu.memory_space<vmem_shared>>)
      } else {
      }
      %dma_wait3A_283 = arith.constant 2 : i32
      %dma_wait3A_284 = arith.constant 2 : i32
      %dma_wait3A_285 = arith.constant 0 : i32
      %dma_wait3A_286 = tpu.memref_slice %arg7[%dma_wait3A_283, %dma_wait3A_285] : memref<10x40xi32, #tpu.memory_space<vmem>> -> memref<1x40xi32, #tpu.memory_space<vmem>>
      %dma_wait3A_287 = tpu.memref_squeeze %dma_wait3A_286 : memref<1x40xi32, #tpu.memory_space<vmem>> -> memref<40xi32, #tpu.memory_space<vmem>>
      %dma_wait3A_288 = arith.constant 0 : i32
      %dma_wait3A_289 = tpu.memref_slice %arg3[%dma_wait3A_288] : memref<320000xi32, #tpu.memory_space<hbm>> -> memref<40xi32, #tpu.memory_space<hbm>>
      %dma_wait3A_290 = tpu.memref_slice %arg15[%dma_wait3A_284] : memref<10x!tpu.dma_semaphore, #tpu.memory_space<semaphore_mem>> -> memref<1x!tpu.dma_semaphore, #tpu.memory_space<semaphore_mem>>
      %dma_wait3A_291 = tpu.memref_squeeze %dma_wait3A_290 : memref<1x!tpu.dma_semaphore, #tpu.memory_space<semaphore_mem>> -> memref<!tpu.dma_semaphore, #tpu.memory_space<semaphore_mem>>
      %dma_wait3A_292 = arith.constant 0 : i32
      %dma_wait3A_293 = tpu.memref_slice %arg7[%dma_wait3A_283, %dma_wait3A_292] : memref<10x40xi32, #tpu.memory_space<vmem>> -> memref<1x40xi32, #tpu.memory_space<vmem>>
      %dma_wait3A_294 = tpu.memref_squeeze %dma_wait3A_293 : memref<1x40xi32, #tpu.memory_space<vmem>> -> memref<40xi32, #tpu.memory_space<vmem>>
      %dma_wait3A_295 = arith.constant 0 : i32
      %dma_wait3A_296 = tpu.memref_slice %arg3[%dma_wait3A_295] : memref<320000xi32, #tpu.memory_space<hbm>> -> memref<40xi32, #tpu.memory_space<hbm>>
      tpu.wait_dma2 semaphore(%dma_wait3A_291 : memref<!tpu.dma_semaphore, #tpu.memory_space<semaphore_mem>>) src(%dma_wait3A_296 : memref<40xi32, #tpu.memory_space<hbm>>) dst(%dma_wait3A_294 : memref<40xi32, #tpu.memory_space<vmem>>)
      %dma_wait3A_297 = arith.constant 2 : i32
      %dma_wait3A_298 = arith.constant 2 : i32
      %dma_wait3A_299 = arith.constant 0 : i32
      %dma_wait3A_300 = tpu.memref_slice %arg8[%dma_wait3A_297, %dma_wait3A_299] : memref<10x40xi32, #tpu.memory_space<vmem>> -> memref<1x40xi32, #tpu.memory_space<vmem>>
      %dma_wait3A_301 = tpu.memref_squeeze %dma_wait3A_300 : memref<1x40xi32, #tpu.memory_space<vmem>> -> memref<40xi32, #tpu.memory_space<vmem>>
      %dma_wait3A_302 = arith.constant 0 : i32
      %dma_wait3A_303 = tpu.memref_slice %arg4[%dma_wait3A_302] : memref<320000xi32, #tpu.memory_space<hbm>> -> memref<40xi32, #tpu.memory_space<hbm>>
      %dma_wait3A_304 = tpu.memref_slice %arg15[%dma_wait3A_298] : memref<10x!tpu.dma_semaphore, #tpu.memory_space<semaphore_mem>> -> memref<1x!tpu.dma_semaphore, #tpu.memory_space<semaphore_mem>>
      %dma_wait3A_305 = tpu.memref_squeeze %dma_wait3A_304 : memref<1x!tpu.dma_semaphore, #tpu.memory_space<semaphore_mem>> -> memref<!tpu.dma_semaphore, #tpu.memory_space<semaphore_mem>>
      %dma_wait3A_306 = arith.constant 0 : i32
      %dma_wait3A_307 = tpu.memref_slice %arg8[%dma_wait3A_297, %dma_wait3A_306] : memref<10x40xi32, #tpu.memory_space<vmem>> -> memref<1x40xi32, #tpu.memory_space<vmem>>
      %dma_wait3A_308 = tpu.memref_squeeze %dma_wait3A_307 : memref<1x40xi32, #tpu.memory_space<vmem>> -> memref<40xi32, #tpu.memory_space<vmem>>
      %dma_wait3A_309 = arith.constant 0 : i32
      %dma_wait3A_310 = tpu.memref_slice %arg4[%dma_wait3A_309] : memref<320000xi32, #tpu.memory_space<hbm>> -> memref<40xi32, #tpu.memory_space<hbm>>
      tpu.wait_dma2 semaphore(%dma_wait3A_305 : memref<!tpu.dma_semaphore, #tpu.memory_space<semaphore_mem>>) src(%dma_wait3A_310 : memref<40xi32, #tpu.memory_space<hbm>>) dst(%dma_wait3A_308 : memref<40xi32, #tpu.memory_space<vmem>>)
      %dma_start3A_311 = arith.constant 2 : i32
      %dma_start3A_312 = arith.constant 2 : i32
      %dma_start3A_313 = arith.constant 0 : i32
      %dma_start3A_314 = tpu.memref_slice %arg7[%dma_start3A_311, %dma_start3A_313] : memref<10x40xi32, #tpu.memory_space<vmem>> -> memref<1x40xi32, #tpu.memory_space<vmem>>
      %dma_start3A_315 = tpu.memref_squeeze %dma_start3A_314 : memref<1x40xi32, #tpu.memory_space<vmem>> -> memref<40xi32, #tpu.memory_space<vmem>>
      %dma_start3A_316 = arith.constant 0 : i32
      %dma_start3A_317 = arith.constant 0 : i32
      %dma_start3A_318 = tpu.memref_slice %arg2[%dma_start3A_316, %dma_start3A_317] : memref<10000x128xf32, #tpu.memory_space<hbm>> -> memref<10000x128xf32, #tpu.memory_space<hbm>>
      %dma_start3A_319 = tpu.memref_slice %arg16[%dma_start3A_312] : memref<5x!tpu.dma_semaphore, #tpu.memory_space<semaphore_mem>> -> memref<1x!tpu.dma_semaphore, #tpu.memory_space<semaphore_mem>>
      %dma_start3A_320 = tpu.memref_squeeze %dma_start3A_319 : memref<1x!tpu.dma_semaphore, #tpu.memory_space<semaphore_mem>> -> memref<!tpu.dma_semaphore, #tpu.memory_space<semaphore_mem>>
      tpu.enqueue_indirect_dma source(%dma_start3A_318 : memref<10000x128xf32, #tpu.memory_space<hbm>>) target(%arg11 : memref<40x128xf32, #tpu.memory_space<vmem>>) offsets(%dma_start3A_315 : memref<40xi32, #tpu.memory_space<vmem>>) semaphore(%dma_start3A_320 : memref<!tpu.dma_semaphore, #tpu.memory_space<semaphore_mem>>)
      %dma_wait3A_321 = arith.constant 0 : i32
      %dma_wait3A_322 = arith.constant 0 : i32
      %dma_wait3A_323 = arith.constant 0 : i32
      %dma_wait3A_324 = tpu.memref_slice %arg7[%dma_wait3A_321, %dma_wait3A_323] : memref<10x40xi32, #tpu.memory_space<vmem>> -> memref<1x40xi32, #tpu.memory_space<vmem>>
      %dma_wait3A_325 = tpu.memref_squeeze %dma_wait3A_324 : memref<1x40xi32, #tpu.memory_space<vmem>> -> memref<40xi32, #tpu.memory_space<vmem>>
      %dma_wait3A_326 = arith.constant 0 : i32
      %dma_wait3A_327 = arith.constant 0 : i32
      %dma_wait3A_328 = tpu.memref_slice %arg2[%dma_wait3A_326, %dma_wait3A_327] : memref<10000x128xf32, #tpu.memory_space<hbm>> -> memref<10000x128xf32, #tpu.memory_space<hbm>>
      %dma_wait3A_329 = tpu.memref_slice %arg16[%dma_wait3A_322] : memref<5x!tpu.dma_semaphore, #tpu.memory_space<semaphore_mem>> -> memref<1x!tpu.dma_semaphore, #tpu.memory_space<semaphore_mem>>
      %dma_wait3A_330 = tpu.memref_squeeze %dma_wait3A_329 : memref<1x!tpu.dma_semaphore, #tpu.memory_space<semaphore_mem>> -> memref<!tpu.dma_semaphore, #tpu.memory_space<semaphore_mem>>
      tpu.wait_indirect_dma semaphore(%dma_wait3A_330 : memref<!tpu.dma_semaphore, #tpu.memory_space<semaphore_mem>>) src(%dma_wait3A_328 : memref<10000x128xf32, #tpu.memory_space<hbm>>) dst(%arg9 : memref<40x128xf32, #tpu.memory_space<vmem>>)
      %dma_start3A_331 = arith.constant 0 : i32
      %dma_start3A_332 = arith.constant 0 : i32
      %dma_start3A_333 = arith.constant 0 : i32
      %dma_start3A_334 = tpu.memref_slice %arg8[%dma_start3A_331, %dma_start3A_333] : memref<10x40xi32, #tpu.memory_space<vmem>> -> memref<1x40xi32, #tpu.memory_space<vmem>>
      %dma_start3A_335 = tpu.memref_squeeze %dma_start3A_334 : memref<1x40xi32, #tpu.memory_space<vmem>> -> memref<40xi32, #tpu.memory_space<vmem>>
      %dma_start3A_336 = arith.constant 0 : i32
      %dma_start3A_337 = arith.constant 0 : i32
      %dma_start3A_338 = tpu.memref_slice %arg14[%dma_start3A_336, %dma_start3A_337] : memref<10240x128xf32, #tpu.memory_space<vmem_shared>> -> memref<10240x128xf32, #tpu.memory_space<vmem_shared>>
      %dma_start3A_339 = tpu.memref_slice %arg17[%dma_start3A_332] : memref<5x!tpu.dma_semaphore, #tpu.memory_space<semaphore_mem>> -> memref<1x!tpu.dma_semaphore, #tpu.memory_space<semaphore_mem>>
      %dma_start3A_340 = tpu.memref_squeeze %dma_start3A_339 : memref<1x!tpu.dma_semaphore, #tpu.memory_space<semaphore_mem>> -> memref<!tpu.dma_semaphore, #tpu.memory_space<semaphore_mem>>
      tpu.enqueue_indirect_dma source(%arg9 : memref<40x128xf32, #tpu.memory_space<vmem>>) target(%dma_start3A_338 : memref<10240x128xf32, #tpu.memory_space<vmem_shared>>) offsets(%dma_start3A_335 : memref<40xi32, #tpu.memory_space<vmem>>) semaphore(%dma_start3A_340 : memref<!tpu.dma_semaphore, #tpu.memory_space<semaphore_mem>>) {add = true}
      %mul3A_341 = arith.constant 10 : i32
      %mul3A_342 = arith.muli %scan3A_245, %mul3A_341 : i32
      %add3A_343 = arith.constant 1 : i32
      %add3A_344 = arith.addi %mul3A_342, %add3A_343 : i32
      %add3A_345 = arith.constant 4 : i32
      %add3A_346 = arith.addi %add3A_344, %add3A_345 : i32
      %mul3A_347 = arith.constant 40 : i32
      %mul3A_348 = arith.muli %add3A_346, %mul3A_347 : i32
      %add3A_349 = arith.addi %mul3A_6, %mul3A_348 : i32
      %dma_start3A_350 = arith.constant 5 : i32
      %dma_start3A_351 = arith.constant 5 : i32
      %dma_start3A_352 = arith.constant 0 : i32
      %dma_start3A_353 = tpu.memref_slice %arg7[%dma_start3A_350, %dma_start3A_352] : memref<10x40xi32, #tpu.memory_space<vmem>> -> memref<1x40xi32, #tpu.memory_space<vmem>>
      %dma_start3A_354 = tpu.memref_squeeze %dma_start3A_353 : memref<1x40xi32, #tpu.memory_space<vmem>> -> memref<40xi32, #tpu.memory_space<vmem>>
      %dma_start3A_355 = tpu.memref_slice %arg3[%add3A_349] : memref<320000xi32, #tpu.memory_space<hbm>> -> memref<40xi32, #tpu.memory_space<hbm>>
      %dma_start3A_356 = tpu.memref_slice %arg15[%dma_start3A_351] : memref<10x!tpu.dma_semaphore, #tpu.memory_space<semaphore_mem>> -> memref<1x!tpu.dma_semaphore, #tpu.memory_space<semaphore_mem>>
      %dma_start3A_357 = tpu.memref_squeeze %dma_start3A_356 : memref<1x!tpu.dma_semaphore, #tpu.memory_space<semaphore_mem>> -> memref<!tpu.dma_semaphore, #tpu.memory_space<semaphore_mem>>
      %dma_start3A_358 = arith.constant 0 : i32
      %dma_start3A_359 = tpu.memref_slice %arg7[%dma_start3A_350, %dma_start3A_358] : memref<10x40xi32, #tpu.memory_space<vmem>> -> memref<1x40xi32, #tpu.memory_space<vmem>>
      %dma_start3A_360 = tpu.memref_squeeze %dma_start3A_359 : memref<1x40xi32, #tpu.memory_space<vmem>> -> memref<40xi32, #tpu.memory_space<vmem>>
      %dma_start3A_361 = tpu.memref_slice %arg3[%add3A_349] : memref<320000xi32, #tpu.memory_space<hbm>> -> memref<40xi32, #tpu.memory_space<hbm>>
      tpu.enqueue_dma source(%dma_start3A_361 : memref<40xi32, #tpu.memory_space<hbm>>) target(%dma_start3A_360 : memref<40xi32, #tpu.memory_space<vmem>>) target_semaphore(%dma_start3A_357 : memref<!tpu.dma_semaphore, #tpu.memory_space<semaphore_mem>>)
      %dma_start3A_362 = arith.constant 5 : i32
      %dma_start3A_363 = arith.constant 5 : i32
      %dma_start3A_364 = arith.constant 0 : i32
      %dma_start3A_365 = tpu.memref_slice %arg8[%dma_start3A_362, %dma_start3A_364] : memref<10x40xi32, #tpu.memory_space<vmem>> -> memref<1x40xi32, #tpu.memory_space<vmem>>
      %dma_start3A_366 = tpu.memref_squeeze %dma_start3A_365 : memref<1x40xi32, #tpu.memory_space<vmem>> -> memref<40xi32, #tpu.memory_space<vmem>>
      %dma_start3A_367 = tpu.memref_slice %arg4[%add3A_349] : memref<320000xi32, #tpu.memory_space<hbm>> -> memref<40xi32, #tpu.memory_space<hbm>>
      %dma_start3A_368 = tpu.memref_slice %arg15[%dma_start3A_363] : memref<10x!tpu.dma_semaphore, #tpu.memory_space<semaphore_mem>> -> memref<1x!tpu.dma_semaphore, #tpu.memory_space<semaphore_mem>>
      %dma_start3A_369 = tpu.memref_squeeze %dma_start3A_368 : memref<1x!tpu.dma_semaphore, #tpu.memory_space<semaphore_mem>> -> memref<!tpu.dma_semaphore, #tpu.memory_space<semaphore_mem>>
      %dma_start3A_370 = arith.constant 0 : i32
      %dma_start3A_371 = tpu.memref_slice %arg8[%dma_start3A_362, %dma_start3A_370] : memref<10x40xi32, #tpu.memory_space<vmem>> -> memref<1x40xi32, #tpu.memory_space<vmem>>
      %dma_start3A_372 = tpu.memref_squeeze %dma_start3A_371 : memref<1x40xi32, #tpu.memory_space<vmem>> -> memref<40xi32, #tpu.memory_space<vmem>>
      %dma_start3A_373 = tpu.memref_slice %arg4[%add3A_349] : memref<320000xi32, #tpu.memory_space<hbm>> -> memref<40xi32, #tpu.memory_space<hbm>>
      tpu.enqueue_dma source(%dma_start3A_373 : memref<40xi32, #tpu.memory_space<hbm>>) target(%dma_start3A_372 : memref<40xi32, #tpu.memory_space<vmem>>) target_semaphore(%dma_start3A_369 : memref<!tpu.dma_semaphore, #tpu.memory_space<semaphore_mem>>)
      %add3A_374 = arith.constant 2 : i32
      %add3A_375 = arith.addi %add3A_344, %add3A_374 : i32
      %ge3A_376 = arith.constant 1 : i32
      %ge3A_377 = arith.cmpi sge, %scan3A_245, %ge3A_376 : i32
      %convert_element_type3A_378 = arith.extui %ge3A_377 : i1 to i32
      %cond3A_379 = arith.constant 0 : i32
      %cond3A_380 = arith.cmpi ne, %convert_element_type3A_378, %cond3A_379 : i32
      scf.if %cond3A_380 {
        %dma_wait3A_1083 = arith.constant 0 : i32
        %dma_wait3A_1084 = arith.constant 3 : i32
        %dma_wait3A_1085 = arith.constant 0 : i32
        %dma_wait3A_1086 = tpu.memref_slice %arg8[%dma_wait3A_1083, %dma_wait3A_1085] : memref<10x40xi32, #tpu.memory_space<vmem>> -> memref<1x40xi32, #tpu.memory_space<vmem>>
        %dma_wait3A_1087 = tpu.memref_squeeze %dma_wait3A_1086 : memref<1x40xi32, #tpu.memory_space<vmem>> -> memref<40xi32, #tpu.memory_space<vmem>>
        %dma_wait3A_1088 = arith.constant 0 : i32
        %dma_wait3A_1089 = arith.constant 0 : i32
        %dma_wait3A_1090 = tpu.memref_slice %arg14[%dma_wait3A_1088, %dma_wait3A_1089] : memref<10240x128xf32, #tpu.memory_space<vmem_shared>> -> memref<10240x128xf32, #tpu.memory_space<vmem_shared>>
        %dma_wait3A_1091 = tpu.memref_slice %arg17[%dma_wait3A_1084] : memref<5x!tpu.dma_semaphore, #tpu.memory_space<semaphore_mem>> -> memref<1x!tpu.dma_semaphore, #tpu.memory_space<semaphore_mem>>
        %dma_wait3A_1092 = tpu.memref_squeeze %dma_wait3A_1091 : memref<1x!tpu.dma_semaphore, #tpu.memory_space<semaphore_mem>> -> memref<!tpu.dma_semaphore, #tpu.memory_space<semaphore_mem>>
        tpu.wait_indirect_dma semaphore(%dma_wait3A_1092 : memref<!tpu.dma_semaphore, #tpu.memory_space<semaphore_mem>>) src(%arg12 : memref<40x128xf32, #tpu.memory_space<vmem>>) dst(%dma_wait3A_1090 : memref<10240x128xf32, #tpu.memory_space<vmem_shared>>)
      } else {
      }
      %dma_wait3A_381 = arith.constant 3 : i32
      %dma_wait3A_382 = arith.constant 3 : i32
      %dma_wait3A_383 = arith.constant 0 : i32
      %dma_wait3A_384 = tpu.memref_slice %arg7[%dma_wait3A_381, %dma_wait3A_383] : memref<10x40xi32, #tpu.memory_space<vmem>> -> memref<1x40xi32, #tpu.memory_space<vmem>>
      %dma_wait3A_385 = tpu.memref_squeeze %dma_wait3A_384 : memref<1x40xi32, #tpu.memory_space<vmem>> -> memref<40xi32, #tpu.memory_space<vmem>>
      %dma_wait3A_386 = arith.constant 0 : i32
      %dma_wait3A_387 = tpu.memref_slice %arg3[%dma_wait3A_386] : memref<320000xi32, #tpu.memory_space<hbm>> -> memref<40xi32, #tpu.memory_space<hbm>>
      %dma_wait3A_388 = tpu.memref_slice %arg15[%dma_wait3A_382] : memref<10x!tpu.dma_semaphore, #tpu.memory_space<semaphore_mem>> -> memref<1x!tpu.dma_semaphore, #tpu.memory_space<semaphore_mem>>
      %dma_wait3A_389 = tpu.memref_squeeze %dma_wait3A_388 : memref<1x!tpu.dma_semaphore, #tpu.memory_space<semaphore_mem>> -> memref<!tpu.dma_semaphore, #tpu.memory_space<semaphore_mem>>
      %dma_wait3A_390 = arith.constant 0 : i32
      %dma_wait3A_391 = tpu.memref_slice %arg7[%dma_wait3A_381, %dma_wait3A_390] : memref<10x40xi32, #tpu.memory_space<vmem>> -> memref<1x40xi32, #tpu.memory_space<vmem>>
      %dma_wait3A_392 = tpu.memref_squeeze %dma_wait3A_391 : memref<1x40xi32, #tpu.memory_space<vmem>> -> memref<40xi32, #tpu.memory_space<vmem>>
      %dma_wait3A_393 = arith.constant 0 : i32
      %dma_wait3A_394 = tpu.memref_slice %arg3[%dma_wait3A_393] : memref<320000xi32, #tpu.memory_space<hbm>> -> memref<40xi32, #tpu.memory_space<hbm>>
      tpu.wait_dma2 semaphore(%dma_wait3A_389 : memref<!tpu.dma_semaphore, #tpu.memory_space<semaphore_mem>>) src(%dma_wait3A_394 : memref<40xi32, #tpu.memory_space<hbm>>) dst(%dma_wait3A_392 : memref<40xi32, #tpu.memory_space<vmem>>)
      %dma_wait3A_395 = arith.constant 3 : i32
      %dma_wait3A_396 = arith.constant 3 : i32
      %dma_wait3A_397 = arith.constant 0 : i32
      %dma_wait3A_398 = tpu.memref_slice %arg8[%dma_wait3A_395, %dma_wait3A_397] : memref<10x40xi32, #tpu.memory_space<vmem>> -> memref<1x40xi32, #tpu.memory_space<vmem>>
      %dma_wait3A_399 = tpu.memref_squeeze %dma_wait3A_398 : memref<1x40xi32, #tpu.memory_space<vmem>> -> memref<40xi32, #tpu.memory_space<vmem>>
      %dma_wait3A_400 = arith.constant 0 : i32
      %dma_wait3A_401 = tpu.memref_slice %arg4[%dma_wait3A_400] : memref<320000xi32, #tpu.memory_space<hbm>> -> memref<40xi32, #tpu.memory_space<hbm>>
      %dma_wait3A_402 = tpu.memref_slice %arg15[%dma_wait3A_396] : memref<10x!tpu.dma_semaphore, #tpu.memory_space<semaphore_mem>> -> memref<1x!tpu.dma_semaphore, #tpu.memory_space<semaphore_mem>>
      %dma_wait3A_403 = tpu.memref_squeeze %dma_wait3A_402 : memref<1x!tpu.dma_semaphore, #tpu.memory_space<semaphore_mem>> -> memref<!tpu.dma_semaphore, #tpu.memory_space<semaphore_mem>>
      %dma_wait3A_404 = arith.constant 0 : i32
      %dma_wait3A_405 = tpu.memref_slice %arg8[%dma_wait3A_395, %dma_wait3A_404] : memref<10x40xi32, #tpu.memory_space<vmem>> -> memref<1x40xi32, #tpu.memory_space<vmem>>
      %dma_wait3A_406 = tpu.memref_squeeze %dma_wait3A_405 : memref<1x40xi32, #tpu.memory_space<vmem>> -> memref<40xi32, #tpu.memory_space<vmem>>
      %dma_wait3A_407 = arith.constant 0 : i32
      %dma_wait3A_408 = tpu.memref_slice %arg4[%dma_wait3A_407] : memref<320000xi32, #tpu.memory_space<hbm>> -> memref<40xi32, #tpu.memory_space<hbm>>
      tpu.wait_dma2 semaphore(%dma_wait3A_403 : memref<!tpu.dma_semaphore, #tpu.memory_space<semaphore_mem>>) src(%dma_wait3A_408 : memref<40xi32, #tpu.memory_space<hbm>>) dst(%dma_wait3A_406 : memref<40xi32, #tpu.memory_space<vmem>>)
      %dma_start3A_409 = arith.constant 3 : i32
      %dma_start3A_410 = arith.constant 3 : i32
      %dma_start3A_411 = arith.constant 0 : i32
      %dma_start3A_412 = tpu.memref_slice %arg7[%dma_start3A_409, %dma_start3A_411] : memref<10x40xi32, #tpu.memory_space<vmem>> -> memref<1x40xi32, #tpu.memory_space<vmem>>
      %dma_start3A_413 = tpu.memref_squeeze %dma_start3A_412 : memref<1x40xi32, #tpu.memory_space<vmem>> -> memref<40xi32, #tpu.memory_space<vmem>>
      %dma_start3A_414 = arith.constant 0 : i32
      %dma_start3A_415 = arith.constant 0 : i32
      %dma_start3A_416 = tpu.memref_slice %arg2[%dma_start3A_414, %dma_start3A_415] : memref<10000x128xf32, #tpu.memory_space<hbm>> -> memref<10000x128xf32, #tpu.memory_space<hbm>>
      %dma_start3A_417 = tpu.memref_slice %arg16[%dma_start3A_410] : memref<5x!tpu.dma_semaphore, #tpu.memory_space<semaphore_mem>> -> memref<1x!tpu.dma_semaphore, #tpu.memory_space<semaphore_mem>>
      %dma_start3A_418 = tpu.memref_squeeze %dma_start3A_417 : memref<1x!tpu.dma_semaphore, #tpu.memory_space<semaphore_mem>> -> memref<!tpu.dma_semaphore, #tpu.memory_space<semaphore_mem>>
      tpu.enqueue_indirect_dma source(%dma_start3A_416 : memref<10000x128xf32, #tpu.memory_space<hbm>>) target(%arg12 : memref<40x128xf32, #tpu.memory_space<vmem>>) offsets(%dma_start3A_413 : memref<40xi32, #tpu.memory_space<vmem>>) semaphore(%dma_start3A_418 : memref<!tpu.dma_semaphore, #tpu.memory_space<semaphore_mem>>)
      %dma_wait3A_419 = arith.constant 0 : i32
      %dma_wait3A_420 = arith.constant 1 : i32
      %dma_wait3A_421 = arith.constant 0 : i32
      %dma_wait3A_422 = tpu.memref_slice %arg7[%dma_wait3A_419, %dma_wait3A_421] : memref<10x40xi32, #tpu.memory_space<vmem>> -> memref<1x40xi32, #tpu.memory_space<vmem>>
      %dma_wait3A_423 = tpu.memref_squeeze %dma_wait3A_422 : memref<1x40xi32, #tpu.memory_space<vmem>> -> memref<40xi32, #tpu.memory_space<vmem>>
      %dma_wait3A_424 = arith.constant 0 : i32
      %dma_wait3A_425 = arith.constant 0 : i32
      %dma_wait3A_426 = tpu.memref_slice %arg2[%dma_wait3A_424, %dma_wait3A_425] : memref<10000x128xf32, #tpu.memory_space<hbm>> -> memref<10000x128xf32, #tpu.memory_space<hbm>>
      %dma_wait3A_427 = tpu.memref_slice %arg16[%dma_wait3A_420] : memref<5x!tpu.dma_semaphore, #tpu.memory_space<semaphore_mem>> -> memref<1x!tpu.dma_semaphore, #tpu.memory_space<semaphore_mem>>
      %dma_wait3A_428 = tpu.memref_squeeze %dma_wait3A_427 : memref<1x!tpu.dma_semaphore, #tpu.memory_space<semaphore_mem>> -> memref<!tpu.dma_semaphore, #tpu.memory_space<semaphore_mem>>
      tpu.wait_indirect_dma semaphore(%dma_wait3A_428 : memref<!tpu.dma_semaphore, #tpu.memory_space<semaphore_mem>>) src(%dma_wait3A_426 : memref<10000x128xf32, #tpu.memory_space<hbm>>) dst(%arg10 : memref<40x128xf32, #tpu.memory_space<vmem>>)
      %dma_start3A_429 = arith.constant 1 : i32
      %dma_start3A_430 = arith.constant 1 : i32
      %dma_start3A_431 = arith.constant 0 : i32
      %dma_start3A_432 = tpu.memref_slice %arg8[%dma_start3A_429, %dma_start3A_431] : memref<10x40xi32, #tpu.memory_space<vmem>> -> memref<1x40xi32, #tpu.memory_space<vmem>>
      %dma_start3A_433 = tpu.memref_squeeze %dma_start3A_432 : memref<1x40xi32, #tpu.memory_space<vmem>> -> memref<40xi32, #tpu.memory_space<vmem>>
      %dma_start3A_434 = arith.constant 0 : i32
      %dma_start3A_435 = arith.constant 0 : i32
      %dma_start3A_436 = tpu.memref_slice %arg14[%dma_start3A_434, %dma_start3A_435] : memref<10240x128xf32, #tpu.memory_space<vmem_shared>> -> memref<10240x128xf32, #tpu.memory_space<vmem_shared>>
      %dma_start3A_437 = tpu.memref_slice %arg17[%dma_start3A_430] : memref<5x!tpu.dma_semaphore, #tpu.memory_space<semaphore_mem>> -> memref<1x!tpu.dma_semaphore, #tpu.memory_space<semaphore_mem>>
      %dma_start3A_438 = tpu.memref_squeeze %dma_start3A_437 : memref<1x!tpu.dma_semaphore, #tpu.memory_space<semaphore_mem>> -> memref<!tpu.dma_semaphore, #tpu.memory_space<semaphore_mem>>
      tpu.enqueue_indirect_dma source(%arg10 : memref<40x128xf32, #tpu.memory_space<vmem>>) target(%dma_start3A_436 : memref<10240x128xf32, #tpu.memory_space<vmem_shared>>) offsets(%dma_start3A_433 : memref<40xi32, #tpu.memory_space<vmem>>) semaphore(%dma_start3A_438 : memref<!tpu.dma_semaphore, #tpu.memory_space<semaphore_mem>>) {add = true}
      %mul3A_439 = arith.constant 10 : i32
      %mul3A_440 = arith.muli %scan3A_245, %mul3A_439 : i32
      %add3A_441 = arith.constant 2 : i32
      %add3A_442 = arith.addi %mul3A_440, %add3A_441 : i32
      %add3A_443 = arith.constant 4 : i32
      %add3A_444 = arith.addi %add3A_442, %add3A_443 : i32
      %mul3A_445 = arith.constant 40 : i32
      %mul3A_446 = arith.muli %add3A_444, %mul3A_445 : i32
      %add3A_447 = arith.addi %mul3A_6, %mul3A_446 : i32
      %dma_start3A_448 = arith.constant 6 : i32
      %dma_start3A_449 = arith.constant 6 : i32
      %dma_start3A_450 = arith.constant 0 : i32
      %dma_start3A_451 = tpu.memref_slice %arg7[%dma_start3A_448, %dma_start3A_450] : memref<10x40xi32, #tpu.memory_space<vmem>> -> memref<1x40xi32, #tpu.memory_space<vmem>>
      %dma_start3A_452 = tpu.memref_squeeze %dma_start3A_451 : memref<1x40xi32, #tpu.memory_space<vmem>> -> memref<40xi32, #tpu.memory_space<vmem>>
      %dma_start3A_453 = tpu.memref_slice %arg3[%add3A_447] : memref<320000xi32, #tpu.memory_space<hbm>> -> memref<40xi32, #tpu.memory_space<hbm>>
      %dma_start3A_454 = tpu.memref_slice %arg15[%dma_start3A_449] : memref<10x!tpu.dma_semaphore, #tpu.memory_space<semaphore_mem>> -> memref<1x!tpu.dma_semaphore, #tpu.memory_space<semaphore_mem>>
      %dma_start3A_455 = tpu.memref_squeeze %dma_start3A_454 : memref<1x!tpu.dma_semaphore, #tpu.memory_space<semaphore_mem>> -> memref<!tpu.dma_semaphore, #tpu.memory_space<semaphore_mem>>
      %dma_start3A_456 = arith.constant 0 : i32
      %dma_start3A_457 = tpu.memref_slice %arg7[%dma_start3A_448, %dma_start3A_456] : memref<10x40xi32, #tpu.memory_space<vmem>> -> memref<1x40xi32, #tpu.memory_space<vmem>>
      %dma_start3A_458 = tpu.memref_squeeze %dma_start3A_457 : memref<1x40xi32, #tpu.memory_space<vmem>> -> memref<40xi32, #tpu.memory_space<vmem>>
      %dma_start3A_459 = tpu.memref_slice %arg3[%add3A_447] : memref<320000xi32, #tpu.memory_space<hbm>> -> memref<40xi32, #tpu.memory_space<hbm>>
      tpu.enqueue_dma source(%dma_start3A_459 : memref<40xi32, #tpu.memory_space<hbm>>) target(%dma_start3A_458 : memref<40xi32, #tpu.memory_space<vmem>>) target_semaphore(%dma_start3A_455 : memref<!tpu.dma_semaphore, #tpu.memory_space<semaphore_mem>>)
      %dma_start3A_460 = arith.constant 6 : i32
      %dma_start3A_461 = arith.constant 6 : i32
      %dma_start3A_462 = arith.constant 0 : i32
      %dma_start3A_463 = tpu.memref_slice %arg8[%dma_start3A_460, %dma_start3A_462] : memref<10x40xi32, #tpu.memory_space<vmem>> -> memref<1x40xi32, #tpu.memory_space<vmem>>
      %dma_start3A_464 = tpu.memref_squeeze %dma_start3A_463 : memref<1x40xi32, #tpu.memory_space<vmem>> -> memref<40xi32, #tpu.memory_space<vmem>>
      %dma_start3A_465 = tpu.memref_slice %arg4[%add3A_447] : memref<320000xi32, #tpu.memory_space<hbm>> -> memref<40xi32, #tpu.memory_space<hbm>>
      %dma_start3A_466 = tpu.memref_slice %arg15[%dma_start3A_461] : memref<10x!tpu.dma_semaphore, #tpu.memory_space<semaphore_mem>> -> memref<1x!tpu.dma_semaphore, #tpu.memory_space<semaphore_mem>>
      %dma_start3A_467 = tpu.memref_squeeze %dma_start3A_466 : memref<1x!tpu.dma_semaphore, #tpu.memory_space<semaphore_mem>> -> memref<!tpu.dma_semaphore, #tpu.memory_space<semaphore_mem>>
      %dma_start3A_468 = arith.constant 0 : i32
      %dma_start3A_469 = tpu.memref_slice %arg8[%dma_start3A_460, %dma_start3A_468] : memref<10x40xi32, #tpu.memory_space<vmem>> -> memref<1x40xi32, #tpu.memory_space<vmem>>
      %dma_start3A_470 = tpu.memref_squeeze %dma_start3A_469 : memref<1x40xi32, #tpu.memory_space<vmem>> -> memref<40xi32, #tpu.memory_space<vmem>>
      %dma_start3A_471 = tpu.memref_slice %arg4[%add3A_447] : memref<320000xi32, #tpu.memory_space<hbm>> -> memref<40xi32, #tpu.memory_space<hbm>>
      tpu.enqueue_dma source(%dma_start3A_471 : memref<40xi32, #tpu.memory_space<hbm>>) target(%dma_start3A_470 : memref<40xi32, #tpu.memory_space<vmem>>) target_semaphore(%dma_start3A_467 : memref<!tpu.dma_semaphore, #tpu.memory_space<semaphore_mem>>)
      %add3A_472 = arith.constant 2 : i32
      %add3A_473 = arith.addi %add3A_442, %add3A_472 : i32
      %ge3A_474 = arith.constant 1 : i32
      %ge3A_475 = arith.cmpi sge, %scan3A_245, %ge3A_474 : i32
      %convert_element_type3A_476 = arith.extui %ge3A_475 : i1 to i32
      %cond3A_477 = arith.constant 0 : i32
      %cond3A_478 = arith.cmpi ne, %convert_element_type3A_476, %cond3A_477 : i32
      scf.if %cond3A_478 {
        %dma_wait3A_1083 = arith.constant 0 : i32
        %dma_wait3A_1084 = arith.constant 4 : i32
        %dma_wait3A_1085 = arith.constant 0 : i32
        %dma_wait3A_1086 = tpu.memref_slice %arg8[%dma_wait3A_1083, %dma_wait3A_1085] : memref<10x40xi32, #tpu.memory_space<vmem>> -> memref<1x40xi32, #tpu.memory_space<vmem>>
        %dma_wait3A_1087 = tpu.memref_squeeze %dma_wait3A_1086 : memref<1x40xi32, #tpu.memory_space<vmem>> -> memref<40xi32, #tpu.memory_space<vmem>>
        %dma_wait3A_1088 = arith.constant 0 : i32
        %dma_wait3A_1089 = arith.constant 0 : i32
        %dma_wait3A_1090 = tpu.memref_slice %arg14[%dma_wait3A_1088, %dma_wait3A_1089] : memref<10240x128xf32, #tpu.memory_space<vmem_shared>> -> memref<10240x128xf32, #tpu.memory_space<vmem_shared>>
        %dma_wait3A_1091 = tpu.memref_slice %arg17[%dma_wait3A_1084] : memref<5x!tpu.dma_semaphore, #tpu.memory_space<semaphore_mem>> -> memref<1x!tpu.dma_semaphore, #tpu.memory_space<semaphore_mem>>
        %dma_wait3A_1092 = tpu.memref_squeeze %dma_wait3A_1091 : memref<1x!tpu.dma_semaphore, #tpu.memory_space<semaphore_mem>> -> memref<!tpu.dma_semaphore, #tpu.memory_space<semaphore_mem>>
        tpu.wait_indirect_dma semaphore(%dma_wait3A_1092 : memref<!tpu.dma_semaphore, #tpu.memory_space<semaphore_mem>>) src(%arg13 : memref<40x128xf32, #tpu.memory_space<vmem>>) dst(%dma_wait3A_1090 : memref<10240x128xf32, #tpu.memory_space<vmem_shared>>)
      } else {
      }
      %dma_wait3A_479 = arith.constant 4 : i32
      %dma_wait3A_480 = arith.constant 4 : i32
      %dma_wait3A_481 = arith.constant 0 : i32
      %dma_wait3A_482 = tpu.memref_slice %arg7[%dma_wait3A_479, %dma_wait3A_481] : memref<10x40xi32, #tpu.memory_space<vmem>> -> memref<1x40xi32, #tpu.memory_space<vmem>>
      %dma_wait3A_483 = tpu.memref_squeeze %dma_wait3A_482 : memref<1x40xi32, #tpu.memory_space<vmem>> -> memref<40xi32, #tpu.memory_space<vmem>>
      %dma_wait3A_484 = arith.constant 0 : i32
      %dma_wait3A_485 = tpu.memref_slice %arg3[%dma_wait3A_484] : memref<320000xi32, #tpu.memory_space<hbm>> -> memref<40xi32, #tpu.memory_space<hbm>>
      %dma_wait3A_486 = tpu.memref_slice %arg15[%dma_wait3A_480] : memref<10x!tpu.dma_semaphore, #tpu.memory_space<semaphore_mem>> -> memref<1x!tpu.dma_semaphore, #tpu.memory_space<semaphore_mem>>
      %dma_wait3A_487 = tpu.memref_squeeze %dma_wait3A_486 : memref<1x!tpu.dma_semaphore, #tpu.memory_space<semaphore_mem>> -> memref<!tpu.dma_semaphore, #tpu.memory_space<semaphore_mem>>
      %dma_wait3A_488 = arith.constant 0 : i32
      %dma_wait3A_489 = tpu.memref_slice %arg7[%dma_wait3A_479, %dma_wait3A_488] : memref<10x40xi32, #tpu.memory_space<vmem>> -> memref<1x40xi32, #tpu.memory_space<vmem>>
      %dma_wait3A_490 = tpu.memref_squeeze %dma_wait3A_489 : memref<1x40xi32, #tpu.memory_space<vmem>> -> memref<40xi32, #tpu.memory_space<vmem>>
      %dma_wait3A_491 = arith.constant 0 : i32
      %dma_wait3A_492 = tpu.memref_slice %arg3[%dma_wait3A_491] : memref<320000xi32, #tpu.memory_space<hbm>> -> memref<40xi32, #tpu.memory_space<hbm>>
      tpu.wait_dma2 semaphore(%dma_wait3A_487 : memref<!tpu.dma_semaphore, #tpu.memory_space<semaphore_mem>>) src(%dma_wait3A_492 : memref<40xi32, #tpu.memory_space<hbm>>) dst(%dma_wait3A_490 : memref<40xi32, #tpu.memory_space<vmem>>)
      %dma_wait3A_493 = arith.constant 4 : i32
      %dma_wait3A_494 = arith.constant 4 : i32
      %dma_wait3A_495 = arith.constant 0 : i32
      %dma_wait3A_496 = tpu.memref_slice %arg8[%dma_wait3A_493, %dma_wait3A_495] : memref<10x40xi32, #tpu.memory_space<vmem>> -> memref<1x40xi32, #tpu.memory_space<vmem>>
      %dma_wait3A_497 = tpu.memref_squeeze %dma_wait3A_496 : memref<1x40xi32, #tpu.memory_space<vmem>> -> memref<40xi32, #tpu.memory_space<vmem>>
      %dma_wait3A_498 = arith.constant 0 : i32
      %dma_wait3A_499 = tpu.memref_slice %arg4[%dma_wait3A_498] : memref<320000xi32, #tpu.memory_space<hbm>> -> memref<40xi32, #tpu.memory_space<hbm>>
      %dma_wait3A_500 = tpu.memref_slice %arg15[%dma_wait3A_494] : memref<10x!tpu.dma_semaphore, #tpu.memory_space<semaphore_mem>> -> memref<1x!tpu.dma_semaphore, #tpu.memory_space<semaphore_mem>>
      %dma_wait3A_501 = tpu.memref_squeeze %dma_wait3A_500 : memref<1x!tpu.dma_semaphore, #tpu.memory_space<semaphore_mem>> -> memref<!tpu.dma_semaphore, #tpu.memory_space<semaphore_mem>>
      %dma_wait3A_502 = arith.constant 0 : i32
      %dma_wait3A_503 = tpu.memref_slice %arg8[%dma_wait3A_493, %dma_wait3A_502] : memref<10x40xi32, #tpu.memory_space<vmem>> -> memref<1x40xi32, #tpu.memory_space<vmem>>
      %dma_wait3A_504 = tpu.memref_squeeze %dma_wait3A_503 : memref<1x40xi32, #tpu.memory_space<vmem>> -> memref<40xi32, #tpu.memory_space<vmem>>
      %dma_wait3A_505 = arith.constant 0 : i32
      %dma_wait3A_506 = tpu.memref_slice %arg4[%dma_wait3A_505] : memref<320000xi32, #tpu.memory_space<hbm>> -> memref<40xi32, #tpu.memory_space<hbm>>
      tpu.wait_dma2 semaphore(%dma_wait3A_501 : memref<!tpu.dma_semaphore, #tpu.memory_space<semaphore_mem>>) src(%dma_wait3A_506 : memref<40xi32, #tpu.memory_space<hbm>>) dst(%dma_wait3A_504 : memref<40xi32, #tpu.memory_space<vmem>>)
      %dma_start3A_507 = arith.constant 4 : i32
      %dma_start3A_508 = arith.constant 4 : i32
      %dma_start3A_509 = arith.constant 0 : i32
      %dma_start3A_510 = tpu.memref_slice %arg7[%dma_start3A_507, %dma_start3A_509] : memref<10x40xi32, #tpu.memory_space<vmem>> -> memref<1x40xi32, #tpu.memory_space<vmem>>
      %dma_start3A_511 = tpu.memref_squeeze %dma_start3A_510 : memref<1x40xi32, #tpu.memory_space<vmem>> -> memref<40xi32, #tpu.memory_space<vmem>>
      %dma_start3A_512 = arith.constant 0 : i32
      %dma_start3A_513 = arith.constant 0 : i32
      %dma_start3A_514 = tpu.memref_slice %arg2[%dma_start3A_512, %dma_start3A_513] : memref<10000x128xf32, #tpu.memory_space<hbm>> -> memref<10000x128xf32, #tpu.memory_space<hbm>>
      %dma_start3A_515 = tpu.memref_slice %arg16[%dma_start3A_508] : memref<5x!tpu.dma_semaphore, #tpu.memory_space<semaphore_mem>> -> memref<1x!tpu.dma_semaphore, #tpu.memory_space<semaphore_mem>>
      %dma_start3A_516 = tpu.memref_squeeze %dma_start3A_515 : memref<1x!tpu.dma_semaphore, #tpu.memory_space<semaphore_mem>> -> memref<!tpu.dma_semaphore, #tpu.memory_space<semaphore_mem>>
      tpu.enqueue_indirect_dma source(%dma_start3A_514 : memref<10000x128xf32, #tpu.memory_space<hbm>>) target(%arg13 : memref<40x128xf32, #tpu.memory_space<vmem>>) offsets(%dma_start3A_511 : memref<40xi32, #tpu.memory_space<vmem>>) semaphore(%dma_start3A_516 : memref<!tpu.dma_semaphore, #tpu.memory_space<semaphore_mem>>)
      %dma_wait3A_517 = arith.constant 0 : i32
      %dma_wait3A_518 = arith.constant 2 : i32
      %dma_wait3A_519 = arith.constant 0 : i32
      %dma_wait3A_520 = tpu.memref_slice %arg7[%dma_wait3A_517, %dma_wait3A_519] : memref<10x40xi32, #tpu.memory_space<vmem>> -> memref<1x40xi32, #tpu.memory_space<vmem>>
      %dma_wait3A_521 = tpu.memref_squeeze %dma_wait3A_520 : memref<1x40xi32, #tpu.memory_space<vmem>> -> memref<40xi32, #tpu.memory_space<vmem>>
      %dma_wait3A_522 = arith.constant 0 : i32
      %dma_wait3A_523 = arith.constant 0 : i32
      %dma_wait3A_524 = tpu.memref_slice %arg2[%dma_wait3A_522, %dma_wait3A_523] : memref<10000x128xf32, #tpu.memory_space<hbm>> -> memref<10000x128xf32, #tpu.memory_space<hbm>>
      %dma_wait3A_525 = tpu.memref_slice %arg16[%dma_wait3A_518] : memref<5x!tpu.dma_semaphore, #tpu.memory_space<semaphore_mem>> -> memref<1x!tpu.dma_semaphore, #tpu.memory_space<semaphore_mem>>
      %dma_wait3A_526 = tpu.memref_squeeze %dma_wait3A_525 : memref<1x!tpu.dma_semaphore, #tpu.memory_space<semaphore_mem>> -> memref<!tpu.dma_semaphore, #tpu.memory_space<semaphore_mem>>
      tpu.wait_indirect_dma semaphore(%dma_wait3A_526 : memref<!tpu.dma_semaphore, #tpu.memory_space<semaphore_mem>>) src(%dma_wait3A_524 : memref<10000x128xf32, #tpu.memory_space<hbm>>) dst(%arg11 : memref<40x128xf32, #tpu.memory_space<vmem>>)
      %dma_start3A_527 = arith.constant 2 : i32
      %dma_start3A_528 = arith.constant 2 : i32
      %dma_start3A_529 = arith.constant 0 : i32
      %dma_start3A_530 = tpu.memref_slice %arg8[%dma_start3A_527, %dma_start3A_529] : memref<10x40xi32, #tpu.memory_space<vmem>> -> memref<1x40xi32, #tpu.memory_space<vmem>>
      %dma_start3A_531 = tpu.memref_squeeze %dma_start3A_530 : memref<1x40xi32, #tpu.memory_space<vmem>> -> memref<40xi32, #tpu.memory_space<vmem>>
      %dma_start3A_532 = arith.constant 0 : i32
      %dma_start3A_533 = arith.constant 0 : i32
      %dma_start3A_534 = tpu.memref_slice %arg14[%dma_start3A_532, %dma_start3A_533] : memref<10240x128xf32, #tpu.memory_space<vmem_shared>> -> memref<10240x128xf32, #tpu.memory_space<vmem_shared>>
      %dma_start3A_535 = tpu.memref_slice %arg17[%dma_start3A_528] : memref<5x!tpu.dma_semaphore, #tpu.memory_space<semaphore_mem>> -> memref<1x!tpu.dma_semaphore, #tpu.memory_space<semaphore_mem>>
      %dma_start3A_536 = tpu.memref_squeeze %dma_start3A_535 : memref<1x!tpu.dma_semaphore, #tpu.memory_space<semaphore_mem>> -> memref<!tpu.dma_semaphore, #tpu.memory_space<semaphore_mem>>
      tpu.enqueue_indirect_dma source(%arg11 : memref<40x128xf32, #tpu.memory_space<vmem>>) target(%dma_start3A_534 : memref<10240x128xf32, #tpu.memory_space<vmem_shared>>) offsets(%dma_start3A_531 : memref<40xi32, #tpu.memory_space<vmem>>) semaphore(%dma_start3A_536 : memref<!tpu.dma_semaphore, #tpu.memory_space<semaphore_mem>>) {add = true}
      %mul3A_537 = arith.constant 10 : i32
      %mul3A_538 = arith.muli %scan3A_245, %mul3A_537 : i32
      %add3A_539 = arith.constant 3 : i32
      %add3A_540 = arith.addi %mul3A_538, %add3A_539 : i32
      %add3A_541 = arith.constant 4 : i32
      %add3A_542 = arith.addi %add3A_540, %add3A_541 : i32
      %mul3A_543 = arith.constant 40 : i32
      %mul3A_544 = arith.muli %add3A_542, %mul3A_543 : i32
      %add3A_545 = arith.addi %mul3A_6, %mul3A_544 : i32
      %dma_start3A_546 = arith.constant 7 : i32
      %dma_start3A_547 = arith.constant 7 : i32
      %dma_start3A_548 = arith.constant 0 : i32
      %dma_start3A_549 = tpu.memref_slice %arg7[%dma_start3A_546, %dma_start3A_548] : memref<10x40xi32, #tpu.memory_space<vmem>> -> memref<1x40xi32, #tpu.memory_space<vmem>>
      %dma_start3A_550 = tpu.memref_squeeze %dma_start3A_549 : memref<1x40xi32, #tpu.memory_space<vmem>> -> memref<40xi32, #tpu.memory_space<vmem>>
      %dma_start3A_551 = tpu.memref_slice %arg3[%add3A_545] : memref<320000xi32, #tpu.memory_space<hbm>> -> memref<40xi32, #tpu.memory_space<hbm>>
      %dma_start3A_552 = tpu.memref_slice %arg15[%dma_start3A_547] : memref<10x!tpu.dma_semaphore, #tpu.memory_space<semaphore_mem>> -> memref<1x!tpu.dma_semaphore, #tpu.memory_space<semaphore_mem>>
      %dma_start3A_553 = tpu.memref_squeeze %dma_start3A_552 : memref<1x!tpu.dma_semaphore, #tpu.memory_space<semaphore_mem>> -> memref<!tpu.dma_semaphore, #tpu.memory_space<semaphore_mem>>
      %dma_start3A_554 = arith.constant 0 : i32
      %dma_start3A_555 = tpu.memref_slice %arg7[%dma_start3A_546, %dma_start3A_554] : memref<10x40xi32, #tpu.memory_space<vmem>> -> memref<1x40xi32, #tpu.memory_space<vmem>>
      %dma_start3A_556 = tpu.memref_squeeze %dma_start3A_555 : memref<1x40xi32, #tpu.memory_space<vmem>> -> memref<40xi32, #tpu.memory_space<vmem>>
      %dma_start3A_557 = tpu.memref_slice %arg3[%add3A_545] : memref<320000xi32, #tpu.memory_space<hbm>> -> memref<40xi32, #tpu.memory_space<hbm>>
      tpu.enqueue_dma source(%dma_start3A_557 : memref<40xi32, #tpu.memory_space<hbm>>) target(%dma_start3A_556 : memref<40xi32, #tpu.memory_space<vmem>>) target_semaphore(%dma_start3A_553 : memref<!tpu.dma_semaphore, #tpu.memory_space<semaphore_mem>>)
      %dma_start3A_558 = arith.constant 7 : i32
      %dma_start3A_559 = arith.constant 7 : i32
      %dma_start3A_560 = arith.constant 0 : i32
      %dma_start3A_561 = tpu.memref_slice %arg8[%dma_start3A_558, %dma_start3A_560] : memref<10x40xi32, #tpu.memory_space<vmem>> -> memref<1x40xi32, #tpu.memory_space<vmem>>
      %dma_start3A_562 = tpu.memref_squeeze %dma_start3A_561 : memref<1x40xi32, #tpu.memory_space<vmem>> -> memref<40xi32, #tpu.memory_space<vmem>>
      %dma_start3A_563 = tpu.memref_slice %arg4[%add3A_545] : memref<320000xi32, #tpu.memory_space<hbm>> -> memref<40xi32, #tpu.memory_space<hbm>>
      %dma_start3A_564 = tpu.memref_slice %arg15[%dma_start3A_559] : memref<10x!tpu.dma_semaphore, #tpu.memory_space<semaphore_mem>> -> memref<1x!tpu.dma_semaphore, #tpu.memory_space<semaphore_mem>>
      %dma_start3A_565 = tpu.memref_squeeze %dma_start3A_564 : memref<1x!tpu.dma_semaphore, #tpu.memory_space<semaphore_mem>> -> memref<!tpu.dma_semaphore, #tpu.memory_space<semaphore_mem>>
      %dma_start3A_566 = arith.constant 0 : i32
      %dma_start3A_567 = tpu.memref_slice %arg8[%dma_start3A_558, %dma_start3A_566] : memref<10x40xi32, #tpu.memory_space<vmem>> -> memref<1x40xi32, #tpu.memory_space<vmem>>
      %dma_start3A_568 = tpu.memref_squeeze %dma_start3A_567 : memref<1x40xi32, #tpu.memory_space<vmem>> -> memref<40xi32, #tpu.memory_space<vmem>>
      %dma_start3A_569 = tpu.memref_slice %arg4[%add3A_545] : memref<320000xi32, #tpu.memory_space<hbm>> -> memref<40xi32, #tpu.memory_space<hbm>>
      tpu.enqueue_dma source(%dma_start3A_569 : memref<40xi32, #tpu.memory_space<hbm>>) target(%dma_start3A_568 : memref<40xi32, #tpu.memory_space<vmem>>) target_semaphore(%dma_start3A_565 : memref<!tpu.dma_semaphore, #tpu.memory_space<semaphore_mem>>)
      %add3A_570 = arith.constant 2 : i32
      %add3A_571 = arith.addi %add3A_540, %add3A_570 : i32
      %dma_wait3A_572 = arith.constant 0 : i32
      %dma_wait3A_573 = arith.constant 0 : i32
      %dma_wait3A_574 = arith.constant 0 : i32
      %dma_wait3A_575 = tpu.memref_slice %arg8[%dma_wait3A_572, %dma_wait3A_574] : memref<10x40xi32, #tpu.memory_space<vmem>> -> memref<1x40xi32, #tpu.memory_space<vmem>>
      %dma_wait3A_576 = tpu.memref_squeeze %dma_wait3A_575 : memref<1x40xi32, #tpu.memory_space<vmem>> -> memref<40xi32, #tpu.memory_space<vmem>>
      %dma_wait3A_577 = arith.constant 0 : i32
      %dma_wait3A_578 = arith.constant 0 : i32
      %dma_wait3A_579 = tpu.memref_slice %arg14[%dma_wait3A_577, %dma_wait3A_578] : memref<10240x128xf32, #tpu.memory_space<vmem_shared>> -> memref<10240x128xf32, #tpu.memory_space<vmem_shared>>
      %dma_wait3A_580 = tpu.memref_slice %arg17[%dma_wait3A_573] : memref<5x!tpu.dma_semaphore, #tpu.memory_space<semaphore_mem>> -> memref<1x!tpu.dma_semaphore, #tpu.memory_space<semaphore_mem>>
      %dma_wait3A_581 = tpu.memref_squeeze %dma_wait3A_580 : memref<1x!tpu.dma_semaphore, #tpu.memory_space<semaphore_mem>> -> memref<!tpu.dma_semaphore, #tpu.memory_space<semaphore_mem>>
      tpu.wait_indirect_dma semaphore(%dma_wait3A_581 : memref<!tpu.dma_semaphore, #tpu.memory_space<semaphore_mem>>) src(%arg9 : memref<40x128xf32, #tpu.memory_space<vmem>>) dst(%dma_wait3A_579 : memref<10240x128xf32, #tpu.memory_space<vmem_shared>>)
      %dma_wait3A_582 = arith.constant 5 : i32
      %dma_wait3A_583 = arith.constant 5 : i32
      %dma_wait3A_584 = arith.constant 0 : i32
      %dma_wait3A_585 = tpu.memref_slice %arg7[%dma_wait3A_582, %dma_wait3A_584] : memref<10x40xi32, #tpu.memory_space<vmem>> -> memref<1x40xi32, #tpu.memory_space<vmem>>
      %dma_wait3A_586 = tpu.memref_squeeze %dma_wait3A_585 : memref<1x40xi32, #tpu.memory_space<vmem>> -> memref<40xi32, #tpu.memory_space<vmem>>
      %dma_wait3A_587 = arith.constant 0 : i32
      %dma_wait3A_588 = tpu.memref_slice %arg3[%dma_wait3A_587] : memref<320000xi32, #tpu.memory_space<hbm>> -> memref<40xi32, #tpu.memory_space<hbm>>
      %dma_wait3A_589 = tpu.memref_slice %arg15[%dma_wait3A_583] : memref<10x!tpu.dma_semaphore, #tpu.memory_space<semaphore_mem>> -> memref<1x!tpu.dma_semaphore, #tpu.memory_space<semaphore_mem>>
      %dma_wait3A_590 = tpu.memref_squeeze %dma_wait3A_589 : memref<1x!tpu.dma_semaphore, #tpu.memory_space<semaphore_mem>> -> memref<!tpu.dma_semaphore, #tpu.memory_space<semaphore_mem>>
      %dma_wait3A_591 = arith.constant 0 : i32
      %dma_wait3A_592 = tpu.memref_slice %arg7[%dma_wait3A_582, %dma_wait3A_591] : memref<10x40xi32, #tpu.memory_space<vmem>> -> memref<1x40xi32, #tpu.memory_space<vmem>>
      %dma_wait3A_593 = tpu.memref_squeeze %dma_wait3A_592 : memref<1x40xi32, #tpu.memory_space<vmem>> -> memref<40xi32, #tpu.memory_space<vmem>>
      %dma_wait3A_594 = arith.constant 0 : i32
      %dma_wait3A_595 = tpu.memref_slice %arg3[%dma_wait3A_594] : memref<320000xi32, #tpu.memory_space<hbm>> -> memref<40xi32, #tpu.memory_space<hbm>>
      tpu.wait_dma2 semaphore(%dma_wait3A_590 : memref<!tpu.dma_semaphore, #tpu.memory_space<semaphore_mem>>) src(%dma_wait3A_595 : memref<40xi32, #tpu.memory_space<hbm>>) dst(%dma_wait3A_593 : memref<40xi32, #tpu.memory_space<vmem>>)
      %dma_wait3A_596 = arith.constant 5 : i32
      %dma_wait3A_597 = arith.constant 5 : i32
      %dma_wait3A_598 = arith.constant 0 : i32
      %dma_wait3A_599 = tpu.memref_slice %arg8[%dma_wait3A_596, %dma_wait3A_598] : memref<10x40xi32, #tpu.memory_space<vmem>> -> memref<1x40xi32, #tpu.memory_space<vmem>>
      %dma_wait3A_600 = tpu.memref_squeeze %dma_wait3A_599 : memref<1x40xi32, #tpu.memory_space<vmem>> -> memref<40xi32, #tpu.memory_space<vmem>>
      %dma_wait3A_601 = arith.constant 0 : i32
      %dma_wait3A_602 = tpu.memref_slice %arg4[%dma_wait3A_601] : memref<320000xi32, #tpu.memory_space<hbm>> -> memref<40xi32, #tpu.memory_space<hbm>>
      %dma_wait3A_603 = tpu.memref_slice %arg15[%dma_wait3A_597] : memref<10x!tpu.dma_semaphore, #tpu.memory_space<semaphore_mem>> -> memref<1x!tpu.dma_semaphore, #tpu.memory_space<semaphore_mem>>
      %dma_wait3A_604 = tpu.memref_squeeze %dma_wait3A_603 : memref<1x!tpu.dma_semaphore, #tpu.memory_space<semaphore_mem>> -> memref<!tpu.dma_semaphore, #tpu.memory_space<semaphore_mem>>
      %dma_wait3A_605 = arith.constant 0 : i32
      %dma_wait3A_606 = tpu.memref_slice %arg8[%dma_wait3A_596, %dma_wait3A_605] : memref<10x40xi32, #tpu.memory_space<vmem>> -> memref<1x40xi32, #tpu.memory_space<vmem>>
      %dma_wait3A_607 = tpu.memref_squeeze %dma_wait3A_606 : memref<1x40xi32, #tpu.memory_space<vmem>> -> memref<40xi32, #tpu.memory_space<vmem>>
      %dma_wait3A_608 = arith.constant 0 : i32
      %dma_wait3A_609 = tpu.memref_slice %arg4[%dma_wait3A_608] : memref<320000xi32, #tpu.memory_space<hbm>> -> memref<40xi32, #tpu.memory_space<hbm>>
      tpu.wait_dma2 semaphore(%dma_wait3A_604 : memref<!tpu.dma_semaphore, #tpu.memory_space<semaphore_mem>>) src(%dma_wait3A_609 : memref<40xi32, #tpu.memory_space<hbm>>) dst(%dma_wait3A_607 : memref<40xi32, #tpu.memory_space<vmem>>)
      %dma_start3A_610 = arith.constant 5 : i32
      %dma_start3A_611 = arith.constant 0 : i32
      %dma_start3A_612 = arith.constant 0 : i32
      %dma_start3A_613 = tpu.memref_slice %arg7[%dma_start3A_610, %dma_start3A_612] : memref<10x40xi32, #tpu.memory_space<vmem>> -> memref<1x40xi32, #tpu.memory_space<vmem>>
      %dma_start3A_614 = tpu.memref_squeeze %dma_start3A_613 : memref<1x40xi32, #tpu.memory_space<vmem>> -> memref<40xi32, #tpu.memory_space<vmem>>
      %dma_start3A_615 = arith.constant 0 : i32
      %dma_start3A_616 = arith.constant 0 : i32
      %dma_start3A_617 = tpu.memref_slice %arg2[%dma_start3A_615, %dma_start3A_616] : memref<10000x128xf32, #tpu.memory_space<hbm>> -> memref<10000x128xf32, #tpu.memory_space<hbm>>
      %dma_start3A_618 = tpu.memref_slice %arg16[%dma_start3A_611] : memref<5x!tpu.dma_semaphore, #tpu.memory_space<semaphore_mem>> -> memref<1x!tpu.dma_semaphore, #tpu.memory_space<semaphore_mem>>
      %dma_start3A_619 = tpu.memref_squeeze %dma_start3A_618 : memref<1x!tpu.dma_semaphore, #tpu.memory_space<semaphore_mem>> -> memref<!tpu.dma_semaphore, #tpu.memory_space<semaphore_mem>>
      tpu.enqueue_indirect_dma source(%dma_start3A_617 : memref<10000x128xf32, #tpu.memory_space<hbm>>) target(%arg9 : memref<40x128xf32, #tpu.memory_space<vmem>>) offsets(%dma_start3A_614 : memref<40xi32, #tpu.memory_space<vmem>>) semaphore(%dma_start3A_619 : memref<!tpu.dma_semaphore, #tpu.memory_space<semaphore_mem>>)
      %dma_wait3A_620 = arith.constant 0 : i32
      %dma_wait3A_621 = arith.constant 3 : i32
      %dma_wait3A_622 = arith.constant 0 : i32
      %dma_wait3A_623 = tpu.memref_slice %arg7[%dma_wait3A_620, %dma_wait3A_622] : memref<10x40xi32, #tpu.memory_space<vmem>> -> memref<1x40xi32, #tpu.memory_space<vmem>>
      %dma_wait3A_624 = tpu.memref_squeeze %dma_wait3A_623 : memref<1x40xi32, #tpu.memory_space<vmem>> -> memref<40xi32, #tpu.memory_space<vmem>>
      %dma_wait3A_625 = arith.constant 0 : i32
      %dma_wait3A_626 = arith.constant 0 : i32
      %dma_wait3A_627 = tpu.memref_slice %arg2[%dma_wait3A_625, %dma_wait3A_626] : memref<10000x128xf32, #tpu.memory_space<hbm>> -> memref<10000x128xf32, #tpu.memory_space<hbm>>
      %dma_wait3A_628 = tpu.memref_slice %arg16[%dma_wait3A_621] : memref<5x!tpu.dma_semaphore, #tpu.memory_space<semaphore_mem>> -> memref<1x!tpu.dma_semaphore, #tpu.memory_space<semaphore_mem>>
      %dma_wait3A_629 = tpu.memref_squeeze %dma_wait3A_628 : memref<1x!tpu.dma_semaphore, #tpu.memory_space<semaphore_mem>> -> memref<!tpu.dma_semaphore, #tpu.memory_space<semaphore_mem>>
      tpu.wait_indirect_dma semaphore(%dma_wait3A_629 : memref<!tpu.dma_semaphore, #tpu.memory_space<semaphore_mem>>) src(%dma_wait3A_627 : memref<10000x128xf32, #tpu.memory_space<hbm>>) dst(%arg12 : memref<40x128xf32, #tpu.memory_space<vmem>>)
      %dma_start3A_630 = arith.constant 3 : i32
      %dma_start3A_631 = arith.constant 3 : i32
      %dma_start3A_632 = arith.constant 0 : i32
      %dma_start3A_633 = tpu.memref_slice %arg8[%dma_start3A_630, %dma_start3A_632] : memref<10x40xi32, #tpu.memory_space<vmem>> -> memref<1x40xi32, #tpu.memory_space<vmem>>
      %dma_start3A_634 = tpu.memref_squeeze %dma_start3A_633 : memref<1x40xi32, #tpu.memory_space<vmem>> -> memref<40xi32, #tpu.memory_space<vmem>>
      %dma_start3A_635 = arith.constant 0 : i32
      %dma_start3A_636 = arith.constant 0 : i32
      %dma_start3A_637 = tpu.memref_slice %arg14[%dma_start3A_635, %dma_start3A_636] : memref<10240x128xf32, #tpu.memory_space<vmem_shared>> -> memref<10240x128xf32, #tpu.memory_space<vmem_shared>>
      %dma_start3A_638 = tpu.memref_slice %arg17[%dma_start3A_631] : memref<5x!tpu.dma_semaphore, #tpu.memory_space<semaphore_mem>> -> memref<1x!tpu.dma_semaphore, #tpu.memory_space<semaphore_mem>>
      %dma_start3A_639 = tpu.memref_squeeze %dma_start3A_638 : memref<1x!tpu.dma_semaphore, #tpu.memory_space<semaphore_mem>> -> memref<!tpu.dma_semaphore, #tpu.memory_space<semaphore_mem>>
      tpu.enqueue_indirect_dma source(%arg12 : memref<40x128xf32, #tpu.memory_space<vmem>>) target(%dma_start3A_637 : memref<10240x128xf32, #tpu.memory_space<vmem_shared>>) offsets(%dma_start3A_634 : memref<40xi32, #tpu.memory_space<vmem>>) semaphore(%dma_start3A_639 : memref<!tpu.dma_semaphore, #tpu.memory_space<semaphore_mem>>) {add = true}
      %mul3A_640 = arith.constant 10 : i32
      %mul3A_641 = arith.muli %scan3A_245, %mul3A_640 : i32
      %add3A_642 = arith.constant 4 : i32
      %add3A_643 = arith.addi %mul3A_641, %add3A_642 : i32
      %add3A_644 = arith.constant 4 : i32
      %add3A_645 = arith.addi %add3A_643, %add3A_644 : i32
      %mul3A_646 = arith.constant 40 : i32
      %mul3A_647 = arith.muli %add3A_645, %mul3A_646 : i32
      %add3A_648 = arith.addi %mul3A_6, %mul3A_647 : i32
      %dma_start3A_649 = arith.constant 8 : i32
      %dma_start3A_650 = arith.constant 8 : i32
      %dma_start3A_651 = arith.constant 0 : i32
      %dma_start3A_652 = tpu.memref_slice %arg7[%dma_start3A_649, %dma_start3A_651] : memref<10x40xi32, #tpu.memory_space<vmem>> -> memref<1x40xi32, #tpu.memory_space<vmem>>
      %dma_start3A_653 = tpu.memref_squeeze %dma_start3A_652 : memref<1x40xi32, #tpu.memory_space<vmem>> -> memref<40xi32, #tpu.memory_space<vmem>>
      %dma_start3A_654 = tpu.memref_slice %arg3[%add3A_648] : memref<320000xi32, #tpu.memory_space<hbm>> -> memref<40xi32, #tpu.memory_space<hbm>>
      %dma_start3A_655 = tpu.memref_slice %arg15[%dma_start3A_650] : memref<10x!tpu.dma_semaphore, #tpu.memory_space<semaphore_mem>> -> memref<1x!tpu.dma_semaphore, #tpu.memory_space<semaphore_mem>>
      %dma_start3A_656 = tpu.memref_squeeze %dma_start3A_655 : memref<1x!tpu.dma_semaphore, #tpu.memory_space<semaphore_mem>> -> memref<!tpu.dma_semaphore, #tpu.memory_space<semaphore_mem>>
      %dma_start3A_657 = arith.constant 0 : i32
      %dma_start3A_658 = tpu.memref_slice %arg7[%dma_start3A_649, %dma_start3A_657] : memref<10x40xi32, #tpu.memory_space<vmem>> -> memref<1x40xi32, #tpu.memory_space<vmem>>
      %dma_start3A_659 = tpu.memref_squeeze %dma_start3A_658 : memref<1x40xi32, #tpu.memory_space<vmem>> -> memref<40xi32, #tpu.memory_space<vmem>>
      %dma_start3A_660 = tpu.memref_slice %arg3[%add3A_648] : memref<320000xi32, #tpu.memory_space<hbm>> -> memref<40xi32, #tpu.memory_space<hbm>>
      tpu.enqueue_dma source(%dma_start3A_660 : memref<40xi32, #tpu.memory_space<hbm>>) target(%dma_start3A_659 : memref<40xi32, #tpu.memory_space<vmem>>) target_semaphore(%dma_start3A_656 : memref<!tpu.dma_semaphore, #tpu.memory_space<semaphore_mem>>)
      %dma_start3A_661 = arith.constant 8 : i32
      %dma_start3A_662 = arith.constant 8 : i32
      %dma_start3A_663 = arith.constant 0 : i32
      %dma_start3A_664 = tpu.memref_slice %arg8[%dma_start3A_661, %dma_start3A_663] : memref<10x40xi32, #tpu.memory_space<vmem>> -> memref<1x40xi32, #tpu.memory_space<vmem>>
      %dma_start3A_665 = tpu.memref_squeeze %dma_start3A_664 : memref<1x40xi32, #tpu.memory_space<vmem>> -> memref<40xi32, #tpu.memory_space<vmem>>
      %dma_start3A_666 = tpu.memref_slice %arg4[%add3A_648] : memref<320000xi32, #tpu.memory_space<hbm>> -> memref<40xi32, #tpu.memory_space<hbm>>
      %dma_start3A_667 = tpu.memref_slice %arg15[%dma_start3A_662] : memref<10x!tpu.dma_semaphore, #tpu.memory_space<semaphore_mem>> -> memref<1x!tpu.dma_semaphore, #tpu.memory_space<semaphore_mem>>
      %dma_start3A_668 = tpu.memref_squeeze %dma_start3A_667 : memref<1x!tpu.dma_semaphore, #tpu.memory_space<semaphore_mem>> -> memref<!tpu.dma_semaphore, #tpu.memory_space<semaphore_mem>>
      %dma_start3A_669 = arith.constant 0 : i32
      %dma_start3A_670 = tpu.memref_slice %arg8[%dma_start3A_661, %dma_start3A_669] : memref<10x40xi32, #tpu.memory_space<vmem>> -> memref<1x40xi32, #tpu.memory_space<vmem>>
      %dma_start3A_671 = tpu.memref_squeeze %dma_start3A_670 : memref<1x40xi32, #tpu.memory_space<vmem>> -> memref<40xi32, #tpu.memory_space<vmem>>
      %dma_start3A_672 = tpu.memref_slice %arg4[%add3A_648] : memref<320000xi32, #tpu.memory_space<hbm>> -> memref<40xi32, #tpu.memory_space<hbm>>
      tpu.enqueue_dma source(%dma_start3A_672 : memref<40xi32, #tpu.memory_space<hbm>>) target(%dma_start3A_671 : memref<40xi32, #tpu.memory_space<vmem>>) target_semaphore(%dma_start3A_668 : memref<!tpu.dma_semaphore, #tpu.memory_space<semaphore_mem>>)
      %add3A_673 = arith.constant 2 : i32
      %add3A_674 = arith.addi %add3A_643, %add3A_673 : i32
      %dma_wait3A_675 = arith.constant 0 : i32
      %dma_wait3A_676 = arith.constant 1 : i32
      %dma_wait3A_677 = arith.constant 0 : i32
      %dma_wait3A_678 = tpu.memref_slice %arg8[%dma_wait3A_675, %dma_wait3A_677] : memref<10x40xi32, #tpu.memory_space<vmem>> -> memref<1x40xi32, #tpu.memory_space<vmem>>
      %dma_wait3A_679 = tpu.memref_squeeze %dma_wait3A_678 : memref<1x40xi32, #tpu.memory_space<vmem>> -> memref<40xi32, #tpu.memory_space<vmem>>
      %dma_wait3A_680 = arith.constant 0 : i32
      %dma_wait3A_681 = arith.constant 0 : i32
      %dma_wait3A_682 = tpu.memref_slice %arg14[%dma_wait3A_680, %dma_wait3A_681] : memref<10240x128xf32, #tpu.memory_space<vmem_shared>> -> memref<10240x128xf32, #tpu.memory_space<vmem_shared>>
      %dma_wait3A_683 = tpu.memref_slice %arg17[%dma_wait3A_676] : memref<5x!tpu.dma_semaphore, #tpu.memory_space<semaphore_mem>> -> memref<1x!tpu.dma_semaphore, #tpu.memory_space<semaphore_mem>>
      %dma_wait3A_684 = tpu.memref_squeeze %dma_wait3A_683 : memref<1x!tpu.dma_semaphore, #tpu.memory_space<semaphore_mem>> -> memref<!tpu.dma_semaphore, #tpu.memory_space<semaphore_mem>>
      tpu.wait_indirect_dma semaphore(%dma_wait3A_684 : memref<!tpu.dma_semaphore, #tpu.memory_space<semaphore_mem>>) src(%arg10 : memref<40x128xf32, #tpu.memory_space<vmem>>) dst(%dma_wait3A_682 : memref<10240x128xf32, #tpu.memory_space<vmem_shared>>)
      %dma_wait3A_685 = arith.constant 6 : i32
      %dma_wait3A_686 = arith.constant 6 : i32
      %dma_wait3A_687 = arith.constant 0 : i32
      %dma_wait3A_688 = tpu.memref_slice %arg7[%dma_wait3A_685, %dma_wait3A_687] : memref<10x40xi32, #tpu.memory_space<vmem>> -> memref<1x40xi32, #tpu.memory_space<vmem>>
      %dma_wait3A_689 = tpu.memref_squeeze %dma_wait3A_688 : memref<1x40xi32, #tpu.memory_space<vmem>> -> memref<40xi32, #tpu.memory_space<vmem>>
      %dma_wait3A_690 = arith.constant 0 : i32
      %dma_wait3A_691 = tpu.memref_slice %arg3[%dma_wait3A_690] : memref<320000xi32, #tpu.memory_space<hbm>> -> memref<40xi32, #tpu.memory_space<hbm>>
      %dma_wait3A_692 = tpu.memref_slice %arg15[%dma_wait3A_686] : memref<10x!tpu.dma_semaphore, #tpu.memory_space<semaphore_mem>> -> memref<1x!tpu.dma_semaphore, #tpu.memory_space<semaphore_mem>>
      %dma_wait3A_693 = tpu.memref_squeeze %dma_wait3A_692 : memref<1x!tpu.dma_semaphore, #tpu.memory_space<semaphore_mem>> -> memref<!tpu.dma_semaphore, #tpu.memory_space<semaphore_mem>>
      %dma_wait3A_694 = arith.constant 0 : i32
      %dma_wait3A_695 = tpu.memref_slice %arg7[%dma_wait3A_685, %dma_wait3A_694] : memref<10x40xi32, #tpu.memory_space<vmem>> -> memref<1x40xi32, #tpu.memory_space<vmem>>
      %dma_wait3A_696 = tpu.memref_squeeze %dma_wait3A_695 : memref<1x40xi32, #tpu.memory_space<vmem>> -> memref<40xi32, #tpu.memory_space<vmem>>
      %dma_wait3A_697 = arith.constant 0 : i32
      %dma_wait3A_698 = tpu.memref_slice %arg3[%dma_wait3A_697] : memref<320000xi32, #tpu.memory_space<hbm>> -> memref<40xi32, #tpu.memory_space<hbm>>
      tpu.wait_dma2 semaphore(%dma_wait3A_693 : memref<!tpu.dma_semaphore, #tpu.memory_space<semaphore_mem>>) src(%dma_wait3A_698 : memref<40xi32, #tpu.memory_space<hbm>>) dst(%dma_wait3A_696 : memref<40xi32, #tpu.memory_space<vmem>>)
      %dma_wait3A_699 = arith.constant 6 : i32
      %dma_wait3A_700 = arith.constant 6 : i32
      %dma_wait3A_701 = arith.constant 0 : i32
      %dma_wait3A_702 = tpu.memref_slice %arg8[%dma_wait3A_699, %dma_wait3A_701] : memref<10x40xi32, #tpu.memory_space<vmem>> -> memref<1x40xi32, #tpu.memory_space<vmem>>
      %dma_wait3A_703 = tpu.memref_squeeze %dma_wait3A_702 : memref<1x40xi32, #tpu.memory_space<vmem>> -> memref<40xi32, #tpu.memory_space<vmem>>
      %dma_wait3A_704 = arith.constant 0 : i32
      %dma_wait3A_705 = tpu.memref_slice %arg4[%dma_wait3A_704] : memref<320000xi32, #tpu.memory_space<hbm>> -> memref<40xi32, #tpu.memory_space<hbm>>
      %dma_wait3A_706 = tpu.memref_slice %arg15[%dma_wait3A_700] : memref<10x!tpu.dma_semaphore, #tpu.memory_space<semaphore_mem>> -> memref<1x!tpu.dma_semaphore, #tpu.memory_space<semaphore_mem>>
      %dma_wait3A_707 = tpu.memref_squeeze %dma_wait3A_706 : memref<1x!tpu.dma_semaphore, #tpu.memory_space<semaphore_mem>> -> memref<!tpu.dma_semaphore, #tpu.memory_space<semaphore_mem>>
      %dma_wait3A_708 = arith.constant 0 : i32
      %dma_wait3A_709 = tpu.memref_slice %arg8[%dma_wait3A_699, %dma_wait3A_708] : memref<10x40xi32, #tpu.memory_space<vmem>> -> memref<1x40xi32, #tpu.memory_space<vmem>>
      %dma_wait3A_710 = tpu.memref_squeeze %dma_wait3A_709 : memref<1x40xi32, #tpu.memory_space<vmem>> -> memref<40xi32, #tpu.memory_space<vmem>>
      %dma_wait3A_711 = arith.constant 0 : i32
      %dma_wait3A_712 = tpu.memref_slice %arg4[%dma_wait3A_711] : memref<320000xi32, #tpu.memory_space<hbm>> -> memref<40xi32, #tpu.memory_space<hbm>>
      tpu.wait_dma2 semaphore(%dma_wait3A_707 : memref<!tpu.dma_semaphore, #tpu.memory_space<semaphore_mem>>) src(%dma_wait3A_712 : memref<40xi32, #tpu.memory_space<hbm>>) dst(%dma_wait3A_710 : memref<40xi32, #tpu.memory_space<vmem>>)
      %dma_start3A_713 = arith.constant 6 : i32
      %dma_start3A_714 = arith.constant 1 : i32
      %dma_start3A_715 = arith.constant 0 : i32
      %dma_start3A_716 = tpu.memref_slice %arg7[%dma_start3A_713, %dma_start3A_715] : memref<10x40xi32, #tpu.memory_space<vmem>> -> memref<1x40xi32, #tpu.memory_space<vmem>>
      %dma_start3A_717 = tpu.memref_squeeze %dma_start3A_716 : memref<1x40xi32, #tpu.memory_space<vmem>> -> memref<40xi32, #tpu.memory_space<vmem>>
      %dma_start3A_718 = arith.constant 0 : i32
      %dma_start3A_719 = arith.constant 0 : i32
      %dma_start3A_720 = tpu.memref_slice %arg2[%dma_start3A_718, %dma_start3A_719] : memref<10000x128xf32, #tpu.memory_space<hbm>> -> memref<10000x128xf32, #tpu.memory_space<hbm>>
      %dma_start3A_721 = tpu.memref_slice %arg16[%dma_start3A_714] : memref<5x!tpu.dma_semaphore, #tpu.memory_space<semaphore_mem>> -> memref<1x!tpu.dma_semaphore, #tpu.memory_space<semaphore_mem>>
      %dma_start3A_722 = tpu.memref_squeeze %dma_start3A_721 : memref<1x!tpu.dma_semaphore, #tpu.memory_space<semaphore_mem>> -> memref<!tpu.dma_semaphore, #tpu.memory_space<semaphore_mem>>
      tpu.enqueue_indirect_dma source(%dma_start3A_720 : memref<10000x128xf32, #tpu.memory_space<hbm>>) target(%arg10 : memref<40x128xf32, #tpu.memory_space<vmem>>) offsets(%dma_start3A_717 : memref<40xi32, #tpu.memory_space<vmem>>) semaphore(%dma_start3A_722 : memref<!tpu.dma_semaphore, #tpu.memory_space<semaphore_mem>>)
      %dma_wait3A_723 = arith.constant 0 : i32
      %dma_wait3A_724 = arith.constant 4 : i32
      %dma_wait3A_725 = arith.constant 0 : i32
      %dma_wait3A_726 = tpu.memref_slice %arg7[%dma_wait3A_723, %dma_wait3A_725] : memref<10x40xi32, #tpu.memory_space<vmem>> -> memref<1x40xi32, #tpu.memory_space<vmem>>
      %dma_wait3A_727 = tpu.memref_squeeze %dma_wait3A_726 : memref<1x40xi32, #tpu.memory_space<vmem>> -> memref<40xi32, #tpu.memory_space<vmem>>
      %dma_wait3A_728 = arith.constant 0 : i32
      %dma_wait3A_729 = arith.constant 0 : i32
      %dma_wait3A_730 = tpu.memref_slice %arg2[%dma_wait3A_728, %dma_wait3A_729] : memref<10000x128xf32, #tpu.memory_space<hbm>> -> memref<10000x128xf32, #tpu.memory_space<hbm>>
      %dma_wait3A_731 = tpu.memref_slice %arg16[%dma_wait3A_724] : memref<5x!tpu.dma_semaphore, #tpu.memory_space<semaphore_mem>> -> memref<1x!tpu.dma_semaphore, #tpu.memory_space<semaphore_mem>>
      %dma_wait3A_732 = tpu.memref_squeeze %dma_wait3A_731 : memref<1x!tpu.dma_semaphore, #tpu.memory_space<semaphore_mem>> -> memref<!tpu.dma_semaphore, #tpu.memory_space<semaphore_mem>>
      tpu.wait_indirect_dma semaphore(%dma_wait3A_732 : memref<!tpu.dma_semaphore, #tpu.memory_space<semaphore_mem>>) src(%dma_wait3A_730 : memref<10000x128xf32, #tpu.memory_space<hbm>>) dst(%arg13 : memref<40x128xf32, #tpu.memory_space<vmem>>)
      %dma_start3A_733 = arith.constant 4 : i32
      %dma_start3A_734 = arith.constant 4 : i32
      %dma_start3A_735 = arith.constant 0 : i32
      %dma_start3A_736 = tpu.memref_slice %arg8[%dma_start3A_733, %dma_start3A_735] : memref<10x40xi32, #tpu.memory_space<vmem>> -> memref<1x40xi32, #tpu.memory_space<vmem>>
      %dma_start3A_737 = tpu.memref_squeeze %dma_start3A_736 : memref<1x40xi32, #tpu.memory_space<vmem>> -> memref<40xi32, #tpu.memory_space<vmem>>
      %dma_start3A_738 = arith.constant 0 : i32
      %dma_start3A_739 = arith.constant 0 : i32
      %dma_start3A_740 = tpu.memref_slice %arg14[%dma_start3A_738, %dma_start3A_739] : memref<10240x128xf32, #tpu.memory_space<vmem_shared>> -> memref<10240x128xf32, #tpu.memory_space<vmem_shared>>
      %dma_start3A_741 = tpu.memref_slice %arg17[%dma_start3A_734] : memref<5x!tpu.dma_semaphore, #tpu.memory_space<semaphore_mem>> -> memref<1x!tpu.dma_semaphore, #tpu.memory_space<semaphore_mem>>
      %dma_start3A_742 = tpu.memref_squeeze %dma_start3A_741 : memref<1x!tpu.dma_semaphore, #tpu.memory_space<semaphore_mem>> -> memref<!tpu.dma_semaphore, #tpu.memory_space<semaphore_mem>>
      tpu.enqueue_indirect_dma source(%arg13 : memref<40x128xf32, #tpu.memory_space<vmem>>) target(%dma_start3A_740 : memref<10240x128xf32, #tpu.memory_space<vmem_shared>>) offsets(%dma_start3A_737 : memref<40xi32, #tpu.memory_space<vmem>>) semaphore(%dma_start3A_742 : memref<!tpu.dma_semaphore, #tpu.memory_space<semaphore_mem>>) {add = true}
      %mul3A_743 = arith.constant 10 : i32
      %mul3A_744 = arith.muli %scan3A_245, %mul3A_743 : i32
      %add3A_745 = arith.constant 5 : i32
      %add3A_746 = arith.addi %mul3A_744, %add3A_745 : i32
      %add3A_747 = arith.constant 4 : i32
      %add3A_748 = arith.addi %add3A_746, %add3A_747 : i32
      %mul3A_749 = arith.constant 40 : i32
      %mul3A_750 = arith.muli %add3A_748, %mul3A_749 : i32
      %add3A_751 = arith.addi %mul3A_6, %mul3A_750 : i32
      %dma_start3A_752 = arith.constant 9 : i32
      %dma_start3A_753 = arith.constant 9 : i32
      %dma_start3A_754 = arith.constant 0 : i32
      %dma_start3A_755 = tpu.memref_slice %arg7[%dma_start3A_752, %dma_start3A_754] : memref<10x40xi32, #tpu.memory_space<vmem>> -> memref<1x40xi32, #tpu.memory_space<vmem>>
      %dma_start3A_756 = tpu.memref_squeeze %dma_start3A_755 : memref<1x40xi32, #tpu.memory_space<vmem>> -> memref<40xi32, #tpu.memory_space<vmem>>
      %dma_start3A_757 = tpu.memref_slice %arg3[%add3A_751] : memref<320000xi32, #tpu.memory_space<hbm>> -> memref<40xi32, #tpu.memory_space<hbm>>
      %dma_start3A_758 = tpu.memref_slice %arg15[%dma_start3A_753] : memref<10x!tpu.dma_semaphore, #tpu.memory_space<semaphore_mem>> -> memref<1x!tpu.dma_semaphore, #tpu.memory_space<semaphore_mem>>
      %dma_start3A_759 = tpu.memref_squeeze %dma_start3A_758 : memref<1x!tpu.dma_semaphore, #tpu.memory_space<semaphore_mem>> -> memref<!tpu.dma_semaphore, #tpu.memory_space<semaphore_mem>>
      %dma_start3A_760 = arith.constant 0 : i32
      %dma_start3A_761 = tpu.memref_slice %arg7[%dma_start3A_752, %dma_start3A_760] : memref<10x40xi32, #tpu.memory_space<vmem>> -> memref<1x40xi32, #tpu.memory_space<vmem>>
      %dma_start3A_762 = tpu.memref_squeeze %dma_start3A_761 : memref<1x40xi32, #tpu.memory_space<vmem>> -> memref<40xi32, #tpu.memory_space<vmem>>
      %dma_start3A_763 = tpu.memref_slice %arg3[%add3A_751] : memref<320000xi32, #tpu.memory_space<hbm>> -> memref<40xi32, #tpu.memory_space<hbm>>
      tpu.enqueue_dma source(%dma_start3A_763 : memref<40xi32, #tpu.memory_space<hbm>>) target(%dma_start3A_762 : memref<40xi32, #tpu.memory_space<vmem>>) target_semaphore(%dma_start3A_759 : memref<!tpu.dma_semaphore, #tpu.memory_space<semaphore_mem>>)
      %dma_start3A_764 = arith.constant 9 : i32
      %dma_start3A_765 = arith.constant 9 : i32
      %dma_start3A_766 = arith.constant 0 : i32
      %dma_start3A_767 = tpu.memref_slice %arg8[%dma_start3A_764, %dma_start3A_766] : memref<10x40xi32, #tpu.memory_space<vmem>> -> memref<1x40xi32, #tpu.memory_space<vmem>>
      %dma_start3A_768 = tpu.memref_squeeze %dma_start3A_767 : memref<1x40xi32, #tpu.memory_space<vmem>> -> memref<40xi32, #tpu.memory_space<vmem>>
      %dma_start3A_769 = tpu.memref_slice %arg4[%add3A_751] : memref<320000xi32, #tpu.memory_space<hbm>> -> memref<40xi32, #tpu.memory_space<hbm>>
      %dma_start3A_770 = tpu.memref_slice %arg15[%dma_start3A_765] : memref<10x!tpu.dma_semaphore, #tpu.memory_space<semaphore_mem>> -> memref<1x!tpu.dma_semaphore, #tpu.memory_space<semaphore_mem>>
      %dma_start3A_771 = tpu.memref_squeeze %dma_start3A_770 : memref<1x!tpu.dma_semaphore, #tpu.memory_space<semaphore_mem>> -> memref<!tpu.dma_semaphore, #tpu.memory_space<semaphore_mem>>
      %dma_start3A_772 = arith.constant 0 : i32
      %dma_start3A_773 = tpu.memref_slice %arg8[%dma_start3A_764, %dma_start3A_772] : memref<10x40xi32, #tpu.memory_space<vmem>> -> memref<1x40xi32, #tpu.memory_space<vmem>>
      %dma_start3A_774 = tpu.memref_squeeze %dma_start3A_773 : memref<1x40xi32, #tpu.memory_space<vmem>> -> memref<40xi32, #tpu.memory_space<vmem>>
      %dma_start3A_775 = tpu.memref_slice %arg4[%add3A_751] : memref<320000xi32, #tpu.memory_space<hbm>> -> memref<40xi32, #tpu.memory_space<hbm>>
      tpu.enqueue_dma source(%dma_start3A_775 : memref<40xi32, #tpu.memory_space<hbm>>) target(%dma_start3A_774 : memref<40xi32, #tpu.memory_space<vmem>>) target_semaphore(%dma_start3A_771 : memref<!tpu.dma_semaphore, #tpu.memory_space<semaphore_mem>>)
      %add3A_776 = arith.constant 2 : i32
      %add3A_777 = arith.addi %add3A_746, %add3A_776 : i32
      %dma_wait3A_778 = arith.constant 0 : i32
      %dma_wait3A_779 = arith.constant 2 : i32
      %dma_wait3A_780 = arith.constant 0 : i32
      %dma_wait3A_781 = tpu.memref_slice %arg8[%dma_wait3A_778, %dma_wait3A_780] : memref<10x40xi32, #tpu.memory_space<vmem>> -> memref<1x40xi32, #tpu.memory_space<vmem>>
      %dma_wait3A_782 = tpu.memref_squeeze %dma_wait3A_781 : memref<1x40xi32, #tpu.memory_space<vmem>> -> memref<40xi32, #tpu.memory_space<vmem>>
      %dma_wait3A_783 = arith.constant 0 : i32
      %dma_wait3A_784 = arith.constant 0 : i32
      %dma_wait3A_785 = tpu.memref_slice %arg14[%dma_wait3A_783, %dma_wait3A_784] : memref<10240x128xf32, #tpu.memory_space<vmem_shared>> -> memref<10240x128xf32, #tpu.memory_space<vmem_shared>>
      %dma_wait3A_786 = tpu.memref_slice %arg17[%dma_wait3A_779] : memref<5x!tpu.dma_semaphore, #tpu.memory_space<semaphore_mem>> -> memref<1x!tpu.dma_semaphore, #tpu.memory_space<semaphore_mem>>
      %dma_wait3A_787 = tpu.memref_squeeze %dma_wait3A_786 : memref<1x!tpu.dma_semaphore, #tpu.memory_space<semaphore_mem>> -> memref<!tpu.dma_semaphore, #tpu.memory_space<semaphore_mem>>
      tpu.wait_indirect_dma semaphore(%dma_wait3A_787 : memref<!tpu.dma_semaphore, #tpu.memory_space<semaphore_mem>>) src(%arg11 : memref<40x128xf32, #tpu.memory_space<vmem>>) dst(%dma_wait3A_785 : memref<10240x128xf32, #tpu.memory_space<vmem_shared>>)
      %dma_wait3A_788 = arith.constant 7 : i32
      %dma_wait3A_789 = arith.constant 7 : i32
      %dma_wait3A_790 = arith.constant 0 : i32
      %dma_wait3A_791 = tpu.memref_slice %arg7[%dma_wait3A_788, %dma_wait3A_790] : memref<10x40xi32, #tpu.memory_space<vmem>> -> memref<1x40xi32, #tpu.memory_space<vmem>>
      %dma_wait3A_792 = tpu.memref_squeeze %dma_wait3A_791 : memref<1x40xi32, #tpu.memory_space<vmem>> -> memref<40xi32, #tpu.memory_space<vmem>>
      %dma_wait3A_793 = arith.constant 0 : i32
      %dma_wait3A_794 = tpu.memref_slice %arg3[%dma_wait3A_793] : memref<320000xi32, #tpu.memory_space<hbm>> -> memref<40xi32, #tpu.memory_space<hbm>>
      %dma_wait3A_795 = tpu.memref_slice %arg15[%dma_wait3A_789] : memref<10x!tpu.dma_semaphore, #tpu.memory_space<semaphore_mem>> -> memref<1x!tpu.dma_semaphore, #tpu.memory_space<semaphore_mem>>
      %dma_wait3A_796 = tpu.memref_squeeze %dma_wait3A_795 : memref<1x!tpu.dma_semaphore, #tpu.memory_space<semaphore_mem>> -> memref<!tpu.dma_semaphore, #tpu.memory_space<semaphore_mem>>
      %dma_wait3A_797 = arith.constant 0 : i32
      %dma_wait3A_798 = tpu.memref_slice %arg7[%dma_wait3A_788, %dma_wait3A_797] : memref<10x40xi32, #tpu.memory_space<vmem>> -> memref<1x40xi32, #tpu.memory_space<vmem>>
      %dma_wait3A_799 = tpu.memref_squeeze %dma_wait3A_798 : memref<1x40xi32, #tpu.memory_space<vmem>> -> memref<40xi32, #tpu.memory_space<vmem>>
      %dma_wait3A_800 = arith.constant 0 : i32
      %dma_wait3A_801 = tpu.memref_slice %arg3[%dma_wait3A_800] : memref<320000xi32, #tpu.memory_space<hbm>> -> memref<40xi32, #tpu.memory_space<hbm>>
      tpu.wait_dma2 semaphore(%dma_wait3A_796 : memref<!tpu.dma_semaphore, #tpu.memory_space<semaphore_mem>>) src(%dma_wait3A_801 : memref<40xi32, #tpu.memory_space<hbm>>) dst(%dma_wait3A_799 : memref<40xi32, #tpu.memory_space<vmem>>)
      %dma_wait3A_802 = arith.constant 7 : i32
      %dma_wait3A_803 = arith.constant 7 : i32
      %dma_wait3A_804 = arith.constant 0 : i32
      %dma_wait3A_805 = tpu.memref_slice %arg8[%dma_wait3A_802, %dma_wait3A_804] : memref<10x40xi32, #tpu.memory_space<vmem>> -> memref<1x40xi32, #tpu.memory_space<vmem>>
      %dma_wait3A_806 = tpu.memref_squeeze %dma_wait3A_805 : memref<1x40xi32, #tpu.memory_space<vmem>> -> memref<40xi32, #tpu.memory_space<vmem>>
      %dma_wait3A_807 = arith.constant 0 : i32
      %dma_wait3A_808 = tpu.memref_slice %arg4[%dma_wait3A_807] : memref<320000xi32, #tpu.memory_space<hbm>> -> memref<40xi32, #tpu.memory_space<hbm>>
      %dma_wait3A_809 = tpu.memref_slice %arg15[%dma_wait3A_803] : memref<10x!tpu.dma_semaphore, #tpu.memory_space<semaphore_mem>> -> memref<1x!tpu.dma_semaphore, #tpu.memory_space<semaphore_mem>>
      %dma_wait3A_810 = tpu.memref_squeeze %dma_wait3A_809 : memref<1x!tpu.dma_semaphore, #tpu.memory_space<semaphore_mem>> -> memref<!tpu.dma_semaphore, #tpu.memory_space<semaphore_mem>>
      %dma_wait3A_811 = arith.constant 0 : i32
      %dma_wait3A_812 = tpu.memref_slice %arg8[%dma_wait3A_802, %dma_wait3A_811] : memref<10x40xi32, #tpu.memory_space<vmem>> -> memref<1x40xi32, #tpu.memory_space<vmem>>
      %dma_wait3A_813 = tpu.memref_squeeze %dma_wait3A_812 : memref<1x40xi32, #tpu.memory_space<vmem>> -> memref<40xi32, #tpu.memory_space<vmem>>
      %dma_wait3A_814 = arith.constant 0 : i32
      %dma_wait3A_815 = tpu.memref_slice %arg4[%dma_wait3A_814] : memref<320000xi32, #tpu.memory_space<hbm>> -> memref<40xi32, #tpu.memory_space<hbm>>
      tpu.wait_dma2 semaphore(%dma_wait3A_810 : memref<!tpu.dma_semaphore, #tpu.memory_space<semaphore_mem>>) src(%dma_wait3A_815 : memref<40xi32, #tpu.memory_space<hbm>>) dst(%dma_wait3A_813 : memref<40xi32, #tpu.memory_space<vmem>>)
      %dma_start3A_816 = arith.constant 7 : i32
      %dma_start3A_817 = arith.constant 2 : i32
      %dma_start3A_818 = arith.constant 0 : i32
      %dma_start3A_819 = tpu.memref_slice %arg7[%dma_start3A_816, %dma_start3A_818] : memref<10x40xi32, #tpu.memory_space<vmem>> -> memref<1x40xi32, #tpu.memory_space<vmem>>
      %dma_start3A_820 = tpu.memref_squeeze %dma_start3A_819 : memref<1x40xi32, #tpu.memory_space<vmem>> -> memref<40xi32, #tpu.memory_space<vmem>>
      %dma_start3A_821 = arith.constant 0 : i32
      %dma_start3A_822 = arith.constant 0 : i32
      %dma_start3A_823 = tpu.memref_slice %arg2[%dma_start3A_821, %dma_start3A_822] : memref<10000x128xf32, #tpu.memory_space<hbm>> -> memref<10000x128xf32, #tpu.memory_space<hbm>>
      %dma_start3A_824 = tpu.memref_slice %arg16[%dma_start3A_817] : memref<5x!tpu.dma_semaphore, #tpu.memory_space<semaphore_mem>> -> memref<1x!tpu.dma_semaphore, #tpu.memory_space<semaphore_mem>>
      %dma_start3A_825 = tpu.memref_squeeze %dma_start3A_824 : memref<1x!tpu.dma_semaphore, #tpu.memory_space<semaphore_mem>> -> memref<!tpu.dma_semaphore, #tpu.memory_space<semaphore_mem>>
      tpu.enqueue_indirect_dma source(%dma_start3A_823 : memref<10000x128xf32, #tpu.memory_space<hbm>>) target(%arg11 : memref<40x128xf32, #tpu.memory_space<vmem>>) offsets(%dma_start3A_820 : memref<40xi32, #tpu.memory_space<vmem>>) semaphore(%dma_start3A_825 : memref<!tpu.dma_semaphore, #tpu.memory_space<semaphore_mem>>)
      %dma_wait3A_826 = arith.constant 0 : i32
      %dma_wait3A_827 = arith.constant 0 : i32
      %dma_wait3A_828 = arith.constant 0 : i32
      %dma_wait3A_829 = tpu.memref_slice %arg7[%dma_wait3A_826, %dma_wait3A_828] : memref<10x40xi32, #tpu.memory_space<vmem>> -> memref<1x40xi32, #tpu.memory_space<vmem>>
      %dma_wait3A_830 = tpu.memref_squeeze %dma_wait3A_829 : memref<1x40xi32, #tpu.memory_space<vmem>> -> memref<40xi32, #tpu.memory_space<vmem>>
      %dma_wait3A_831 = arith.constant 0 : i32
      %dma_wait3A_832 = arith.constant 0 : i32
      %dma_wait3A_833 = tpu.memref_slice %arg2[%dma_wait3A_831, %dma_wait3A_832] : memref<10000x128xf32, #tpu.memory_space<hbm>> -> memref<10000x128xf32, #tpu.memory_space<hbm>>
      %dma_wait3A_834 = tpu.memref_slice %arg16[%dma_wait3A_827] : memref<5x!tpu.dma_semaphore, #tpu.memory_space<semaphore_mem>> -> memref<1x!tpu.dma_semaphore, #tpu.memory_space<semaphore_mem>>
      %dma_wait3A_835 = tpu.memref_squeeze %dma_wait3A_834 : memref<1x!tpu.dma_semaphore, #tpu.memory_space<semaphore_mem>> -> memref<!tpu.dma_semaphore, #tpu.memory_space<semaphore_mem>>
      tpu.wait_indirect_dma semaphore(%dma_wait3A_835 : memref<!tpu.dma_semaphore, #tpu.memory_space<semaphore_mem>>) src(%dma_wait3A_833 : memref<10000x128xf32, #tpu.memory_space<hbm>>) dst(%arg9 : memref<40x128xf32, #tpu.memory_space<vmem>>)
      %dma_start3A_836 = arith.constant 5 : i32
      %dma_start3A_837 = arith.constant 0 : i32
      %dma_start3A_838 = arith.constant 0 : i32
      %dma_start3A_839 = tpu.memref_slice %arg8[%dma_start3A_836, %dma_start3A_838] : memref<10x40xi32, #tpu.memory_space<vmem>> -> memref<1x40xi32, #tpu.memory_space<vmem>>
      %dma_start3A_840 = tpu.memref_squeeze %dma_start3A_839 : memref<1x40xi32, #tpu.memory_space<vmem>> -> memref<40xi32, #tpu.memory_space<vmem>>
      %dma_start3A_841 = arith.constant 0 : i32
      %dma_start3A_842 = arith.constant 0 : i32
      %dma_start3A_843 = tpu.memref_slice %arg14[%dma_start3A_841, %dma_start3A_842] : memref<10240x128xf32, #tpu.memory_space<vmem_shared>> -> memref<10240x128xf32, #tpu.memory_space<vmem_shared>>
      %dma_start3A_844 = tpu.memref_slice %arg17[%dma_start3A_837] : memref<5x!tpu.dma_semaphore, #tpu.memory_space<semaphore_mem>> -> memref<1x!tpu.dma_semaphore, #tpu.memory_space<semaphore_mem>>
      %dma_start3A_845 = tpu.memref_squeeze %dma_start3A_844 : memref<1x!tpu.dma_semaphore, #tpu.memory_space<semaphore_mem>> -> memref<!tpu.dma_semaphore, #tpu.memory_space<semaphore_mem>>
      tpu.enqueue_indirect_dma source(%arg9 : memref<40x128xf32, #tpu.memory_space<vmem>>) target(%dma_start3A_843 : memref<10240x128xf32, #tpu.memory_space<vmem_shared>>) offsets(%dma_start3A_840 : memref<40xi32, #tpu.memory_space<vmem>>) semaphore(%dma_start3A_845 : memref<!tpu.dma_semaphore, #tpu.memory_space<semaphore_mem>>) {add = true}
      %mul3A_846 = arith.constant 10 : i32
      %mul3A_847 = arith.muli %scan3A_245, %mul3A_846 : i32
      %add3A_848 = arith.constant 6 : i32
      %add3A_849 = arith.addi %mul3A_847, %add3A_848 : i32
      %add3A_850 = arith.constant 4 : i32
      %add3A_851 = arith.addi %add3A_849, %add3A_850 : i32
      %le3A = arith.constant 23 : i32
      %le3A_852 = arith.cmpi sle, %scan3A_245, %le3A : i32
      %convert_element_type3A_853 = arith.extui %le3A_852 : i1 to i32
      %cond3A_854 = arith.constant 0 : i32
      %cond3A_855 = arith.cmpi ne, %convert_element_type3A_853, %cond3A_854 : i32
      scf.if %cond3A_855 {
        %mul3A_1083 = arith.constant 40 : i32
        %mul3A_1084 = arith.muli %add3A_851, %mul3A_1083 : i32
        %add3A_1085 = arith.addi %mul3A_6, %mul3A_1084 : i32
        %dma_start3A_1086 = arith.constant 0 : i32
        %dma_start3A_1087 = arith.constant 0 : i32
        %dma_start3A_1088 = arith.constant 0 : i32
        %dma_start3A_1089 = tpu.memref_slice %arg7[%dma_start3A_1086, %dma_start3A_1088] : memref<10x40xi32, #tpu.memory_space<vmem>> -> memref<1x40xi32, #tpu.memory_space<vmem>>
        %dma_start3A_1090 = tpu.memref_squeeze %dma_start3A_1089 : memref<1x40xi32, #tpu.memory_space<vmem>> -> memref<40xi32, #tpu.memory_space<vmem>>
        %dma_start3A_1091 = tpu.memref_slice %arg3[%add3A_1085] : memref<320000xi32, #tpu.memory_space<hbm>> -> memref<40xi32, #tpu.memory_space<hbm>>
        %dma_start3A_1092 = tpu.memref_slice %arg15[%dma_start3A_1087] : memref<10x!tpu.dma_semaphore, #tpu.memory_space<semaphore_mem>> -> memref<1x!tpu.dma_semaphore, #tpu.memory_space<semaphore_mem>>
        %dma_start3A_1093 = tpu.memref_squeeze %dma_start3A_1092 : memref<1x!tpu.dma_semaphore, #tpu.memory_space<semaphore_mem>> -> memref<!tpu.dma_semaphore, #tpu.memory_space<semaphore_mem>>
        %dma_start3A_1094 = arith.constant 0 : i32
        %dma_start3A_1095 = tpu.memref_slice %arg7[%dma_start3A_1086, %dma_start3A_1094] : memref<10x40xi32, #tpu.memory_space<vmem>> -> memref<1x40xi32, #tpu.memory_space<vmem>>
        %dma_start3A_1096 = tpu.memref_squeeze %dma_start3A_1095 : memref<1x40xi32, #tpu.memory_space<vmem>> -> memref<40xi32, #tpu.memory_space<vmem>>
        %dma_start3A_1097 = tpu.memref_slice %arg3[%add3A_1085] : memref<320000xi32, #tpu.memory_space<hbm>> -> memref<40xi32, #tpu.memory_space<hbm>>
        tpu.enqueue_dma source(%dma_start3A_1097 : memref<40xi32, #tpu.memory_space<hbm>>) target(%dma_start3A_1096 : memref<40xi32, #tpu.memory_space<vmem>>) target_semaphore(%dma_start3A_1093 : memref<!tpu.dma_semaphore, #tpu.memory_space<semaphore_mem>>)
        %dma_start3A_1098 = arith.constant 0 : i32
        %dma_start3A_1099 = arith.constant 0 : i32
        %dma_start3A_1100 = arith.constant 0 : i32
        %dma_start3A_1101 = tpu.memref_slice %arg8[%dma_start3A_1098, %dma_start3A_1100] : memref<10x40xi32, #tpu.memory_space<vmem>> -> memref<1x40xi32, #tpu.memory_space<vmem>>
        %dma_start3A_1102 = tpu.memref_squeeze %dma_start3A_1101 : memref<1x40xi32, #tpu.memory_space<vmem>> -> memref<40xi32, #tpu.memory_space<vmem>>
        %dma_start3A_1103 = tpu.memref_slice %arg4[%add3A_1085] : memref<320000xi32, #tpu.memory_space<hbm>> -> memref<40xi32, #tpu.memory_space<hbm>>
        %dma_start3A_1104 = tpu.memref_slice %arg15[%dma_start3A_1099] : memref<10x!tpu.dma_semaphore, #tpu.memory_space<semaphore_mem>> -> memref<1x!tpu.dma_semaphore, #tpu.memory_space<semaphore_mem>>
        %dma_start3A_1105 = tpu.memref_squeeze %dma_start3A_1104 : memref<1x!tpu.dma_semaphore, #tpu.memory_space<semaphore_mem>> -> memref<!tpu.dma_semaphore, #tpu.memory_space<semaphore_mem>>
        %dma_start3A_1106 = arith.constant 0 : i32
        %dma_start3A_1107 = tpu.memref_slice %arg8[%dma_start3A_1098, %dma_start3A_1106] : memref<10x40xi32, #tpu.memory_space<vmem>> -> memref<1x40xi32, #tpu.memory_space<vmem>>
        %dma_start3A_1108 = tpu.memref_squeeze %dma_start3A_1107 : memref<1x40xi32, #tpu.memory_space<vmem>> -> memref<40xi32, #tpu.memory_space<vmem>>
        %dma_start3A_1109 = tpu.memref_slice %arg4[%add3A_1085] : memref<320000xi32, #tpu.memory_space<hbm>> -> memref<40xi32, #tpu.memory_space<hbm>>
        tpu.enqueue_dma source(%dma_start3A_1109 : memref<40xi32, #tpu.memory_space<hbm>>) target(%dma_start3A_1108 : memref<40xi32, #tpu.memory_space<vmem>>) target_semaphore(%dma_start3A_1105 : memref<!tpu.dma_semaphore, #tpu.memory_space<semaphore_mem>>)
      } else {
      }
      %add3A_856 = arith.constant 2 : i32
      %add3A_857 = arith.addi %add3A_849, %add3A_856 : i32
      %dma_wait3A_858 = arith.constant 0 : i32
      %dma_wait3A_859 = arith.constant 3 : i32
      %dma_wait3A_860 = arith.constant 0 : i32
      %dma_wait3A_861 = tpu.memref_slice %arg8[%dma_wait3A_858, %dma_wait3A_860] : memref<10x40xi32, #tpu.memory_space<vmem>> -> memref<1x40xi32, #tpu.memory_space<vmem>>
      %dma_wait3A_862 = tpu.memref_squeeze %dma_wait3A_861 : memref<1x40xi32, #tpu.memory_space<vmem>> -> memref<40xi32, #tpu.memory_space<vmem>>
      %dma_wait3A_863 = arith.constant 0 : i32
      %dma_wait3A_864 = arith.constant 0 : i32
      %dma_wait3A_865 = tpu.memref_slice %arg14[%dma_wait3A_863, %dma_wait3A_864] : memref<10240x128xf32, #tpu.memory_space<vmem_shared>> -> memref<10240x128xf32, #tpu.memory_space<vmem_shared>>
      %dma_wait3A_866 = tpu.memref_slice %arg17[%dma_wait3A_859] : memref<5x!tpu.dma_semaphore, #tpu.memory_space<semaphore_mem>> -> memref<1x!tpu.dma_semaphore, #tpu.memory_space<semaphore_mem>>
      %dma_wait3A_867 = tpu.memref_squeeze %dma_wait3A_866 : memref<1x!tpu.dma_semaphore, #tpu.memory_space<semaphore_mem>> -> memref<!tpu.dma_semaphore, #tpu.memory_space<semaphore_mem>>
      tpu.wait_indirect_dma semaphore(%dma_wait3A_867 : memref<!tpu.dma_semaphore, #tpu.memory_space<semaphore_mem>>) src(%arg12 : memref<40x128xf32, #tpu.memory_space<vmem>>) dst(%dma_wait3A_865 : memref<10240x128xf32, #tpu.memory_space<vmem_shared>>)
      %dma_wait3A_868 = arith.constant 8 : i32
      %dma_wait3A_869 = arith.constant 8 : i32
      %dma_wait3A_870 = arith.constant 0 : i32
      %dma_wait3A_871 = tpu.memref_slice %arg7[%dma_wait3A_868, %dma_wait3A_870] : memref<10x40xi32, #tpu.memory_space<vmem>> -> memref<1x40xi32, #tpu.memory_space<vmem>>
      %dma_wait3A_872 = tpu.memref_squeeze %dma_wait3A_871 : memref<1x40xi32, #tpu.memory_space<vmem>> -> memref<40xi32, #tpu.memory_space<vmem>>
      %dma_wait3A_873 = arith.constant 0 : i32
      %dma_wait3A_874 = tpu.memref_slice %arg3[%dma_wait3A_873] : memref<320000xi32, #tpu.memory_space<hbm>> -> memref<40xi32, #tpu.memory_space<hbm>>
      %dma_wait3A_875 = tpu.memref_slice %arg15[%dma_wait3A_869] : memref<10x!tpu.dma_semaphore, #tpu.memory_space<semaphore_mem>> -> memref<1x!tpu.dma_semaphore, #tpu.memory_space<semaphore_mem>>
      %dma_wait3A_876 = tpu.memref_squeeze %dma_wait3A_875 : memref<1x!tpu.dma_semaphore, #tpu.memory_space<semaphore_mem>> -> memref<!tpu.dma_semaphore, #tpu.memory_space<semaphore_mem>>
      %dma_wait3A_877 = arith.constant 0 : i32
      %dma_wait3A_878 = tpu.memref_slice %arg7[%dma_wait3A_868, %dma_wait3A_877] : memref<10x40xi32, #tpu.memory_space<vmem>> -> memref<1x40xi32, #tpu.memory_space<vmem>>
      %dma_wait3A_879 = tpu.memref_squeeze %dma_wait3A_878 : memref<1x40xi32, #tpu.memory_space<vmem>> -> memref<40xi32, #tpu.memory_space<vmem>>
      %dma_wait3A_880 = arith.constant 0 : i32
      %dma_wait3A_881 = tpu.memref_slice %arg3[%dma_wait3A_880] : memref<320000xi32, #tpu.memory_space<hbm>> -> memref<40xi32, #tpu.memory_space<hbm>>
      tpu.wait_dma2 semaphore(%dma_wait3A_876 : memref<!tpu.dma_semaphore, #tpu.memory_space<semaphore_mem>>) src(%dma_wait3A_881 : memref<40xi32, #tpu.memory_space<hbm>>) dst(%dma_wait3A_879 : memref<40xi32, #tpu.memory_space<vmem>>)
      %dma_wait3A_882 = arith.constant 8 : i32
      %dma_wait3A_883 = arith.constant 8 : i32
      %dma_wait3A_884 = arith.constant 0 : i32
      %dma_wait3A_885 = tpu.memref_slice %arg8[%dma_wait3A_882, %dma_wait3A_884] : memref<10x40xi32, #tpu.memory_space<vmem>> -> memref<1x40xi32, #tpu.memory_space<vmem>>
      %dma_wait3A_886 = tpu.memref_squeeze %dma_wait3A_885 : memref<1x40xi32, #tpu.memory_space<vmem>> -> memref<40xi32, #tpu.memory_space<vmem>>
      %dma_wait3A_887 = arith.constant 0 : i32
      %dma_wait3A_888 = tpu.memref_slice %arg4[%dma_wait3A_887] : memref<320000xi32, #tpu.memory_space<hbm>> -> memref<40xi32, #tpu.memory_space<hbm>>
      %dma_wait3A_889 = tpu.memref_slice %arg15[%dma_wait3A_883] : memref<10x!tpu.dma_semaphore, #tpu.memory_space<semaphore_mem>> -> memref<1x!tpu.dma_semaphore, #tpu.memory_space<semaphore_mem>>
      %dma_wait3A_890 = tpu.memref_squeeze %dma_wait3A_889 : memref<1x!tpu.dma_semaphore, #tpu.memory_space<semaphore_mem>> -> memref<!tpu.dma_semaphore, #tpu.memory_space<semaphore_mem>>
      %dma_wait3A_891 = arith.constant 0 : i32
      %dma_wait3A_892 = tpu.memref_slice %arg8[%dma_wait3A_882, %dma_wait3A_891] : memref<10x40xi32, #tpu.memory_space<vmem>> -> memref<1x40xi32, #tpu.memory_space<vmem>>
      %dma_wait3A_893 = tpu.memref_squeeze %dma_wait3A_892 : memref<1x40xi32, #tpu.memory_space<vmem>> -> memref<40xi32, #tpu.memory_space<vmem>>
      %dma_wait3A_894 = arith.constant 0 : i32
      %dma_wait3A_895 = tpu.memref_slice %arg4[%dma_wait3A_894] : memref<320000xi32, #tpu.memory_space<hbm>> -> memref<40xi32, #tpu.memory_space<hbm>>
      tpu.wait_dma2 semaphore(%dma_wait3A_890 : memref<!tpu.dma_semaphore, #tpu.memory_space<semaphore_mem>>) src(%dma_wait3A_895 : memref<40xi32, #tpu.memory_space<hbm>>) dst(%dma_wait3A_893 : memref<40xi32, #tpu.memory_space<vmem>>)
      %dma_start3A_896 = arith.constant 8 : i32
      %dma_start3A_897 = arith.constant 3 : i32
      %dma_start3A_898 = arith.constant 0 : i32
      %dma_start3A_899 = tpu.memref_slice %arg7[%dma_start3A_896, %dma_start3A_898] : memref<10x40xi32, #tpu.memory_space<vmem>> -> memref<1x40xi32, #tpu.memory_space<vmem>>
      %dma_start3A_900 = tpu.memref_squeeze %dma_start3A_899 : memref<1x40xi32, #tpu.memory_space<vmem>> -> memref<40xi32, #tpu.memory_space<vmem>>
      %dma_start3A_901 = arith.constant 0 : i32
      %dma_start3A_902 = arith.constant 0 : i32
      %dma_start3A_903 = tpu.memref_slice %arg2[%dma_start3A_901, %dma_start3A_902] : memref<10000x128xf32, #tpu.memory_space<hbm>> -> memref<10000x128xf32, #tpu.memory_space<hbm>>
      %dma_start3A_904 = tpu.memref_slice %arg16[%dma_start3A_897] : memref<5x!tpu.dma_semaphore, #tpu.memory_space<semaphore_mem>> -> memref<1x!tpu.dma_semaphore, #tpu.memory_space<semaphore_mem>>
      %dma_start3A_905 = tpu.memref_squeeze %dma_start3A_904 : memref<1x!tpu.dma_semaphore, #tpu.memory_space<semaphore_mem>> -> memref<!tpu.dma_semaphore, #tpu.memory_space<semaphore_mem>>
      tpu.enqueue_indirect_dma source(%dma_start3A_903 : memref<10000x128xf32, #tpu.memory_space<hbm>>) target(%arg12 : memref<40x128xf32, #tpu.memory_space<vmem>>) offsets(%dma_start3A_900 : memref<40xi32, #tpu.memory_space<vmem>>) semaphore(%dma_start3A_905 : memref<!tpu.dma_semaphore, #tpu.memory_space<semaphore_mem>>)
      %dma_wait3A_906 = arith.constant 0 : i32
      %dma_wait3A_907 = arith.constant 1 : i32
      %dma_wait3A_908 = arith.constant 0 : i32
      %dma_wait3A_909 = tpu.memref_slice %arg7[%dma_wait3A_906, %dma_wait3A_908] : memref<10x40xi32, #tpu.memory_space<vmem>> -> memref<1x40xi32, #tpu.memory_space<vmem>>
      %dma_wait3A_910 = tpu.memref_squeeze %dma_wait3A_909 : memref<1x40xi32, #tpu.memory_space<vmem>> -> memref<40xi32, #tpu.memory_space<vmem>>
      %dma_wait3A_911 = arith.constant 0 : i32
      %dma_wait3A_912 = arith.constant 0 : i32
      %dma_wait3A_913 = tpu.memref_slice %arg2[%dma_wait3A_911, %dma_wait3A_912] : memref<10000x128xf32, #tpu.memory_space<hbm>> -> memref<10000x128xf32, #tpu.memory_space<hbm>>
      %dma_wait3A_914 = tpu.memref_slice %arg16[%dma_wait3A_907] : memref<5x!tpu.dma_semaphore, #tpu.memory_space<semaphore_mem>> -> memref<1x!tpu.dma_semaphore, #tpu.memory_space<semaphore_mem>>
      %dma_wait3A_915 = tpu.memref_squeeze %dma_wait3A_914 : memref<1x!tpu.dma_semaphore, #tpu.memory_space<semaphore_mem>> -> memref<!tpu.dma_semaphore, #tpu.memory_space<semaphore_mem>>
      tpu.wait_indirect_dma semaphore(%dma_wait3A_915 : memref<!tpu.dma_semaphore, #tpu.memory_space<semaphore_mem>>) src(%dma_wait3A_913 : memref<10000x128xf32, #tpu.memory_space<hbm>>) dst(%arg10 : memref<40x128xf32, #tpu.memory_space<vmem>>)
      %dma_start3A_916 = arith.constant 6 : i32
      %dma_start3A_917 = arith.constant 1 : i32
      %dma_start3A_918 = arith.constant 0 : i32
      %dma_start3A_919 = tpu.memref_slice %arg8[%dma_start3A_916, %dma_start3A_918] : memref<10x40xi32, #tpu.memory_space<vmem>> -> memref<1x40xi32, #tpu.memory_space<vmem>>
      %dma_start3A_920 = tpu.memref_squeeze %dma_start3A_919 : memref<1x40xi32, #tpu.memory_space<vmem>> -> memref<40xi32, #tpu.memory_space<vmem>>
      %dma_start3A_921 = arith.constant 0 : i32
      %dma_start3A_922 = arith.constant 0 : i32
      %dma_start3A_923 = tpu.memref_slice %arg14[%dma_start3A_921, %dma_start3A_922] : memref<10240x128xf32, #tpu.memory_space<vmem_shared>> -> memref<10240x128xf32, #tpu.memory_space<vmem_shared>>
      %dma_start3A_924 = tpu.memref_slice %arg17[%dma_start3A_917] : memref<5x!tpu.dma_semaphore, #tpu.memory_space<semaphore_mem>> -> memref<1x!tpu.dma_semaphore, #tpu.memory_space<semaphore_mem>>
      %dma_start3A_925 = tpu.memref_squeeze %dma_start3A_924 : memref<1x!tpu.dma_semaphore, #tpu.memory_space<semaphore_mem>> -> memref<!tpu.dma_semaphore, #tpu.memory_space<semaphore_mem>>
      tpu.enqueue_indirect_dma source(%arg10 : memref<40x128xf32, #tpu.memory_space<vmem>>) target(%dma_start3A_923 : memref<10240x128xf32, #tpu.memory_space<vmem_shared>>) offsets(%dma_start3A_920 : memref<40xi32, #tpu.memory_space<vmem>>) semaphore(%dma_start3A_925 : memref<!tpu.dma_semaphore, #tpu.memory_space<semaphore_mem>>) {add = true}
      %mul3A_926 = arith.constant 10 : i32
      %mul3A_927 = arith.muli %scan3A_245, %mul3A_926 : i32
      %add3A_928 = arith.constant 7 : i32
      %add3A_929 = arith.addi %mul3A_927, %add3A_928 : i32
      %add3A_930 = arith.constant 4 : i32
      %add3A_931 = arith.addi %add3A_929, %add3A_930 : i32
      %le3A_932 = arith.constant 23 : i32
      %le3A_933 = arith.cmpi sle, %scan3A_245, %le3A_932 : i32
      %convert_element_type3A_934 = arith.extui %le3A_933 : i1 to i32
      %cond3A_935 = arith.constant 0 : i32
      %cond3A_936 = arith.cmpi ne, %convert_element_type3A_934, %cond3A_935 : i32
      scf.if %cond3A_936 {
        %mul3A_1083 = arith.constant 40 : i32
        %mul3A_1084 = arith.muli %add3A_931, %mul3A_1083 : i32
        %add3A_1085 = arith.addi %mul3A_6, %mul3A_1084 : i32
        %dma_start3A_1086 = arith.constant 1 : i32
        %dma_start3A_1087 = arith.constant 1 : i32
        %dma_start3A_1088 = arith.constant 0 : i32
        %dma_start3A_1089 = tpu.memref_slice %arg7[%dma_start3A_1086, %dma_start3A_1088] : memref<10x40xi32, #tpu.memory_space<vmem>> -> memref<1x40xi32, #tpu.memory_space<vmem>>
        %dma_start3A_1090 = tpu.memref_squeeze %dma_start3A_1089 : memref<1x40xi32, #tpu.memory_space<vmem>> -> memref<40xi32, #tpu.memory_space<vmem>>
        %dma_start3A_1091 = tpu.memref_slice %arg3[%add3A_1085] : memref<320000xi32, #tpu.memory_space<hbm>> -> memref<40xi32, #tpu.memory_space<hbm>>
        %dma_start3A_1092 = tpu.memref_slice %arg15[%dma_start3A_1087] : memref<10x!tpu.dma_semaphore, #tpu.memory_space<semaphore_mem>> -> memref<1x!tpu.dma_semaphore, #tpu.memory_space<semaphore_mem>>
        %dma_start3A_1093 = tpu.memref_squeeze %dma_start3A_1092 : memref<1x!tpu.dma_semaphore, #tpu.memory_space<semaphore_mem>> -> memref<!tpu.dma_semaphore, #tpu.memory_space<semaphore_mem>>
        %dma_start3A_1094 = arith.constant 0 : i32
        %dma_start3A_1095 = tpu.memref_slice %arg7[%dma_start3A_1086, %dma_start3A_1094] : memref<10x40xi32, #tpu.memory_space<vmem>> -> memref<1x40xi32, #tpu.memory_space<vmem>>
        %dma_start3A_1096 = tpu.memref_squeeze %dma_start3A_1095 : memref<1x40xi32, #tpu.memory_space<vmem>> -> memref<40xi32, #tpu.memory_space<vmem>>
        %dma_start3A_1097 = tpu.memref_slice %arg3[%add3A_1085] : memref<320000xi32, #tpu.memory_space<hbm>> -> memref<40xi32, #tpu.memory_space<hbm>>
        tpu.enqueue_dma source(%dma_start3A_1097 : memref<40xi32, #tpu.memory_space<hbm>>) target(%dma_start3A_1096 : memref<40xi32, #tpu.memory_space<vmem>>) target_semaphore(%dma_start3A_1093 : memref<!tpu.dma_semaphore, #tpu.memory_space<semaphore_mem>>)
        %dma_start3A_1098 = arith.constant 1 : i32
        %dma_start3A_1099 = arith.constant 1 : i32
        %dma_start3A_1100 = arith.constant 0 : i32
        %dma_start3A_1101 = tpu.memref_slice %arg8[%dma_start3A_1098, %dma_start3A_1100] : memref<10x40xi32, #tpu.memory_space<vmem>> -> memref<1x40xi32, #tpu.memory_space<vmem>>
        %dma_start3A_1102 = tpu.memref_squeeze %dma_start3A_1101 : memref<1x40xi32, #tpu.memory_space<vmem>> -> memref<40xi32, #tpu.memory_space<vmem>>
        %dma_start3A_1103 = tpu.memref_slice %arg4[%add3A_1085] : memref<320000xi32, #tpu.memory_space<hbm>> -> memref<40xi32, #tpu.memory_space<hbm>>
        %dma_start3A_1104 = tpu.memref_slice %arg15[%dma_start3A_1099] : memref<10x!tpu.dma_semaphore, #tpu.memory_space<semaphore_mem>> -> memref<1x!tpu.dma_semaphore, #tpu.memory_space<semaphore_mem>>
        %dma_start3A_1105 = tpu.memref_squeeze %dma_start3A_1104 : memref<1x!tpu.dma_semaphore, #tpu.memory_space<semaphore_mem>> -> memref<!tpu.dma_semaphore, #tpu.memory_space<semaphore_mem>>
        %dma_start3A_1106 = arith.constant 0 : i32
        %dma_start3A_1107 = tpu.memref_slice %arg8[%dma_start3A_1098, %dma_start3A_1106] : memref<10x40xi32, #tpu.memory_space<vmem>> -> memref<1x40xi32, #tpu.memory_space<vmem>>
        %dma_start3A_1108 = tpu.memref_squeeze %dma_start3A_1107 : memref<1x40xi32, #tpu.memory_space<vmem>> -> memref<40xi32, #tpu.memory_space<vmem>>
        %dma_start3A_1109 = tpu.memref_slice %arg4[%add3A_1085] : memref<320000xi32, #tpu.memory_space<hbm>> -> memref<40xi32, #tpu.memory_space<hbm>>
        tpu.enqueue_dma source(%dma_start3A_1109 : memref<40xi32, #tpu.memory_space<hbm>>) target(%dma_start3A_1108 : memref<40xi32, #tpu.memory_space<vmem>>) target_semaphore(%dma_start3A_1105 : memref<!tpu.dma_semaphore, #tpu.memory_space<semaphore_mem>>)
      } else {
      }
      %add3A_937 = arith.constant 2 : i32
      %add3A_938 = arith.addi %add3A_929, %add3A_937 : i32
      %dma_wait3A_939 = arith.constant 0 : i32
      %dma_wait3A_940 = arith.constant 4 : i32
      %dma_wait3A_941 = arith.constant 0 : i32
      %dma_wait3A_942 = tpu.memref_slice %arg8[%dma_wait3A_939, %dma_wait3A_941] : memref<10x40xi32, #tpu.memory_space<vmem>> -> memref<1x40xi32, #tpu.memory_space<vmem>>
      %dma_wait3A_943 = tpu.memref_squeeze %dma_wait3A_942 : memref<1x40xi32, #tpu.memory_space<vmem>> -> memref<40xi32, #tpu.memory_space<vmem>>
      %dma_wait3A_944 = arith.constant 0 : i32
      %dma_wait3A_945 = arith.constant 0 : i32
      %dma_wait3A_946 = tpu.memref_slice %arg14[%dma_wait3A_944, %dma_wait3A_945] : memref<10240x128xf32, #tpu.memory_space<vmem_shared>> -> memref<10240x128xf32, #tpu.memory_space<vmem_shared>>
      %dma_wait3A_947 = tpu.memref_slice %arg17[%dma_wait3A_940] : memref<5x!tpu.dma_semaphore, #tpu.memory_space<semaphore_mem>> -> memref<1x!tpu.dma_semaphore, #tpu.memory_space<semaphore_mem>>
      %dma_wait3A_948 = tpu.memref_squeeze %dma_wait3A_947 : memref<1x!tpu.dma_semaphore, #tpu.memory_space<semaphore_mem>> -> memref<!tpu.dma_semaphore, #tpu.memory_space<semaphore_mem>>
      tpu.wait_indirect_dma semaphore(%dma_wait3A_948 : memref<!tpu.dma_semaphore, #tpu.memory_space<semaphore_mem>>) src(%arg13 : memref<40x128xf32, #tpu.memory_space<vmem>>) dst(%dma_wait3A_946 : memref<10240x128xf32, #tpu.memory_space<vmem_shared>>)
      %dma_wait3A_949 = arith.constant 9 : i32
      %dma_wait3A_950 = arith.constant 9 : i32
      %dma_wait3A_951 = arith.constant 0 : i32
      %dma_wait3A_952 = tpu.memref_slice %arg7[%dma_wait3A_949, %dma_wait3A_951] : memref<10x40xi32, #tpu.memory_space<vmem>> -> memref<1x40xi32, #tpu.memory_space<vmem>>
      %dma_wait3A_953 = tpu.memref_squeeze %dma_wait3A_952 : memref<1x40xi32, #tpu.memory_space<vmem>> -> memref<40xi32, #tpu.memory_space<vmem>>
      %dma_wait3A_954 = arith.constant 0 : i32
      %dma_wait3A_955 = tpu.memref_slice %arg3[%dma_wait3A_954] : memref<320000xi32, #tpu.memory_space<hbm>> -> memref<40xi32, #tpu.memory_space<hbm>>
      %dma_wait3A_956 = tpu.memref_slice %arg15[%dma_wait3A_950] : memref<10x!tpu.dma_semaphore, #tpu.memory_space<semaphore_mem>> -> memref<1x!tpu.dma_semaphore, #tpu.memory_space<semaphore_mem>>
      %dma_wait3A_957 = tpu.memref_squeeze %dma_wait3A_956 : memref<1x!tpu.dma_semaphore, #tpu.memory_space<semaphore_mem>> -> memref<!tpu.dma_semaphore, #tpu.memory_space<semaphore_mem>>
      %dma_wait3A_958 = arith.constant 0 : i32
      %dma_wait3A_959 = tpu.memref_slice %arg7[%dma_wait3A_949, %dma_wait3A_958] : memref<10x40xi32, #tpu.memory_space<vmem>> -> memref<1x40xi32, #tpu.memory_space<vmem>>
      %dma_wait3A_960 = tpu.memref_squeeze %dma_wait3A_959 : memref<1x40xi32, #tpu.memory_space<vmem>> -> memref<40xi32, #tpu.memory_space<vmem>>
      %dma_wait3A_961 = arith.constant 0 : i32
      %dma_wait3A_962 = tpu.memref_slice %arg3[%dma_wait3A_961] : memref<320000xi32, #tpu.memory_space<hbm>> -> memref<40xi32, #tpu.memory_space<hbm>>
      tpu.wait_dma2 semaphore(%dma_wait3A_957 : memref<!tpu.dma_semaphore, #tpu.memory_space<semaphore_mem>>) src(%dma_wait3A_962 : memref<40xi32, #tpu.memory_space<hbm>>) dst(%dma_wait3A_960 : memref<40xi32, #tpu.memory_space<vmem>>)
      %dma_wait3A_963 = arith.constant 9 : i32
      %dma_wait3A_964 = arith.constant 9 : i32
      %dma_wait3A_965 = arith.constant 0 : i32
      %dma_wait3A_966 = tpu.memref_slice %arg8[%dma_wait3A_963, %dma_wait3A_965] : memref<10x40xi32, #tpu.memory_space<vmem>> -> memref<1x40xi32, #tpu.memory_space<vmem>>
      %dma_wait3A_967 = tpu.memref_squeeze %dma_wait3A_966 : memref<1x40xi32, #tpu.memory_space<vmem>> -> memref<40xi32, #tpu.memory_space<vmem>>
      %dma_wait3A_968 = arith.constant 0 : i32
      %dma_wait3A_969 = tpu.memref_slice %arg4[%dma_wait3A_968] : memref<320000xi32, #tpu.memory_space<hbm>> -> memref<40xi32, #tpu.memory_space<hbm>>
      %dma_wait3A_970 = tpu.memref_slice %arg15[%dma_wait3A_964] : memref<10x!tpu.dma_semaphore, #tpu.memory_space<semaphore_mem>> -> memref<1x!tpu.dma_semaphore, #tpu.memory_space<semaphore_mem>>
      %dma_wait3A_971 = tpu.memref_squeeze %dma_wait3A_970 : memref<1x!tpu.dma_semaphore, #tpu.memory_space<semaphore_mem>> -> memref<!tpu.dma_semaphore, #tpu.memory_space<semaphore_mem>>
      %dma_wait3A_972 = arith.constant 0 : i32
      %dma_wait3A_973 = tpu.memref_slice %arg8[%dma_wait3A_963, %dma_wait3A_972] : memref<10x40xi32, #tpu.memory_space<vmem>> -> memref<1x40xi32, #tpu.memory_space<vmem>>
      %dma_wait3A_974 = tpu.memref_squeeze %dma_wait3A_973 : memref<1x40xi32, #tpu.memory_space<vmem>> -> memref<40xi32, #tpu.memory_space<vmem>>
      %dma_wait3A_975 = arith.constant 0 : i32
      %dma_wait3A_976 = tpu.memref_slice %arg4[%dma_wait3A_975] : memref<320000xi32, #tpu.memory_space<hbm>> -> memref<40xi32, #tpu.memory_space<hbm>>
      tpu.wait_dma2 semaphore(%dma_wait3A_971 : memref<!tpu.dma_semaphore, #tpu.memory_space<semaphore_mem>>) src(%dma_wait3A_976 : memref<40xi32, #tpu.memory_space<hbm>>) dst(%dma_wait3A_974 : memref<40xi32, #tpu.memory_space<vmem>>)
      %dma_start3A_977 = arith.constant 9 : i32
      %dma_start3A_978 = arith.constant 4 : i32
      %dma_start3A_979 = arith.constant 0 : i32
      %dma_start3A_980 = tpu.memref_slice %arg7[%dma_start3A_977, %dma_start3A_979] : memref<10x40xi32, #tpu.memory_space<vmem>> -> memref<1x40xi32, #tpu.memory_space<vmem>>
      %dma_start3A_981 = tpu.memref_squeeze %dma_start3A_980 : memref<1x40xi32, #tpu.memory_space<vmem>> -> memref<40xi32, #tpu.memory_space<vmem>>
      %dma_start3A_982 = arith.constant 0 : i32
      %dma_start3A_983 = arith.constant 0 : i32
      %dma_start3A_984 = tpu.memref_slice %arg2[%dma_start3A_982, %dma_start3A_983] : memref<10000x128xf32, #tpu.memory_space<hbm>> -> memref<10000x128xf32, #tpu.memory_space<hbm>>
      %dma_start3A_985 = tpu.memref_slice %arg16[%dma_start3A_978] : memref<5x!tpu.dma_semaphore, #tpu.memory_space<semaphore_mem>> -> memref<1x!tpu.dma_semaphore, #tpu.memory_space<semaphore_mem>>
      %dma_start3A_986 = tpu.memref_squeeze %dma_start3A_985 : memref<1x!tpu.dma_semaphore, #tpu.memory_space<semaphore_mem>> -> memref<!tpu.dma_semaphore, #tpu.memory_space<semaphore_mem>>
      tpu.enqueue_indirect_dma source(%dma_start3A_984 : memref<10000x128xf32, #tpu.memory_space<hbm>>) target(%arg13 : memref<40x128xf32, #tpu.memory_space<vmem>>) offsets(%dma_start3A_981 : memref<40xi32, #tpu.memory_space<vmem>>) semaphore(%dma_start3A_986 : memref<!tpu.dma_semaphore, #tpu.memory_space<semaphore_mem>>)
      %dma_wait3A_987 = arith.constant 0 : i32
      %dma_wait3A_988 = arith.constant 2 : i32
      %dma_wait3A_989 = arith.constant 0 : i32
      %dma_wait3A_990 = tpu.memref_slice %arg7[%dma_wait3A_987, %dma_wait3A_989] : memref<10x40xi32, #tpu.memory_space<vmem>> -> memref<1x40xi32, #tpu.memory_space<vmem>>
      %dma_wait3A_991 = tpu.memref_squeeze %dma_wait3A_990 : memref<1x40xi32, #tpu.memory_space<vmem>> -> memref<40xi32, #tpu.memory_space<vmem>>
      %dma_wait3A_992 = arith.constant 0 : i32
      %dma_wait3A_993 = arith.constant 0 : i32
      %dma_wait3A_994 = tpu.memref_slice %arg2[%dma_wait3A_992, %dma_wait3A_993] : memref<10000x128xf32, #tpu.memory_space<hbm>> -> memref<10000x128xf32, #tpu.memory_space<hbm>>
      %dma_wait3A_995 = tpu.memref_slice %arg16[%dma_wait3A_988] : memref<5x!tpu.dma_semaphore, #tpu.memory_space<semaphore_mem>> -> memref<1x!tpu.dma_semaphore, #tpu.memory_space<semaphore_mem>>
      %dma_wait3A_996 = tpu.memref_squeeze %dma_wait3A_995 : memref<1x!tpu.dma_semaphore, #tpu.memory_space<semaphore_mem>> -> memref<!tpu.dma_semaphore, #tpu.memory_space<semaphore_mem>>
      tpu.wait_indirect_dma semaphore(%dma_wait3A_996 : memref<!tpu.dma_semaphore, #tpu.memory_space<semaphore_mem>>) src(%dma_wait3A_994 : memref<10000x128xf32, #tpu.memory_space<hbm>>) dst(%arg11 : memref<40x128xf32, #tpu.memory_space<vmem>>)
      %dma_start3A_997 = arith.constant 7 : i32
      %dma_start3A_998 = arith.constant 2 : i32
      %dma_start3A_999 = arith.constant 0 : i32
      %dma_start3A_1000 = tpu.memref_slice %arg8[%dma_start3A_997, %dma_start3A_999] : memref<10x40xi32, #tpu.memory_space<vmem>> -> memref<1x40xi32, #tpu.memory_space<vmem>>
      %dma_start3A_1001 = tpu.memref_squeeze %dma_start3A_1000 : memref<1x40xi32, #tpu.memory_space<vmem>> -> memref<40xi32, #tpu.memory_space<vmem>>
      %dma_start3A_1002 = arith.constant 0 : i32
      %dma_start3A_1003 = arith.constant 0 : i32
      %dma_start3A_1004 = tpu.memref_slice %arg14[%dma_start3A_1002, %dma_start3A_1003] : memref<10240x128xf32, #tpu.memory_space<vmem_shared>> -> memref<10240x128xf32, #tpu.memory_space<vmem_shared>>
      %dma_start3A_1005 = tpu.memref_slice %arg17[%dma_start3A_998] : memref<5x!tpu.dma_semaphore, #tpu.memory_space<semaphore_mem>> -> memref<1x!tpu.dma_semaphore, #tpu.memory_space<semaphore_mem>>
      %dma_start3A_1006 = tpu.memref_squeeze %dma_start3A_1005 : memref<1x!tpu.dma_semaphore, #tpu.memory_space<semaphore_mem>> -> memref<!tpu.dma_semaphore, #tpu.memory_space<semaphore_mem>>
      tpu.enqueue_indirect_dma source(%arg11 : memref<40x128xf32, #tpu.memory_space<vmem>>) target(%dma_start3A_1004 : memref<10240x128xf32, #tpu.memory_space<vmem_shared>>) offsets(%dma_start3A_1001 : memref<40xi32, #tpu.memory_space<vmem>>) semaphore(%dma_start3A_1006 : memref<!tpu.dma_semaphore, #tpu.memory_space<semaphore_mem>>) {add = true}
      %mul3A_1007 = arith.constant 10 : i32
      %mul3A_1008 = arith.muli %scan3A_245, %mul3A_1007 : i32
      %add3A_1009 = arith.constant 8 : i32
      %add3A_1010 = arith.addi %mul3A_1008, %add3A_1009 : i32
      %add3A_1011 = arith.constant 4 : i32
      %add3A_1012 = arith.addi %add3A_1010, %add3A_1011 : i32
      %le3A_1013 = arith.constant 23 : i32
      %le3A_1014 = arith.cmpi sle, %scan3A_245, %le3A_1013 : i32
      %convert_element_type3A_1015 = arith.extui %le3A_1014 : i1 to i32
      %cond3A_1016 = arith.constant 0 : i32
      %cond3A_1017 = arith.cmpi ne, %convert_element_type3A_1015, %cond3A_1016 : i32
      scf.if %cond3A_1017 {
        %mul3A_1083 = arith.constant 40 : i32
        %mul3A_1084 = arith.muli %add3A_1012, %mul3A_1083 : i32
        %add3A_1085 = arith.addi %mul3A_6, %mul3A_1084 : i32
        %dma_start3A_1086 = arith.constant 2 : i32
        %dma_start3A_1087 = arith.constant 2 : i32
        %dma_start3A_1088 = arith.constant 0 : i32
        %dma_start3A_1089 = tpu.memref_slice %arg7[%dma_start3A_1086, %dma_start3A_1088] : memref<10x40xi32, #tpu.memory_space<vmem>> -> memref<1x40xi32, #tpu.memory_space<vmem>>
        %dma_start3A_1090 = tpu.memref_squeeze %dma_start3A_1089 : memref<1x40xi32, #tpu.memory_space<vmem>> -> memref<40xi32, #tpu.memory_space<vmem>>
        %dma_start3A_1091 = tpu.memref_slice %arg3[%add3A_1085] : memref<320000xi32, #tpu.memory_space<hbm>> -> memref<40xi32, #tpu.memory_space<hbm>>
        %dma_start3A_1092 = tpu.memref_slice %arg15[%dma_start3A_1087] : memref<10x!tpu.dma_semaphore, #tpu.memory_space<semaphore_mem>> -> memref<1x!tpu.dma_semaphore, #tpu.memory_space<semaphore_mem>>
        %dma_start3A_1093 = tpu.memref_squeeze %dma_start3A_1092 : memref<1x!tpu.dma_semaphore, #tpu.memory_space<semaphore_mem>> -> memref<!tpu.dma_semaphore, #tpu.memory_space<semaphore_mem>>
        %dma_start3A_1094 = arith.constant 0 : i32
        %dma_start3A_1095 = tpu.memref_slice %arg7[%dma_start3A_1086, %dma_start3A_1094] : memref<10x40xi32, #tpu.memory_space<vmem>> -> memref<1x40xi32, #tpu.memory_space<vmem>>
        %dma_start3A_1096 = tpu.memref_squeeze %dma_start3A_1095 : memref<1x40xi32, #tpu.memory_space<vmem>> -> memref<40xi32, #tpu.memory_space<vmem>>
        %dma_start3A_1097 = tpu.memref_slice %arg3[%add3A_1085] : memref<320000xi32, #tpu.memory_space<hbm>> -> memref<40xi32, #tpu.memory_space<hbm>>
        tpu.enqueue_dma source(%dma_start3A_1097 : memref<40xi32, #tpu.memory_space<hbm>>) target(%dma_start3A_1096 : memref<40xi32, #tpu.memory_space<vmem>>) target_semaphore(%dma_start3A_1093 : memref<!tpu.dma_semaphore, #tpu.memory_space<semaphore_mem>>)
        %dma_start3A_1098 = arith.constant 2 : i32
        %dma_start3A_1099 = arith.constant 2 : i32
        %dma_start3A_1100 = arith.constant 0 : i32
        %dma_start3A_1101 = tpu.memref_slice %arg8[%dma_start3A_1098, %dma_start3A_1100] : memref<10x40xi32, #tpu.memory_space<vmem>> -> memref<1x40xi32, #tpu.memory_space<vmem>>
        %dma_start3A_1102 = tpu.memref_squeeze %dma_start3A_1101 : memref<1x40xi32, #tpu.memory_space<vmem>> -> memref<40xi32, #tpu.memory_space<vmem>>
        %dma_start3A_1103 = tpu.memref_slice %arg4[%add3A_1085] : memref<320000xi32, #tpu.memory_space<hbm>> -> memref<40xi32, #tpu.memory_space<hbm>>
        %dma_start3A_1104 = tpu.memref_slice %arg15[%dma_start3A_1099] : memref<10x!tpu.dma_semaphore, #tpu.memory_space<semaphore_mem>> -> memref<1x!tpu.dma_semaphore, #tpu.memory_space<semaphore_mem>>
        %dma_start3A_1105 = tpu.memref_squeeze %dma_start3A_1104 : memref<1x!tpu.dma_semaphore, #tpu.memory_space<semaphore_mem>> -> memref<!tpu.dma_semaphore, #tpu.memory_space<semaphore_mem>>
        %dma_start3A_1106 = arith.constant 0 : i32
        %dma_start3A_1107 = tpu.memref_slice %arg8[%dma_start3A_1098, %dma_start3A_1106] : memref<10x40xi32, #tpu.memory_space<vmem>> -> memref<1x40xi32, #tpu.memory_space<vmem>>
        %dma_start3A_1108 = tpu.memref_squeeze %dma_start3A_1107 : memref<1x40xi32, #tpu.memory_space<vmem>> -> memref<40xi32, #tpu.memory_space<vmem>>
        %dma_start3A_1109 = tpu.memref_slice %arg4[%add3A_1085] : memref<320000xi32, #tpu.memory_space<hbm>> -> memref<40xi32, #tpu.memory_space<hbm>>
        tpu.enqueue_dma source(%dma_start3A_1109 : memref<40xi32, #tpu.memory_space<hbm>>) target(%dma_start3A_1108 : memref<40xi32, #tpu.memory_space<vmem>>) target_semaphore(%dma_start3A_1105 : memref<!tpu.dma_semaphore, #tpu.memory_space<semaphore_mem>>)
      } else {
      }
      %add3A_1018 = arith.constant 2 : i32
      %add3A_1019 = arith.addi %add3A_1010, %add3A_1018 : i32
      %le3A_1020 = arith.constant 23 : i32
      %le3A_1021 = arith.cmpi sle, %scan3A_245, %le3A_1020 : i32
      %convert_element_type3A_1022 = arith.extui %le3A_1021 : i1 to i32
      %cond3A_1023 = arith.constant 0 : i32
      %cond3A_1024 = arith.cmpi ne, %convert_element_type3A_1022, %cond3A_1023 : i32
      scf.if %cond3A_1024 {
        %dma_wait3A_1083 = arith.constant 0 : i32
        %dma_wait3A_1084 = arith.constant 0 : i32
        %dma_wait3A_1085 = arith.constant 0 : i32
        %dma_wait3A_1086 = tpu.memref_slice %arg8[%dma_wait3A_1083, %dma_wait3A_1085] : memref<10x40xi32, #tpu.memory_space<vmem>> -> memref<1x40xi32, #tpu.memory_space<vmem>>
        %dma_wait3A_1087 = tpu.memref_squeeze %dma_wait3A_1086 : memref<1x40xi32, #tpu.memory_space<vmem>> -> memref<40xi32, #tpu.memory_space<vmem>>
        %dma_wait3A_1088 = arith.constant 0 : i32
        %dma_wait3A_1089 = arith.constant 0 : i32
        %dma_wait3A_1090 = tpu.memref_slice %arg14[%dma_wait3A_1088, %dma_wait3A_1089] : memref<10240x128xf32, #tpu.memory_space<vmem_shared>> -> memref<10240x128xf32, #tpu.memory_space<vmem_shared>>
        %dma_wait3A_1091 = tpu.memref_slice %arg17[%dma_wait3A_1084] : memref<5x!tpu.dma_semaphore, #tpu.memory_space<semaphore_mem>> -> memref<1x!tpu.dma_semaphore, #tpu.memory_space<semaphore_mem>>
        %dma_wait3A_1092 = tpu.memref_squeeze %dma_wait3A_1091 : memref<1x!tpu.dma_semaphore, #tpu.memory_space<semaphore_mem>> -> memref<!tpu.dma_semaphore, #tpu.memory_space<semaphore_mem>>
        tpu.wait_indirect_dma semaphore(%dma_wait3A_1092 : memref<!tpu.dma_semaphore, #tpu.memory_space<semaphore_mem>>) src(%arg9 : memref<40x128xf32, #tpu.memory_space<vmem>>) dst(%dma_wait3A_1090 : memref<10240x128xf32, #tpu.memory_space<vmem_shared>>)
        %dma_wait3A_1093 = arith.constant 0 : i32
        %dma_wait3A_1094 = arith.constant 0 : i32
        %dma_wait3A_1095 = arith.constant 0 : i32
        %dma_wait3A_1096 = tpu.memref_slice %arg7[%dma_wait3A_1093, %dma_wait3A_1095] : memref<10x40xi32, #tpu.memory_space<vmem>> -> memref<1x40xi32, #tpu.memory_space<vmem>>
        %dma_wait3A_1097 = tpu.memref_squeeze %dma_wait3A_1096 : memref<1x40xi32, #tpu.memory_space<vmem>> -> memref<40xi32, #tpu.memory_space<vmem>>
        %dma_wait3A_1098 = arith.constant 0 : i32
        %dma_wait3A_1099 = tpu.memref_slice %arg3[%dma_wait3A_1098] : memref<320000xi32, #tpu.memory_space<hbm>> -> memref<40xi32, #tpu.memory_space<hbm>>
        %dma_wait3A_1100 = tpu.memref_slice %arg15[%dma_wait3A_1094] : memref<10x!tpu.dma_semaphore, #tpu.memory_space<semaphore_mem>> -> memref<1x!tpu.dma_semaphore, #tpu.memory_space<semaphore_mem>>
        %dma_wait3A_1101 = tpu.memref_squeeze %dma_wait3A_1100 : memref<1x!tpu.dma_semaphore, #tpu.memory_space<semaphore_mem>> -> memref<!tpu.dma_semaphore, #tpu.memory_space<semaphore_mem>>
        %dma_wait3A_1102 = arith.constant 0 : i32
        %dma_wait3A_1103 = tpu.memref_slice %arg7[%dma_wait3A_1093, %dma_wait3A_1102] : memref<10x40xi32, #tpu.memory_space<vmem>> -> memref<1x40xi32, #tpu.memory_space<vmem>>
        %dma_wait3A_1104 = tpu.memref_squeeze %dma_wait3A_1103 : memref<1x40xi32, #tpu.memory_space<vmem>> -> memref<40xi32, #tpu.memory_space<vmem>>
        %dma_wait3A_1105 = arith.constant 0 : i32
        %dma_wait3A_1106 = tpu.memref_slice %arg3[%dma_wait3A_1105] : memref<320000xi32, #tpu.memory_space<hbm>> -> memref<40xi32, #tpu.memory_space<hbm>>
        tpu.wait_dma2 semaphore(%dma_wait3A_1101 : memref<!tpu.dma_semaphore, #tpu.memory_space<semaphore_mem>>) src(%dma_wait3A_1106 : memref<40xi32, #tpu.memory_space<hbm>>) dst(%dma_wait3A_1104 : memref<40xi32, #tpu.memory_space<vmem>>)
        %dma_wait3A_1107 = arith.constant 0 : i32
        %dma_wait3A_1108 = arith.constant 0 : i32
        %dma_wait3A_1109 = arith.constant 0 : i32
        %dma_wait3A_1110 = tpu.memref_slice %arg8[%dma_wait3A_1107, %dma_wait3A_1109] : memref<10x40xi32, #tpu.memory_space<vmem>> -> memref<1x40xi32, #tpu.memory_space<vmem>>
        %dma_wait3A_1111 = tpu.memref_squeeze %dma_wait3A_1110 : memref<1x40xi32, #tpu.memory_space<vmem>> -> memref<40xi32, #tpu.memory_space<vmem>>
        %dma_wait3A_1112 = arith.constant 0 : i32
        %dma_wait3A_1113 = tpu.memref_slice %arg4[%dma_wait3A_1112] : memref<320000xi32, #tpu.memory_space<hbm>> -> memref<40xi32, #tpu.memory_space<hbm>>
        %dma_wait3A_1114 = tpu.memref_slice %arg15[%dma_wait3A_1108] : memref<10x!tpu.dma_semaphore, #tpu.memory_space<semaphore_mem>> -> memref<1x!tpu.dma_semaphore, #tpu.memory_space<semaphore_mem>>
        %dma_wait3A_1115 = tpu.memref_squeeze %dma_wait3A_1114 : memref<1x!tpu.dma_semaphore, #tpu.memory_space<semaphore_mem>> -> memref<!tpu.dma_semaphore, #tpu.memory_space<semaphore_mem>>
        %dma_wait3A_1116 = arith.constant 0 : i32
        %dma_wait3A_1117 = tpu.memref_slice %arg8[%dma_wait3A_1107, %dma_wait3A_1116] : memref<10x40xi32, #tpu.memory_space<vmem>> -> memref<1x40xi32, #tpu.memory_space<vmem>>
        %dma_wait3A_1118 = tpu.memref_squeeze %dma_wait3A_1117 : memref<1x40xi32, #tpu.memory_space<vmem>> -> memref<40xi32, #tpu.memory_space<vmem>>
        %dma_wait3A_1119 = arith.constant 0 : i32
        %dma_wait3A_1120 = tpu.memref_slice %arg4[%dma_wait3A_1119] : memref<320000xi32, #tpu.memory_space<hbm>> -> memref<40xi32, #tpu.memory_space<hbm>>
        tpu.wait_dma2 semaphore(%dma_wait3A_1115 : memref<!tpu.dma_semaphore, #tpu.memory_space<semaphore_mem>>) src(%dma_wait3A_1120 : memref<40xi32, #tpu.memory_space<hbm>>) dst(%dma_wait3A_1118 : memref<40xi32, #tpu.memory_space<vmem>>)
        %dma_start3A_1121 = arith.constant 0 : i32
        %dma_start3A_1122 = arith.constant 0 : i32
        %dma_start3A_1123 = arith.constant 0 : i32
        %dma_start3A_1124 = tpu.memref_slice %arg7[%dma_start3A_1121, %dma_start3A_1123] : memref<10x40xi32, #tpu.memory_space<vmem>> -> memref<1x40xi32, #tpu.memory_space<vmem>>
        %dma_start3A_1125 = tpu.memref_squeeze %dma_start3A_1124 : memref<1x40xi32, #tpu.memory_space<vmem>> -> memref<40xi32, #tpu.memory_space<vmem>>
        %dma_start3A_1126 = arith.constant 0 : i32
        %dma_start3A_1127 = arith.constant 0 : i32
        %dma_start3A_1128 = tpu.memref_slice %arg2[%dma_start3A_1126, %dma_start3A_1127] : memref<10000x128xf32, #tpu.memory_space<hbm>> -> memref<10000x128xf32, #tpu.memory_space<hbm>>
        %dma_start3A_1129 = tpu.memref_slice %arg16[%dma_start3A_1122] : memref<5x!tpu.dma_semaphore, #tpu.memory_space<semaphore_mem>> -> memref<1x!tpu.dma_semaphore, #tpu.memory_space<semaphore_mem>>
        %dma_start3A_1130 = tpu.memref_squeeze %dma_start3A_1129 : memref<1x!tpu.dma_semaphore, #tpu.memory_space<semaphore_mem>> -> memref<!tpu.dma_semaphore, #tpu.memory_space<semaphore_mem>>
        tpu.enqueue_indirect_dma source(%dma_start3A_1128 : memref<10000x128xf32, #tpu.memory_space<hbm>>) target(%arg9 : memref<40x128xf32, #tpu.memory_space<vmem>>) offsets(%dma_start3A_1125 : memref<40xi32, #tpu.memory_space<vmem>>) semaphore(%dma_start3A_1130 : memref<!tpu.dma_semaphore, #tpu.memory_space<semaphore_mem>>)
      } else {
      }
      %dma_wait3A_1025 = arith.constant 0 : i32
      %dma_wait3A_1026 = arith.constant 3 : i32
      %dma_wait3A_1027 = arith.constant 0 : i32
      %dma_wait3A_1028 = tpu.memref_slice %arg7[%dma_wait3A_1025, %dma_wait3A_1027] : memref<10x40xi32, #tpu.memory_space<vmem>> -> memref<1x40xi32, #tpu.memory_space<vmem>>
      %dma_wait3A_1029 = tpu.memref_squeeze %dma_wait3A_1028 : memref<1x40xi32, #tpu.memory_space<vmem>> -> memref<40xi32, #tpu.memory_space<vmem>>
      %dma_wait3A_1030 = arith.constant 0 : i32
      %dma_wait3A_1031 = arith.constant 0 : i32
      %dma_wait3A_1032 = tpu.memref_slice %arg2[%dma_wait3A_1030, %dma_wait3A_1031] : memref<10000x128xf32, #tpu.memory_space<hbm>> -> memref<10000x128xf32, #tpu.memory_space<hbm>>
      %dma_wait3A_1033 = tpu.memref_slice %arg16[%dma_wait3A_1026] : memref<5x!tpu.dma_semaphore, #tpu.memory_space<semaphore_mem>> -> memref<1x!tpu.dma_semaphore, #tpu.memory_space<semaphore_mem>>
      %dma_wait3A_1034 = tpu.memref_squeeze %dma_wait3A_1033 : memref<1x!tpu.dma_semaphore, #tpu.memory_space<semaphore_mem>> -> memref<!tpu.dma_semaphore, #tpu.memory_space<semaphore_mem>>
      tpu.wait_indirect_dma semaphore(%dma_wait3A_1034 : memref<!tpu.dma_semaphore, #tpu.memory_space<semaphore_mem>>) src(%dma_wait3A_1032 : memref<10000x128xf32, #tpu.memory_space<hbm>>) dst(%arg12 : memref<40x128xf32, #tpu.memory_space<vmem>>)
      %dma_start3A_1035 = arith.constant 8 : i32
      %dma_start3A_1036 = arith.constant 3 : i32
      %dma_start3A_1037 = arith.constant 0 : i32
      %dma_start3A_1038 = tpu.memref_slice %arg8[%dma_start3A_1035, %dma_start3A_1037] : memref<10x40xi32, #tpu.memory_space<vmem>> -> memref<1x40xi32, #tpu.memory_space<vmem>>
      %dma_start3A_1039 = tpu.memref_squeeze %dma_start3A_1038 : memref<1x40xi32, #tpu.memory_space<vmem>> -> memref<40xi32, #tpu.memory_space<vmem>>
      %dma_start3A_1040 = arith.constant 0 : i32
      %dma_start3A_1041 = arith.constant 0 : i32
      %dma_start3A_1042 = tpu.memref_slice %arg14[%dma_start3A_1040, %dma_start3A_1041] : memref<10240x128xf32, #tpu.memory_space<vmem_shared>> -> memref<10240x128xf32, #tpu.memory_space<vmem_shared>>
      %dma_start3A_1043 = tpu.memref_slice %arg17[%dma_start3A_1036] : memref<5x!tpu.dma_semaphore, #tpu.memory_space<semaphore_mem>> -> memref<1x!tpu.dma_semaphore, #tpu.memory_space<semaphore_mem>>
      %dma_start3A_1044 = tpu.memref_squeeze %dma_start3A_1043 : memref<1x!tpu.dma_semaphore, #tpu.memory_space<semaphore_mem>> -> memref<!tpu.dma_semaphore, #tpu.memory_space<semaphore_mem>>
      tpu.enqueue_indirect_dma source(%arg12 : memref<40x128xf32, #tpu.memory_space<vmem>>) target(%dma_start3A_1042 : memref<10240x128xf32, #tpu.memory_space<vmem_shared>>) offsets(%dma_start3A_1039 : memref<40xi32, #tpu.memory_space<vmem>>) semaphore(%dma_start3A_1044 : memref<!tpu.dma_semaphore, #tpu.memory_space<semaphore_mem>>) {add = true}
      %mul3A_1045 = arith.constant 10 : i32
      %mul3A_1046 = arith.muli %scan3A_245, %mul3A_1045 : i32
      %add3A_1047 = arith.constant 9 : i32
      %add3A_1048 = arith.addi %mul3A_1046, %add3A_1047 : i32
      %add3A_1049 = arith.constant 4 : i32
      %add3A_1050 = arith.addi %add3A_1048, %add3A_1049 : i32
      %le3A_1051 = arith.constant 23 : i32
      %le3A_1052 = arith.cmpi sle, %scan3A_245, %le3A_1051 : i32
      %convert_element_type3A_1053 = arith.extui %le3A_1052 : i1 to i32
      %cond3A_1054 = arith.constant 0 : i32
      %cond3A_1055 = arith.cmpi ne, %convert_element_type3A_1053, %cond3A_1054 : i32
      scf.if %cond3A_1055 {
        %mul3A_1083 = arith.constant 40 : i32
        %mul3A_1084 = arith.muli %add3A_1050, %mul3A_1083 : i32
        %add3A_1085 = arith.addi %mul3A_6, %mul3A_1084 : i32
        %dma_start3A_1086 = arith.constant 3 : i32
        %dma_start3A_1087 = arith.constant 3 : i32
        %dma_start3A_1088 = arith.constant 0 : i32
        %dma_start3A_1089 = tpu.memref_slice %arg7[%dma_start3A_1086, %dma_start3A_1088] : memref<10x40xi32, #tpu.memory_space<vmem>> -> memref<1x40xi32, #tpu.memory_space<vmem>>
        %dma_start3A_1090 = tpu.memref_squeeze %dma_start3A_1089 : memref<1x40xi32, #tpu.memory_space<vmem>> -> memref<40xi32, #tpu.memory_space<vmem>>
        %dma_start3A_1091 = tpu.memref_slice %arg3[%add3A_1085] : memref<320000xi32, #tpu.memory_space<hbm>> -> memref<40xi32, #tpu.memory_space<hbm>>
        %dma_start3A_1092 = tpu.memref_slice %arg15[%dma_start3A_1087] : memref<10x!tpu.dma_semaphore, #tpu.memory_space<semaphore_mem>> -> memref<1x!tpu.dma_semaphore, #tpu.memory_space<semaphore_mem>>
        %dma_start3A_1093 = tpu.memref_squeeze %dma_start3A_1092 : memref<1x!tpu.dma_semaphore, #tpu.memory_space<semaphore_mem>> -> memref<!tpu.dma_semaphore, #tpu.memory_space<semaphore_mem>>
        %dma_start3A_1094 = arith.constant 0 : i32
        %dma_start3A_1095 = tpu.memref_slice %arg7[%dma_start3A_1086, %dma_start3A_1094] : memref<10x40xi32, #tpu.memory_space<vmem>> -> memref<1x40xi32, #tpu.memory_space<vmem>>
        %dma_start3A_1096 = tpu.memref_squeeze %dma_start3A_1095 : memref<1x40xi32, #tpu.memory_space<vmem>> -> memref<40xi32, #tpu.memory_space<vmem>>
        %dma_start3A_1097 = tpu.memref_slice %arg3[%add3A_1085] : memref<320000xi32, #tpu.memory_space<hbm>> -> memref<40xi32, #tpu.memory_space<hbm>>
        tpu.enqueue_dma source(%dma_start3A_1097 : memref<40xi32, #tpu.memory_space<hbm>>) target(%dma_start3A_1096 : memref<40xi32, #tpu.memory_space<vmem>>) target_semaphore(%dma_start3A_1093 : memref<!tpu.dma_semaphore, #tpu.memory_space<semaphore_mem>>)
        %dma_start3A_1098 = arith.constant 3 : i32
        %dma_start3A_1099 = arith.constant 3 : i32
        %dma_start3A_1100 = arith.constant 0 : i32
        %dma_start3A_1101 = tpu.memref_slice %arg8[%dma_start3A_1098, %dma_start3A_1100] : memref<10x40xi32, #tpu.memory_space<vmem>> -> memref<1x40xi32, #tpu.memory_space<vmem>>
        %dma_start3A_1102 = tpu.memref_squeeze %dma_start3A_1101 : memref<1x40xi32, #tpu.memory_space<vmem>> -> memref<40xi32, #tpu.memory_space<vmem>>
        %dma_start3A_1103 = tpu.memref_slice %arg4[%add3A_1085] : memref<320000xi32, #tpu.memory_space<hbm>> -> memref<40xi32, #tpu.memory_space<hbm>>
        %dma_start3A_1104 = tpu.memref_slice %arg15[%dma_start3A_1099] : memref<10x!tpu.dma_semaphore, #tpu.memory_space<semaphore_mem>> -> memref<1x!tpu.dma_semaphore, #tpu.memory_space<semaphore_mem>>
        %dma_start3A_1105 = tpu.memref_squeeze %dma_start3A_1104 : memref<1x!tpu.dma_semaphore, #tpu.memory_space<semaphore_mem>> -> memref<!tpu.dma_semaphore, #tpu.memory_space<semaphore_mem>>
        %dma_start3A_1106 = arith.constant 0 : i32
        %dma_start3A_1107 = tpu.memref_slice %arg8[%dma_start3A_1098, %dma_start3A_1106] : memref<10x40xi32, #tpu.memory_space<vmem>> -> memref<1x40xi32, #tpu.memory_space<vmem>>
        %dma_start3A_1108 = tpu.memref_squeeze %dma_start3A_1107 : memref<1x40xi32, #tpu.memory_space<vmem>> -> memref<40xi32, #tpu.memory_space<vmem>>
        %dma_start3A_1109 = tpu.memref_slice %arg4[%add3A_1085] : memref<320000xi32, #tpu.memory_space<hbm>> -> memref<40xi32, #tpu.memory_space<hbm>>
        tpu.enqueue_dma source(%dma_start3A_1109 : memref<40xi32, #tpu.memory_space<hbm>>) target(%dma_start3A_1108 : memref<40xi32, #tpu.memory_space<vmem>>) target_semaphore(%dma_start3A_1105 : memref<!tpu.dma_semaphore, #tpu.memory_space<semaphore_mem>>)
      } else {
      }
      %add3A_1056 = arith.constant 2 : i32
      %add3A_1057 = arith.addi %add3A_1048, %add3A_1056 : i32
      %le3A_1058 = arith.constant 23 : i32
      %le3A_1059 = arith.cmpi sle, %scan3A_245, %le3A_1058 : i32
      %convert_element_type3A_1060 = arith.extui %le3A_1059 : i1 to i32
      %cond3A_1061 = arith.constant 0 : i32
      %cond3A_1062 = arith.cmpi ne, %convert_element_type3A_1060, %cond3A_1061 : i32
      scf.if %cond3A_1062 {
        %dma_wait3A_1083 = arith.constant 0 : i32
        %dma_wait3A_1084 = arith.constant 1 : i32
        %dma_wait3A_1085 = arith.constant 0 : i32
        %dma_wait3A_1086 = tpu.memref_slice %arg8[%dma_wait3A_1083, %dma_wait3A_1085] : memref<10x40xi32, #tpu.memory_space<vmem>> -> memref<1x40xi32, #tpu.memory_space<vmem>>
        %dma_wait3A_1087 = tpu.memref_squeeze %dma_wait3A_1086 : memref<1x40xi32, #tpu.memory_space<vmem>> -> memref<40xi32, #tpu.memory_space<vmem>>
        %dma_wait3A_1088 = arith.constant 0 : i32
        %dma_wait3A_1089 = arith.constant 0 : i32
        %dma_wait3A_1090 = tpu.memref_slice %arg14[%dma_wait3A_1088, %dma_wait3A_1089] : memref<10240x128xf32, #tpu.memory_space<vmem_shared>> -> memref<10240x128xf32, #tpu.memory_space<vmem_shared>>
        %dma_wait3A_1091 = tpu.memref_slice %arg17[%dma_wait3A_1084] : memref<5x!tpu.dma_semaphore, #tpu.memory_space<semaphore_mem>> -> memref<1x!tpu.dma_semaphore, #tpu.memory_space<semaphore_mem>>
        %dma_wait3A_1092 = tpu.memref_squeeze %dma_wait3A_1091 : memref<1x!tpu.dma_semaphore, #tpu.memory_space<semaphore_mem>> -> memref<!tpu.dma_semaphore, #tpu.memory_space<semaphore_mem>>
        tpu.wait_indirect_dma semaphore(%dma_wait3A_1092 : memref<!tpu.dma_semaphore, #tpu.memory_space<semaphore_mem>>) src(%arg10 : memref<40x128xf32, #tpu.memory_space<vmem>>) dst(%dma_wait3A_1090 : memref<10240x128xf32, #tpu.memory_space<vmem_shared>>)
        %dma_wait3A_1093 = arith.constant 1 : i32
        %dma_wait3A_1094 = arith.constant 1 : i32
        %dma_wait3A_1095 = arith.constant 0 : i32
        %dma_wait3A_1096 = tpu.memref_slice %arg7[%dma_wait3A_1093, %dma_wait3A_1095] : memref<10x40xi32, #tpu.memory_space<vmem>> -> memref<1x40xi32, #tpu.memory_space<vmem>>
        %dma_wait3A_1097 = tpu.memref_squeeze %dma_wait3A_1096 : memref<1x40xi32, #tpu.memory_space<vmem>> -> memref<40xi32, #tpu.memory_space<vmem>>
        %dma_wait3A_1098 = arith.constant 0 : i32
        %dma_wait3A_1099 = tpu.memref_slice %arg3[%dma_wait3A_1098] : memref<320000xi32, #tpu.memory_space<hbm>> -> memref<40xi32, #tpu.memory_space<hbm>>
        %dma_wait3A_1100 = tpu.memref_slice %arg15[%dma_wait3A_1094] : memref<10x!tpu.dma_semaphore, #tpu.memory_space<semaphore_mem>> -> memref<1x!tpu.dma_semaphore, #tpu.memory_space<semaphore_mem>>
        %dma_wait3A_1101 = tpu.memref_squeeze %dma_wait3A_1100 : memref<1x!tpu.dma_semaphore, #tpu.memory_space<semaphore_mem>> -> memref<!tpu.dma_semaphore, #tpu.memory_space<semaphore_mem>>
        %dma_wait3A_1102 = arith.constant 0 : i32
        %dma_wait3A_1103 = tpu.memref_slice %arg7[%dma_wait3A_1093, %dma_wait3A_1102] : memref<10x40xi32, #tpu.memory_space<vmem>> -> memref<1x40xi32, #tpu.memory_space<vmem>>
        %dma_wait3A_1104 = tpu.memref_squeeze %dma_wait3A_1103 : memref<1x40xi32, #tpu.memory_space<vmem>> -> memref<40xi32, #tpu.memory_space<vmem>>
        %dma_wait3A_1105 = arith.constant 0 : i32
        %dma_wait3A_1106 = tpu.memref_slice %arg3[%dma_wait3A_1105] : memref<320000xi32, #tpu.memory_space<hbm>> -> memref<40xi32, #tpu.memory_space<hbm>>
        tpu.wait_dma2 semaphore(%dma_wait3A_1101 : memref<!tpu.dma_semaphore, #tpu.memory_space<semaphore_mem>>) src(%dma_wait3A_1106 : memref<40xi32, #tpu.memory_space<hbm>>) dst(%dma_wait3A_1104 : memref<40xi32, #tpu.memory_space<vmem>>)
        %dma_wait3A_1107 = arith.constant 1 : i32
        %dma_wait3A_1108 = arith.constant 1 : i32
        %dma_wait3A_1109 = arith.constant 0 : i32
        %dma_wait3A_1110 = tpu.memref_slice %arg8[%dma_wait3A_1107, %dma_wait3A_1109] : memref<10x40xi32, #tpu.memory_space<vmem>> -> memref<1x40xi32, #tpu.memory_space<vmem>>
        %dma_wait3A_1111 = tpu.memref_squeeze %dma_wait3A_1110 : memref<1x40xi32, #tpu.memory_space<vmem>> -> memref<40xi32, #tpu.memory_space<vmem>>
        %dma_wait3A_1112 = arith.constant 0 : i32
        %dma_wait3A_1113 = tpu.memref_slice %arg4[%dma_wait3A_1112] : memref<320000xi32, #tpu.memory_space<hbm>> -> memref<40xi32, #tpu.memory_space<hbm>>
        %dma_wait3A_1114 = tpu.memref_slice %arg15[%dma_wait3A_1108] : memref<10x!tpu.dma_semaphore, #tpu.memory_space<semaphore_mem>> -> memref<1x!tpu.dma_semaphore, #tpu.memory_space<semaphore_mem>>
        %dma_wait3A_1115 = tpu.memref_squeeze %dma_wait3A_1114 : memref<1x!tpu.dma_semaphore, #tpu.memory_space<semaphore_mem>> -> memref<!tpu.dma_semaphore, #tpu.memory_space<semaphore_mem>>
        %dma_wait3A_1116 = arith.constant 0 : i32
        %dma_wait3A_1117 = tpu.memref_slice %arg8[%dma_wait3A_1107, %dma_wait3A_1116] : memref<10x40xi32, #tpu.memory_space<vmem>> -> memref<1x40xi32, #tpu.memory_space<vmem>>
        %dma_wait3A_1118 = tpu.memref_squeeze %dma_wait3A_1117 : memref<1x40xi32, #tpu.memory_space<vmem>> -> memref<40xi32, #tpu.memory_space<vmem>>
        %dma_wait3A_1119 = arith.constant 0 : i32
        %dma_wait3A_1120 = tpu.memref_slice %arg4[%dma_wait3A_1119] : memref<320000xi32, #tpu.memory_space<hbm>> -> memref<40xi32, #tpu.memory_space<hbm>>
        tpu.wait_dma2 semaphore(%dma_wait3A_1115 : memref<!tpu.dma_semaphore, #tpu.memory_space<semaphore_mem>>) src(%dma_wait3A_1120 : memref<40xi32, #tpu.memory_space<hbm>>) dst(%dma_wait3A_1118 : memref<40xi32, #tpu.memory_space<vmem>>)
        %dma_start3A_1121 = arith.constant 1 : i32
        %dma_start3A_1122 = arith.constant 1 : i32
        %dma_start3A_1123 = arith.constant 0 : i32
        %dma_start3A_1124 = tpu.memref_slice %arg7[%dma_start3A_1121, %dma_start3A_1123] : memref<10x40xi32, #tpu.memory_space<vmem>> -> memref<1x40xi32, #tpu.memory_space<vmem>>
        %dma_start3A_1125 = tpu.memref_squeeze %dma_start3A_1124 : memref<1x40xi32, #tpu.memory_space<vmem>> -> memref<40xi32, #tpu.memory_space<vmem>>
        %dma_start3A_1126 = arith.constant 0 : i32
        %dma_start3A_1127 = arith.constant 0 : i32
        %dma_start3A_1128 = tpu.memref_slice %arg2[%dma_start3A_1126, %dma_start3A_1127] : memref<10000x128xf32, #tpu.memory_space<hbm>> -> memref<10000x128xf32, #tpu.memory_space<hbm>>
        %dma_start3A_1129 = tpu.memref_slice %arg16[%dma_start3A_1122] : memref<5x!tpu.dma_semaphore, #tpu.memory_space<semaphore_mem>> -> memref<1x!tpu.dma_semaphore, #tpu.memory_space<semaphore_mem>>
        %dma_start3A_1130 = tpu.memref_squeeze %dma_start3A_1129 : memref<1x!tpu.dma_semaphore, #tpu.memory_space<semaphore_mem>> -> memref<!tpu.dma_semaphore, #tpu.memory_space<semaphore_mem>>
        tpu.enqueue_indirect_dma source(%dma_start3A_1128 : memref<10000x128xf32, #tpu.memory_space<hbm>>) target(%arg10 : memref<40x128xf32, #tpu.memory_space<vmem>>) offsets(%dma_start3A_1125 : memref<40xi32, #tpu.memory_space<vmem>>) semaphore(%dma_start3A_1130 : memref<!tpu.dma_semaphore, #tpu.memory_space<semaphore_mem>>)
      } else {
      }
      %dma_wait3A_1063 = arith.constant 0 : i32
      %dma_wait3A_1064 = arith.constant 4 : i32
      %dma_wait3A_1065 = arith.constant 0 : i32
      %dma_wait3A_1066 = tpu.memref_slice %arg7[%dma_wait3A_1063, %dma_wait3A_1065] : memref<10x40xi32, #tpu.memory_space<vmem>> -> memref<1x40xi32, #tpu.memory_space<vmem>>
      %dma_wait3A_1067 = tpu.memref_squeeze %dma_wait3A_1066 : memref<1x40xi32, #tpu.memory_space<vmem>> -> memref<40xi32, #tpu.memory_space<vmem>>
      %dma_wait3A_1068 = arith.constant 0 : i32
      %dma_wait3A_1069 = arith.constant 0 : i32
      %dma_wait3A_1070 = tpu.memref_slice %arg2[%dma_wait3A_1068, %dma_wait3A_1069] : memref<10000x128xf32, #tpu.memory_space<hbm>> -> memref<10000x128xf32, #tpu.memory_space<hbm>>
      %dma_wait3A_1071 = tpu.memref_slice %arg16[%dma_wait3A_1064] : memref<5x!tpu.dma_semaphore, #tpu.memory_space<semaphore_mem>> -> memref<1x!tpu.dma_semaphore, #tpu.memory_space<semaphore_mem>>
      %dma_wait3A_1072 = tpu.memref_squeeze %dma_wait3A_1071 : memref<1x!tpu.dma_semaphore, #tpu.memory_space<semaphore_mem>> -> memref<!tpu.dma_semaphore, #tpu.memory_space<semaphore_mem>>
      tpu.wait_indirect_dma semaphore(%dma_wait3A_1072 : memref<!tpu.dma_semaphore, #tpu.memory_space<semaphore_mem>>) src(%dma_wait3A_1070 : memref<10000x128xf32, #tpu.memory_space<hbm>>) dst(%arg13 : memref<40x128xf32, #tpu.memory_space<vmem>>)
      %dma_start3A_1073 = arith.constant 9 : i32
      %dma_start3A_1074 = arith.constant 4 : i32
      %dma_start3A_1075 = arith.constant 0 : i32
      %dma_start3A_1076 = tpu.memref_slice %arg8[%dma_start3A_1073, %dma_start3A_1075] : memref<10x40xi32, #tpu.memory_space<vmem>> -> memref<1x40xi32, #tpu.memory_space<vmem>>
      %dma_start3A_1077 = tpu.memref_squeeze %dma_start3A_1076 : memref<1x40xi32, #tpu.memory_space<vmem>> -> memref<40xi32, #tpu.memory_space<vmem>>
      %dma_start3A_1078 = arith.constant 0 : i32
      %dma_start3A_1079 = arith.constant 0 : i32
      %dma_start3A_1080 = tpu.memref_slice %arg14[%dma_start3A_1078, %dma_start3A_1079] : memref<10240x128xf32, #tpu.memory_space<vmem_shared>> -> memref<10240x128xf32, #tpu.memory_space<vmem_shared>>
      %dma_start3A_1081 = tpu.memref_slice %arg17[%dma_start3A_1074] : memref<5x!tpu.dma_semaphore, #tpu.memory_space<semaphore_mem>> -> memref<1x!tpu.dma_semaphore, #tpu.memory_space<semaphore_mem>>
      %dma_start3A_1082 = tpu.memref_squeeze %dma_start3A_1081 : memref<1x!tpu.dma_semaphore, #tpu.memory_space<semaphore_mem>> -> memref<!tpu.dma_semaphore, #tpu.memory_space<semaphore_mem>>
      tpu.enqueue_indirect_dma source(%arg13 : memref<40x128xf32, #tpu.memory_space<vmem>>) target(%dma_start3A_1080 : memref<10240x128xf32, #tpu.memory_space<vmem_shared>>) offsets(%dma_start3A_1077 : memref<40xi32, #tpu.memory_space<vmem>>) semaphore(%dma_start3A_1082 : memref<!tpu.dma_semaphore, #tpu.memory_space<semaphore_mem>>) {add = true}
    }
    %scan3A_189 = arith.constant 25 : i32
    %dma_wait3A_190 = arith.constant 0 : i32
    %dma_wait3A_191 = arith.constant 0 : i32
    %dma_wait3A_192 = arith.constant 0 : i32
    %dma_wait3A_193 = tpu.memref_slice %arg8[%dma_wait3A_190, %dma_wait3A_192] : memref<10x40xi32, #tpu.memory_space<vmem>> -> memref<1x40xi32, #tpu.memory_space<vmem>>
    %dma_wait3A_194 = tpu.memref_squeeze %dma_wait3A_193 : memref<1x40xi32, #tpu.memory_space<vmem>> -> memref<40xi32, #tpu.memory_space<vmem>>
    %dma_wait3A_195 = arith.constant 0 : i32
    %dma_wait3A_196 = arith.constant 0 : i32
    %dma_wait3A_197 = tpu.memref_slice %arg14[%dma_wait3A_195, %dma_wait3A_196] : memref<10240x128xf32, #tpu.memory_space<vmem_shared>> -> memref<10240x128xf32, #tpu.memory_space<vmem_shared>>
    %dma_wait3A_198 = tpu.memref_slice %arg17[%dma_wait3A_191] : memref<5x!tpu.dma_semaphore, #tpu.memory_space<semaphore_mem>> -> memref<1x!tpu.dma_semaphore, #tpu.memory_space<semaphore_mem>>
    %dma_wait3A_199 = tpu.memref_squeeze %dma_wait3A_198 : memref<1x!tpu.dma_semaphore, #tpu.memory_space<semaphore_mem>> -> memref<!tpu.dma_semaphore, #tpu.memory_space<semaphore_mem>>
    tpu.wait_indirect_dma semaphore(%dma_wait3A_199 : memref<!tpu.dma_semaphore, #tpu.memory_space<semaphore_mem>>) src(%arg9 : memref<40x128xf32, #tpu.memory_space<vmem>>) dst(%dma_wait3A_197 : memref<10240x128xf32, #tpu.memory_space<vmem_shared>>)
    %dma_wait3A_200 = arith.constant 0 : i32
    %dma_wait3A_201 = arith.constant 1 : i32
    %dma_wait3A_202 = arith.constant 0 : i32
    %dma_wait3A_203 = tpu.memref_slice %arg8[%dma_wait3A_200, %dma_wait3A_202] : memref<10x40xi32, #tpu.memory_space<vmem>> -> memref<1x40xi32, #tpu.memory_space<vmem>>
    %dma_wait3A_204 = tpu.memref_squeeze %dma_wait3A_203 : memref<1x40xi32, #tpu.memory_space<vmem>> -> memref<40xi32, #tpu.memory_space<vmem>>
    %dma_wait3A_205 = arith.constant 0 : i32
    %dma_wait3A_206 = arith.constant 0 : i32
    %dma_wait3A_207 = tpu.memref_slice %arg14[%dma_wait3A_205, %dma_wait3A_206] : memref<10240x128xf32, #tpu.memory_space<vmem_shared>> -> memref<10240x128xf32, #tpu.memory_space<vmem_shared>>
    %dma_wait3A_208 = tpu.memref_slice %arg17[%dma_wait3A_201] : memref<5x!tpu.dma_semaphore, #tpu.memory_space<semaphore_mem>> -> memref<1x!tpu.dma_semaphore, #tpu.memory_space<semaphore_mem>>
    %dma_wait3A_209 = tpu.memref_squeeze %dma_wait3A_208 : memref<1x!tpu.dma_semaphore, #tpu.memory_space<semaphore_mem>> -> memref<!tpu.dma_semaphore, #tpu.memory_space<semaphore_mem>>
    tpu.wait_indirect_dma semaphore(%dma_wait3A_209 : memref<!tpu.dma_semaphore, #tpu.memory_space<semaphore_mem>>) src(%arg10 : memref<40x128xf32, #tpu.memory_space<vmem>>) dst(%dma_wait3A_207 : memref<10240x128xf32, #tpu.memory_space<vmem_shared>>)
    %dma_wait3A_210 = arith.constant 0 : i32
    %dma_wait3A_211 = arith.constant 2 : i32
    %dma_wait3A_212 = arith.constant 0 : i32
    %dma_wait3A_213 = tpu.memref_slice %arg8[%dma_wait3A_210, %dma_wait3A_212] : memref<10x40xi32, #tpu.memory_space<vmem>> -> memref<1x40xi32, #tpu.memory_space<vmem>>
    %dma_wait3A_214 = tpu.memref_squeeze %dma_wait3A_213 : memref<1x40xi32, #tpu.memory_space<vmem>> -> memref<40xi32, #tpu.memory_space<vmem>>
    %dma_wait3A_215 = arith.constant 0 : i32
    %dma_wait3A_216 = arith.constant 0 : i32
    %dma_wait3A_217 = tpu.memref_slice %arg14[%dma_wait3A_215, %dma_wait3A_216] : memref<10240x128xf32, #tpu.memory_space<vmem_shared>> -> memref<10240x128xf32, #tpu.memory_space<vmem_shared>>
    %dma_wait3A_218 = tpu.memref_slice %arg17[%dma_wait3A_211] : memref<5x!tpu.dma_semaphore, #tpu.memory_space<semaphore_mem>> -> memref<1x!tpu.dma_semaphore, #tpu.memory_space<semaphore_mem>>
    %dma_wait3A_219 = tpu.memref_squeeze %dma_wait3A_218 : memref<1x!tpu.dma_semaphore, #tpu.memory_space<semaphore_mem>> -> memref<!tpu.dma_semaphore, #tpu.memory_space<semaphore_mem>>
    tpu.wait_indirect_dma semaphore(%dma_wait3A_219 : memref<!tpu.dma_semaphore, #tpu.memory_space<semaphore_mem>>) src(%arg11 : memref<40x128xf32, #tpu.memory_space<vmem>>) dst(%dma_wait3A_217 : memref<10240x128xf32, #tpu.memory_space<vmem_shared>>)
    %dma_wait3A_220 = arith.constant 0 : i32
    %dma_wait3A_221 = arith.constant 3 : i32
    %dma_wait3A_222 = arith.constant 0 : i32
    %dma_wait3A_223 = tpu.memref_slice %arg8[%dma_wait3A_220, %dma_wait3A_222] : memref<10x40xi32, #tpu.memory_space<vmem>> -> memref<1x40xi32, #tpu.memory_space<vmem>>
    %dma_wait3A_224 = tpu.memref_squeeze %dma_wait3A_223 : memref<1x40xi32, #tpu.memory_space<vmem>> -> memref<40xi32, #tpu.memory_space<vmem>>
    %dma_wait3A_225 = arith.constant 0 : i32
    %dma_wait3A_226 = arith.constant 0 : i32
    %dma_wait3A_227 = tpu.memref_slice %arg14[%dma_wait3A_225, %dma_wait3A_226] : memref<10240x128xf32, #tpu.memory_space<vmem_shared>> -> memref<10240x128xf32, #tpu.memory_space<vmem_shared>>
    %dma_wait3A_228 = tpu.memref_slice %arg17[%dma_wait3A_221] : memref<5x!tpu.dma_semaphore, #tpu.memory_space<semaphore_mem>> -> memref<1x!tpu.dma_semaphore, #tpu.memory_space<semaphore_mem>>
    %dma_wait3A_229 = tpu.memref_squeeze %dma_wait3A_228 : memref<1x!tpu.dma_semaphore, #tpu.memory_space<semaphore_mem>> -> memref<!tpu.dma_semaphore, #tpu.memory_space<semaphore_mem>>
    tpu.wait_indirect_dma semaphore(%dma_wait3A_229 : memref<!tpu.dma_semaphore, #tpu.memory_space<semaphore_mem>>) src(%arg12 : memref<40x128xf32, #tpu.memory_space<vmem>>) dst(%dma_wait3A_227 : memref<10240x128xf32, #tpu.memory_space<vmem_shared>>)
    %dma_wait3A_230 = arith.constant 0 : i32
    %dma_wait3A_231 = arith.constant 4 : i32
    %dma_wait3A_232 = arith.constant 0 : i32
    %dma_wait3A_233 = tpu.memref_slice %arg8[%dma_wait3A_230, %dma_wait3A_232] : memref<10x40xi32, #tpu.memory_space<vmem>> -> memref<1x40xi32, #tpu.memory_space<vmem>>
    %dma_wait3A_234 = tpu.memref_squeeze %dma_wait3A_233 : memref<1x40xi32, #tpu.memory_space<vmem>> -> memref<40xi32, #tpu.memory_space<vmem>>
    %dma_wait3A_235 = arith.constant 0 : i32
    %dma_wait3A_236 = arith.constant 0 : i32
    %dma_wait3A_237 = tpu.memref_slice %arg14[%dma_wait3A_235, %dma_wait3A_236] : memref<10240x128xf32, #tpu.memory_space<vmem_shared>> -> memref<10240x128xf32, #tpu.memory_space<vmem_shared>>
    %dma_wait3A_238 = tpu.memref_slice %arg17[%dma_wait3A_231] : memref<5x!tpu.dma_semaphore, #tpu.memory_space<semaphore_mem>> -> memref<1x!tpu.dma_semaphore, #tpu.memory_space<semaphore_mem>>
    %dma_wait3A_239 = tpu.memref_squeeze %dma_wait3A_238 : memref<1x!tpu.dma_semaphore, #tpu.memory_space<semaphore_mem>> -> memref<!tpu.dma_semaphore, #tpu.memory_space<semaphore_mem>>
    tpu.wait_indirect_dma semaphore(%dma_wait3A_239 : memref<!tpu.dma_semaphore, #tpu.memory_space<semaphore_mem>>) src(%arg13 : memref<40x128xf32, #tpu.memory_space<vmem>>) dst(%dma_wait3A_237 : memref<10240x128xf32, #tpu.memory_space<vmem_shared>>)
    %barrier3A_240 = arith.constant 0 : index
    tpu.barrier barrier_id(%barrier3A_240)
    %mul3A_241 = arith.constant 640 : i32
    %mul3A_242 = arith.muli %arg1, %mul3A_241 : i32
    %mul3A_243 = arith.constant 640 : i32
    %mul3A_244 = arith.muli %arg1, %mul3A_243 : i32
    "tpu.region"() ({
      %run_scoped3A = tpu.sem_alloc : memref<!tpu.dma_semaphore, #tpu.memory_space<semaphore_mem>>
      %dma_start3A_245 = arith.constant 0 : i32
      %dma_start3A_246 = tpu.memref_slice %arg6[%arg0, %mul3A_244, %dma_start3A_245] : memref<2x10240x128xf32, #tpu.memory_space<hbm>> -> memref<1x640x128xf32, #tpu.memory_space<hbm>>
      %dma_start3A_247 = tpu.memref_squeeze %dma_start3A_246 : memref<1x640x128xf32, #tpu.memory_space<hbm>> -> memref<640x128xf32, #tpu.memory_space<hbm>>
      %dma_start3A_248 = arith.constant 0 : i32
      %dma_start3A_249 = tpu.memref_slice %arg14[%mul3A_242, %dma_start3A_248] : memref<10240x128xf32, #tpu.memory_space<vmem_shared>> -> memref<640x128xf32, #tpu.memory_space<vmem_shared>>
      tpu.enqueue_dma source(%dma_start3A_249 : memref<640x128xf32, #tpu.memory_space<vmem_shared>>) target(%dma_start3A_247 : memref<640x128xf32, #tpu.memory_space<hbm>>) target_semaphore(%run_scoped3A : memref<!tpu.dma_semaphore, #tpu.memory_space<semaphore_mem>>)
      %dma_wait3A_250 = arith.constant 0 : i32
      %dma_wait3A_251 = tpu.memref_slice %arg6[%arg0, %mul3A_244, %dma_wait3A_250] : memref<2x10240x128xf32, #tpu.memory_space<hbm>> -> memref<1x640x128xf32, #tpu.memory_space<hbm>>
      %dma_wait3A_252 = tpu.memref_squeeze %dma_wait3A_251 : memref<1x640x128xf32, #tpu.memory_space<hbm>> -> memref<640x128xf32, #tpu.memory_space<hbm>>
      %dma_wait3A_253 = arith.constant 0 : i32
      %dma_wait3A_254 = tpu.memref_slice %arg14[%mul3A_242, %dma_wait3A_253] : memref<10240x128xf32, #tpu.memory_space<vmem_shared>> -> memref<640x128xf32, #tpu.memory_space<vmem_shared>>
      tpu.wait_dma2 semaphore(%run_scoped3A : memref<!tpu.dma_semaphore, #tpu.memory_space<semaphore_mem>>) src(%dma_wait3A_254 : memref<640x128xf32, #tpu.memory_space<vmem_shared>>) dst(%dma_wait3A_252 : memref<640x128xf32, #tpu.memory_space<hbm>>)
      tpu.yield
    }) : () -> ()
    return
  }
}

module attributes {stable_mosaic.version = 14 : i64} {
  func.func @_node_kernel(%arg0: i32, %arg1: memref<1000x128xf32, #tpu.memory_space<vmem>>, %arg2: memref<1000x128xf32, #tpu.memory_space<vmem>>, %arg3: memref<1000x128xf32, #tpu.memory_space<vmem>>, %arg4: memref<1x1x1000xi32, #tpu.memory_space<vmem>>, %arg5: memref<128x128xf32, #tpu.memory_space<vmem>>, %arg6: memref<128x128xf32, #tpu.memory_space<vmem>>, %arg7: memref<128x256xf32, #tpu.memory_space<vmem>>, %arg8: memref<1x256xf32, #tpu.memory_space<vmem>>, %arg9: memref<256x128xf32, #tpu.memory_space<vmem>>, %arg10: memref<1x128xf32, #tpu.memory_space<vmem>>, %arg11: memref<1024x128xf32, #tpu.memory_space<vmem>>, %arg12: memref<128x256xf32, #tpu.memory_space<vmem>>, %arg13: memref<1x256xf32, #tpu.memory_space<vmem>>, %arg14: memref<256x1xf32, #tpu.memory_space<vmem>>, %arg15: memref<1x1xf32, #tpu.memory_space<vmem>>, %arg16: memref<1x256xf32, #tpu.memory_space<vmem>>, %arg17: memref<1x256xf32, #tpu.memory_space<vmem>>, %arg18: memref<512x128xf32, #tpu.memory_space<vmem>>, %arg19: memref<512x128xf32, #tpu.memory_space<vmem>>, %arg20: memref<512x8xf32, #tpu.memory_space<vmem>>, %arg21: memref<512x1xf32, #tpu.memory_space<vmem>>, %arg22: memref<512x128xf32, #tpu.memory_space<vmem>>, %arg23: memref<512x128xf32, #tpu.memory_space<vmem>>, %arg24: memref<1x2xf32, #tpu.memory_space<vmem>>) attributes {dimension_semantics = [#tpu.dimension_semantics<arbitrary>], iteration_bounds = array<i64: 10>, scalar_prefetch = 0 : i64, scratch_operands = 0 : i64, tpu.core_type = #tpu.core_type<tc>, window_params = [{transform_indices = @transform_0, window_bounds = array<i64: 1000, 128>}, {transform_indices = @transform_1, window_bounds = array<i64: 1000, 128>}, {transform_indices = @transform_2, window_bounds = array<i64: 1000, 128>}, {transform_indices = @transform_3, window_bounds = array<i64: 1, 1, 1000>}, {pipeline_mode = #tpu.pipeline_mode<synchronous>, transform_indices = @transform_4, window_bounds = array<i64: 128, 128>}, {pipeline_mode = #tpu.pipeline_mode<synchronous>, transform_indices = @transform_5, window_bounds = array<i64: 128, 128>}, {pipeline_mode = #tpu.pipeline_mode<synchronous>, transform_indices = @transform_6, window_bounds = array<i64: 128, 256>}, {pipeline_mode = #tpu.pipeline_mode<synchronous>, transform_indices = @transform_7, window_bounds = array<i64: 1, 256>}, {pipeline_mode = #tpu.pipeline_mode<synchronous>, transform_indices = @transform_8, window_bounds = array<i64: 256, 128>}, {pipeline_mode = #tpu.pipeline_mode<synchronous>, transform_indices = @transform_9, window_bounds = array<i64: 1, 128>}, {pipeline_mode = #tpu.pipeline_mode<synchronous>, transform_indices = @transform_10, window_bounds = array<i64: 1024, 128>}, {pipeline_mode = #tpu.pipeline_mode<synchronous>, transform_indices = @transform_11, window_bounds = array<i64: 128, 256>}, {pipeline_mode = #tpu.pipeline_mode<synchronous>, transform_indices = @transform_12, window_bounds = array<i64: 1, 256>}, {pipeline_mode = #tpu.pipeline_mode<synchronous>, transform_indices = @transform_13, window_bounds = array<i64: 256, 1>}, {pipeline_mode = #tpu.pipeline_mode<synchronous>, transform_indices = @transform_14, window_bounds = array<i64: 1, 1>}, {pipeline_mode = #tpu.pipeline_mode<synchronous>, transform_indices = @transform_15, window_bounds = array<i64: 1, 256>}, {pipeline_mode = #tpu.pipeline_mode<synchronous>, transform_indices = @transform_16, window_bounds = array<i64: 1, 256>}, {pipeline_mode = #tpu.pipeline_mode<synchronous>, transform_indices = @transform_17, window_bounds = array<i64: 512, 128>}, {pipeline_mode = #tpu.pipeline_mode<synchronous>, transform_indices = @transform_18, window_bounds = array<i64: 512, 128>}, {pipeline_mode = #tpu.pipeline_mode<synchronous>, transform_indices = @transform_19, window_bounds = array<i64: 512, 8>}, {pipeline_mode = #tpu.pipeline_mode<synchronous>, transform_indices = @transform_20, window_bounds = array<i64: 512, 1>}, {pipeline_mode = #tpu.pipeline_mode<synchronous>, transform_indices = @transform_21, window_bounds = array<i64: 512, 128>}, {pipeline_mode = #tpu.pipeline_mode<synchronous>, transform_indices = @transform_22, window_bounds = array<i64: 512, 128>}, {pipeline_mode = #tpu.pipeline_mode<synchronous>, transform_indices = @transform_23, window_bounds = array<i64: 1, 2>}]} {
    %get3A = arith.constant 0 : index
    %get3A_0 = arith.constant 0 : index
    %get3A_1 = vector.load %arg1[%get3A, %get3A_0] : memref<1000x128xf32, #tpu.memory_space<vmem>>, vector<1000x128xf32>
    %get3A_2 = arith.constant 0 : index
    %get3A_3 = arith.constant 0 : index
    %get3A_4 = vector.load %arg2[%get3A_2, %get3A_3] : memref<1000x128xf32, #tpu.memory_space<vmem>>, vector<1000x128xf32>
    %add3A = arith.addf %get3A_1, %get3A_4 : vector<1000x128xf32>
    %get3A_5 = arith.constant 0 : index
    %get3A_6 = arith.constant 0 : index
    %get3A_7 = vector.load %arg3[%get3A_5, %get3A_6] : memref<1000x128xf32, #tpu.memory_space<vmem>>, vector<1000x128xf32>
    %add3A_8 = arith.addf %add3A, %get3A_7 : vector<1000x128xf32>
    %get3A_9 = arith.constant 0 : index
    %get3A_10 = arith.constant 0 : index
    %get3A_11 = vector.load %arg5[%get3A_9, %get3A_10] : memref<128x128xf32, #tpu.memory_space<vmem>>, vector<128x128xf32>
    %dot_general3A = arith.constant dense<0.000000e+00> : vector<1000x128xf32>
    %dot_general3A_12 = tpu.matmul %add3A_8, %get3A_11, %dot_general3A {dimension_numbers = #tpu.dot_dimension_numbers<[1], [0], [0], [1], [0, 0, 1, 1], [], []>, transpose_lhs_hint = false} : vector<1000x128xf32>, vector<128x128xf32>, vector<1000x128xf32> -> vector<1000x128xf32>
    %max3A = arith.constant 0.000000e+00 : f32
    %max3A_13 = vector.broadcast %max3A : f32 to vector<1000x128xf32>
    %max3A_14 = arith.maximumf %dot_general3A_12, %max3A_13 : vector<1000x128xf32>
    %get3A_15 = arith.constant 0 : index
    %get3A_16 = arith.constant 0 : index
    %get3A_17 = vector.load %arg7[%get3A_15, %get3A_16] : memref<128x256xf32, #tpu.memory_space<vmem>>, vector<128x256xf32>
    %dot_general3A_18 = arith.constant dense<0.000000e+00> : vector<1000x256xf32>
    %dot_general3A_19 = tpu.matmul %max3A_14, %get3A_17, %dot_general3A_18 {dimension_numbers = #tpu.dot_dimension_numbers<[1], [0], [0], [1], [0, 0, 1, 1], [], []>, transpose_lhs_hint = false} : vector<1000x128xf32>, vector<128x256xf32>, vector<1000x256xf32> -> vector<1000x256xf32>
    %get3A_20 = arith.constant 0 : index
    %get3A_21 = arith.constant 0 : index
    %get3A_22 = vector.load %arg8[%get3A_20, %get3A_21] : memref<1x256xf32, #tpu.memory_space<vmem>>, vector<1x256xf32>
    %add3A_23 = vector.broadcast %get3A_22 : vector<1x256xf32> to vector<1000x256xf32>
    %add3A_24 = arith.addf %dot_general3A_19, %add3A_23 : vector<1000x256xf32>
    %max3A_25 = arith.constant 0.000000e+00 : f32
    %max3A_26 = vector.broadcast %max3A_25 : f32 to vector<1000x256xf32>
    %max3A_27 = arith.maximumf %add3A_24, %max3A_26 : vector<1000x256xf32>
    %get3A_28 = arith.constant 0 : index
    %get3A_29 = arith.constant 0 : index
    %get3A_30 = vector.load %arg9[%get3A_28, %get3A_29] : memref<256x128xf32, #tpu.memory_space<vmem>>, vector<256x128xf32>
    %dot_general3A_31 = arith.constant dense<0.000000e+00> : vector<1000x128xf32>
    %dot_general3A_32 = tpu.matmul %max3A_27, %get3A_30, %dot_general3A_31 {dimension_numbers = #tpu.dot_dimension_numbers<[1], [0], [0], [1], [0, 0, 1, 1], [], []>, transpose_lhs_hint = false} : vector<1000x256xf32>, vector<256x128xf32>, vector<1000x128xf32> -> vector<1000x128xf32>
    %get3A_33 = arith.constant 0 : index
    %get3A_34 = arith.constant 0 : index
    %get3A_35 = vector.load %arg10[%get3A_33, %get3A_34] : memref<1x128xf32, #tpu.memory_space<vmem>>, vector<1x128xf32>
    %add3A_36 = vector.broadcast %get3A_35 : vector<1x128xf32> to vector<1000x128xf32>
    %add3A_37 = arith.addf %dot_general3A_32, %add3A_36 : vector<1000x128xf32>
    %logistic3A = arith.negf %add3A_37 : vector<1000x128xf32>
    %logistic3A_38 = math.exp %logistic3A : vector<1000x128xf32>
    %logistic3A_39 = arith.constant 1.000000e+00 : f32
    %logistic3A_40 = vector.broadcast %logistic3A_39 : f32 to vector<1000x128xf32>
    %logistic3A_41 = arith.addf %logistic3A_40, %logistic3A_38 : vector<1000x128xf32>
    %logistic3A_42 = arith.divf %logistic3A_40, %logistic3A_41 : vector<1000x128xf32>
    %reduce_sum3A = arith.constant dense<0.000000e+00> : vector<1000xf32>
    %reduce_sum3A_43 = vector.multi_reduction <add>, %logistic3A_42, %reduce_sum3A [1] : vector<1000x128xf32> to vector<1000xf32>
    %broadcast_in_dim3A = vector.shape_cast %reduce_sum3A_43 : vector<1000xf32> to vector<1000x1xf32>
    %div3A = arith.constant 1.280000e+02 : f32
    %div3A_44 = vector.broadcast %div3A : f32 to vector<1000x1xf32>
    %div3A_45 = arith.divf %broadcast_in_dim3A, %div3A_44 : vector<1000x1xf32>
    %get3A_46 = arith.constant 0 : index
    %get3A_47 = arith.constant 0 : index
    %get3A_48 = vector.load %arg6[%get3A_46, %get3A_47] : memref<128x128xf32, #tpu.memory_space<vmem>>, vector<128x128xf32>
    %dot_general3A_49 = arith.constant dense<0.000000e+00> : vector<1000x128xf32>
    %dot_general3A_50 = tpu.matmul %add3A_8, %get3A_48, %dot_general3A_49 {dimension_numbers = #tpu.dot_dimension_numbers<[1], [0], [0], [1], [0, 0, 1, 1], [], []>, transpose_lhs_hint = false} : vector<1000x128xf32>, vector<128x128xf32>, vector<1000x128xf32> -> vector<1000x128xf32>
    %max3A_51 = arith.constant 0.000000e+00 : f32
    %max3A_52 = vector.broadcast %max3A_51 : f32 to vector<1000x128xf32>
    %max3A_53 = arith.maximumf %dot_general3A_50, %max3A_52 : vector<1000x128xf32>
    %get3A_54 = arith.constant 0 : index
    %get3A_55 = arith.constant 0 : index
    %get3A_56 = vector.load %arg11[%get3A_54, %get3A_55] : memref<1024x128xf32, #tpu.memory_space<vmem>>, vector<1024x128xf32>
    %mul3A = arith.mulf %max3A_53, %max3A_53 : vector<1000x128xf32>
    %reduce_sum3A_57 = arith.constant dense<0.000000e+00> : vector<1000xf32>
    %reduce_sum3A_58 = vector.multi_reduction <add>, %mul3A, %reduce_sum3A_57 [1] : vector<1000x128xf32> to vector<1000xf32>
    %broadcast_in_dim3A_59 = vector.shape_cast %reduce_sum3A_58 : vector<1000xf32> to vector<1000x1xf32>
    %transpose3A = tpu.transpose %get3A_56, [1, 0] : vector<1024x128xf32> -> vector<128x1024xf32>
    %dot_general3A_60 = arith.constant dense<0.000000e+00> : vector<1000x1024xf32>
    %dot_general3A_61 = tpu.matmul %max3A_53, %transpose3A, %dot_general3A_60 {dimension_numbers = #tpu.dot_dimension_numbers<[1], [0], [0], [1], [0, 0, 1, 1], [], []>, transpose_lhs_hint = false} : vector<1000x128xf32>, vector<128x1024xf32>, vector<1000x1024xf32> -> vector<1000x1024xf32>
    %mul3A_62 = arith.constant 2.000000e+00 : f32
    %mul3A_63 = vector.broadcast %mul3A_62 : f32 to vector<1000x1024xf32>
    %mul3A_64 = arith.mulf %mul3A_63, %dot_general3A_61 : vector<1000x1024xf32>
    %sub3A = vector.broadcast %broadcast_in_dim3A_59 : vector<1000x1xf32> to vector<1000x1024xf32>
    %sub3A_65 = arith.subf %sub3A, %mul3A_64 : vector<1000x1024xf32>
    %mul3A_66 = arith.mulf %get3A_56, %get3A_56 : vector<1024x128xf32>
    %reduce_sum3A_67 = arith.constant dense<0.000000e+00> : vector<1024xf32>
    %reduce_sum3A_68 = vector.multi_reduction <add>, %mul3A_66, %reduce_sum3A_67 [1] : vector<1024x128xf32> to vector<1024xf32>
    %broadcast_in_dim3A_69 = vector.shape_cast %reduce_sum3A_68 : vector<1024xf32> to vector<1x1024xf32>
    %add3A_70 = vector.broadcast %broadcast_in_dim3A_69 : vector<1x1024xf32> to vector<1000x1024xf32>
    %add3A_71 = arith.addf %sub3A_65, %add3A_70 : vector<1000x1024xf32>
    %reduce_min3A = arith.constant dense<0x7F800000> : vector<1000xf32>
    %reduce_min3A_72 = vector.multi_reduction <minimumf>, %add3A_71, %reduce_min3A [1] : vector<1000x1024xf32> to vector<1000xf32>
    %broadcast_in_dim3A_73 = vector.shape_cast %reduce_min3A_72 : vector<1000xf32> to vector<1000x1xf32>
    %iota3A = tpu.iota {dimensions = array<i32: 1>} : vector<1000x1024xi32>
    %eq3A = vector.broadcast %broadcast_in_dim3A_73 : vector<1000x1xf32> to vector<1000x1024xf32>
    %eq3A_74 = arith.cmpf oeq, %add3A_71, %eq3A : vector<1000x1024xf32>
    %jit3A = arith.constant 1024 : i32
    %broadcast_in_dim3A_75 = vector.broadcast %jit3A : i32 to vector<1000x1024xi32>
    %select_n3A = arith.select %eq3A_74, %iota3A, %broadcast_in_dim3A_75 : vector<1000x1024xi1>, vector<1000x1024xi32>
    %reduce_min3A_76 = arith.constant dense<2147483647> : vector<1000xi32>
    %reduce_min3A_77 = vector.multi_reduction <minsi>, %select_n3A, %reduce_min3A_76 [1] : vector<1000x1024xi32> to vector<1000xi32>
    %broadcast_in_dim3A_78 = vector.shape_cast %reduce_min3A_77 : vector<1000xi32> to vector<1000x1xi32>
    %eq3A_79 = vector.broadcast %broadcast_in_dim3A_78 : vector<1000x1xi32> to vector<1000x1024xi32>
    %eq3A_80 = arith.cmpi eq, %iota3A, %eq3A_79 : vector<1000x1024xi32>
    %convert_element_type3A = arith.extui %eq3A_80 : vector<1000x1024xi1> to vector<1000x1024xi32>
    %convert_element_type3A_81 = arith.sitofp %convert_element_type3A : vector<1000x1024xi32> to vector<1000x1024xf32>
    %dot_general3A_82 = arith.constant dense<0.000000e+00> : vector<1000x128xf32>
    %dot_general3A_83 = tpu.matmul %convert_element_type3A_81, %get3A_56, %dot_general3A_82 {dimension_numbers = #tpu.dot_dimension_numbers<[1], [0], [0], [1], [0, 0, 1, 1], [], []>, transpose_lhs_hint = false} : vector<1000x1024xf32>, vector<1024x128xf32>, vector<1000x128xf32> -> vector<1000x128xf32>
    %add3A_84 = arith.addf %max3A_53, %dot_general3A_83 : vector<1000x128xf32>
    %mul3A_85 = arith.mulf %add3A_84, %logistic3A_42 : vector<1000x128xf32>
    %sub3A_86 = arith.constant 1.000000e+00 : f32
    %sub3A_87 = vector.broadcast %sub3A_86 : f32 to vector<1000x128xf32>
    %sub3A_88 = arith.subf %sub3A_87, %logistic3A_42 : vector<1000x128xf32>
    %mul3A_89 = arith.mulf %add3A_84, %sub3A_88 : vector<1000x128xf32>
    %sub3A_90 = arith.subf %max3A_53, %dot_general3A_83 : vector<1000x128xf32>
    %integer_pow3A = arith.mulf %sub3A_90, %sub3A_90 : vector<1000x128xf32>
    %reduce_sum3A_91 = arith.constant dense<0.000000e+00> : vector<1000xf32>
    %reduce_sum3A_92 = vector.multi_reduction <add>, %integer_pow3A, %reduce_sum3A_91 [1] : vector<1000x128xf32> to vector<1000xf32>
    %broadcast_in_dim3A_93 = vector.shape_cast %reduce_sum3A_92 : vector<1000xf32> to vector<1000x1xf32>
    %get3A_94 = arith.constant 0 : index
    %get3A_95 = arith.constant 0 : index
    %get3A_96 = arith.constant 0 : index
    %get3A_97 = vector.load %arg4[%get3A_94, %get3A_95, %get3A_96] : memref<1x1x1000xi32, #tpu.memory_space<vmem>>, vector<1x1x1000xi32>
    %get3A_98 = vector.shape_cast %get3A_97 : vector<1x1x1000xi32> to vector<1x1000xi32>
    %iota3A_99 = tpu.iota {dimensions = array<i32: 0>} : vector<512x1000xi32>
    %eq3A_100 = vector.broadcast %get3A_98 : vector<1x1000xi32> to vector<512x1000xi32>
    %eq3A_101 = arith.cmpi eq, %iota3A_99, %eq3A_100 : vector<512x1000xi32>
    %convert_element_type3A_102 = arith.extui %eq3A_101 : vector<512x1000xi1> to vector<512x1000xi32>
    %convert_element_type3A_103 = arith.sitofp %convert_element_type3A_102 : vector<512x1000xi32> to vector<512x1000xf32>
    %broadcast_in_dim3A_104 = arith.constant 1.000000e+00 : f32
    %broadcast_in_dim3A_105 = vector.broadcast %broadcast_in_dim3A_104 : f32 to vector<1000x1xf32>
    %broadcast_in_dim3A_106 = arith.constant 0.000000e+00 : f32
    %broadcast_in_dim3A_107 = vector.broadcast %broadcast_in_dim3A_106 : f32 to vector<1000x4xf32>
    %sub3A_108 = arith.constant 1.000000e+00 : f32
    %sub3A_109 = vector.broadcast %sub3A_108 : f32 to vector<1000x1xf32>
    %sub3A_110 = arith.subf %sub3A_109, %div3A_45 : vector<1000x1xf32>
    %concatenate3A = tpu.concatenate %div3A_45, %sub3A_110, %broadcast_in_dim3A_105, %broadcast_in_dim3A_93, %broadcast_in_dim3A_107 in 1 : vector<1000x1xf32>, vector<1000x1xf32>, vector<1000x1xf32>, vector<1000x1xf32>, vector<1000x4xf32> -> vector<1000x8xf32>
    %dot_general3A_111 = arith.constant dense<0.000000e+00> : vector<512x128xf32>
    %dot_general3A_112 = tpu.matmul %convert_element_type3A_103, %mul3A_85, %dot_general3A_111 {dimension_numbers = #tpu.dot_dimension_numbers<[1], [0], [0], [1], [0, 0, 1, 1], [], []>, transpose_lhs_hint = false} : vector<512x1000xf32>, vector<1000x128xf32>, vector<512x128xf32> -> vector<512x128xf32>
    %dot_general3A_113 = arith.constant dense<0.000000e+00> : vector<512x128xf32>
    %dot_general3A_114 = tpu.matmul %convert_element_type3A_103, %mul3A_89, %dot_general3A_113 {dimension_numbers = #tpu.dot_dimension_numbers<[1], [0], [0], [1], [0, 0, 1, 1], [], []>, transpose_lhs_hint = false} : vector<512x1000xf32>, vector<1000x128xf32>, vector<512x128xf32> -> vector<512x128xf32>
    %dot_general3A_115 = arith.constant dense<0.000000e+00> : vector<512x8xf32>
    %dot_general3A_116 = tpu.matmul %convert_element_type3A_103, %concatenate3A, %dot_general3A_115 {dimension_numbers = #tpu.dot_dimension_numbers<[1], [0], [0], [1], [0, 0, 1, 1], [], []>, transpose_lhs_hint = false} : vector<512x1000xf32>, vector<1000x8xf32>, vector<512x8xf32> -> vector<512x8xf32>
    %eq3A_117 = arith.constant 0 : i32
    %eq3A_118 = arith.cmpi eq, %arg0, %eq3A_117 : i32
    %convert_element_type3A_119 = arith.extui %eq3A_118 : i1 to i32
    %cond3A = arith.constant 0 : i32
    %cond3A_120 = arith.cmpi ne, %convert_element_type3A_119, %cond3A : i32
    scf.if %cond3A_120 {
      %swap3A = arith.constant 0 : index
      %swap3A_130 = arith.constant 0 : index
      %swap3A_131 = vector.load %arg18[%swap3A, %swap3A_130] : memref<512x128xf32, #tpu.memory_space<vmem>>, vector<512x128xf32>
      tpu.vector_store %arg18[%swap3A, %swap3A_130], %dot_general3A_112 {strides = array<i32>} : memref<512x128xf32, #tpu.memory_space<vmem>>, vector<512x128xf32>,
      %swap3A_132 = arith.constant 0 : index
      %swap3A_133 = arith.constant 0 : index
      %swap3A_134 = vector.load %arg19[%swap3A_132, %swap3A_133] : memref<512x128xf32, #tpu.memory_space<vmem>>, vector<512x128xf32>
      tpu.vector_store %arg19[%swap3A_132, %swap3A_133], %dot_general3A_114 {strides = array<i32>} : memref<512x128xf32, #tpu.memory_space<vmem>>, vector<512x128xf32>,
      %swap3A_135 = arith.constant 0 : index
      %swap3A_136 = arith.constant 0 : index
      %swap3A_137 = vector.load %arg20[%swap3A_135, %swap3A_136] : memref<512x8xf32, #tpu.memory_space<vmem>>, vector<512x8xf32>
      tpu.vector_store %arg20[%swap3A_135, %swap3A_136], %dot_general3A_116 {strides = array<i32>} : memref<512x8xf32, #tpu.memory_space<vmem>>, vector<512x8xf32>,
    } else {
    }
    %gt3A = arith.constant 0 : i32
    %gt3A_121 = arith.cmpi sgt, %arg0, %gt3A : i32
    %convert_element_type3A_122 = arith.extui %gt3A_121 : i1 to i32
    %cond3A_123 = arith.constant 0 : i32
    %cond3A_124 = arith.cmpi ne, %convert_element_type3A_122, %cond3A_123 : i32
    scf.if %cond3A_124 {
      %get3A_130 = arith.constant 0 : index
      %get3A_131 = arith.constant 0 : index
      %get3A_132 = vector.load %arg18[%get3A_130, %get3A_131] : memref<512x128xf32, #tpu.memory_space<vmem>>, vector<512x128xf32>
      %add3A_133 = arith.addf %get3A_132, %dot_general3A_112 : vector<512x128xf32>
      %swap3A = arith.constant 0 : index
      %swap3A_134 = arith.constant 0 : index
      %swap3A_135 = vector.load %arg18[%swap3A, %swap3A_134] : memref<512x128xf32, #tpu.memory_space<vmem>>, vector<512x128xf32>
      tpu.vector_store %arg18[%swap3A, %swap3A_134], %add3A_133 {strides = array<i32>} : memref<512x128xf32, #tpu.memory_space<vmem>>, vector<512x128xf32>,
      %get3A_136 = arith.constant 0 : index
      %get3A_137 = arith.constant 0 : index
      %get3A_138 = vector.load %arg19[%get3A_136, %get3A_137] : memref<512x128xf32, #tpu.memory_space<vmem>>, vector<512x128xf32>
      %add3A_139 = arith.addf %get3A_138, %dot_general3A_114 : vector<512x128xf32>
      %swap3A_140 = arith.constant 0 : index
      %swap3A_141 = arith.constant 0 : index
      %swap3A_142 = vector.load %arg19[%swap3A_140, %swap3A_141] : memref<512x128xf32, #tpu.memory_space<vmem>>, vector<512x128xf32>
      tpu.vector_store %arg19[%swap3A_140, %swap3A_141], %add3A_139 {strides = array<i32>} : memref<512x128xf32, #tpu.memory_space<vmem>>, vector<512x128xf32>,
      %get3A_143 = arith.constant 0 : index
      %get3A_144 = arith.constant 0 : index
      %get3A_145 = vector.load %arg20[%get3A_143, %get3A_144] : memref<512x8xf32, #tpu.memory_space<vmem>>, vector<512x8xf32>
      %add3A_146 = arith.addf %get3A_145, %dot_general3A_116 : vector<512x8xf32>
      %swap3A_147 = arith.constant 0 : index
      %swap3A_148 = arith.constant 0 : index
      %swap3A_149 = vector.load %arg20[%swap3A_147, %swap3A_148] : memref<512x8xf32, #tpu.memory_space<vmem>>, vector<512x8xf32>
      tpu.vector_store %arg20[%swap3A_147, %swap3A_148], %add3A_146 {strides = array<i32>} : memref<512x8xf32, #tpu.memory_space<vmem>>, vector<512x8xf32>,
    } else {
    }
    %eq3A_125 = arith.constant 9 : i32
    %eq3A_126 = arith.cmpi eq, %arg0, %eq3A_125 : i32
    %convert_element_type3A_127 = arith.extui %eq3A_126 : i1 to i32
    %cond3A_128 = arith.constant 0 : i32
    %cond3A_129 = arith.cmpi ne, %convert_element_type3A_127, %cond3A_128 : i32
    scf.if %cond3A_129 {
      %get3A_130 = arith.constant 0 : index
      %get3A_131 = arith.constant 0 : index
      %get3A_132 = vector.load %arg20[%get3A_130, %get3A_131] : memref<512x8xf32, #tpu.memory_space<vmem>>, vector<512x8xf32>
      %slice3A = vector.extract_strided_slice %get3A_132 {offsets = [0, 2], sizes = [512, 1], strides = [1, 1]} : vector<512x8xf32> to vector<512x1xf32>
      %max3A_133 = arith.constant 1.000000e+00 : f32
      %max3A_134 = vector.broadcast %max3A_133 : f32 to vector<512x1xf32>
      %max3A_135 = arith.maximumf %slice3A, %max3A_134 : vector<512x1xf32>
      %get3A_136 = arith.constant 0 : index
      %get3A_137 = arith.constant 0 : index
      %get3A_138 = vector.load %arg18[%get3A_136, %get3A_137] : memref<512x128xf32, #tpu.memory_space<vmem>>, vector<512x128xf32>
      %div3A_139 = vector.broadcast %max3A_135 : vector<512x1xf32> to vector<512x128xf32>
      %div3A_140 = arith.divf %get3A_138, %div3A_139 : vector<512x128xf32>
      %get3A_141 = arith.constant 0 : index
      %get3A_142 = arith.constant 0 : index
      %get3A_143 = vector.load %arg19[%get3A_141, %get3A_142] : memref<512x128xf32, #tpu.memory_space<vmem>>, vector<512x128xf32>
      %div3A_144 = vector.broadcast %max3A_135 : vector<512x1xf32> to vector<512x128xf32>
      %div3A_145 = arith.divf %get3A_143, %div3A_144 : vector<512x128xf32>
      %swap3A = arith.constant 0 : index
      %swap3A_146 = arith.constant 0 : index
      %swap3A_147 = vector.load %arg22[%swap3A, %swap3A_146] : memref<512x128xf32, #tpu.memory_space<vmem>>, vector<512x128xf32>
      tpu.vector_store %arg22[%swap3A, %swap3A_146], %div3A_140 {strides = array<i32>} : memref<512x128xf32, #tpu.memory_space<vmem>>, vector<512x128xf32>,
      %swap3A_148 = arith.constant 0 : index
      %swap3A_149 = arith.constant 0 : index
      %swap3A_150 = vector.load %arg23[%swap3A_148, %swap3A_149] : memref<512x128xf32, #tpu.memory_space<vmem>>, vector<512x128xf32>
      tpu.vector_store %arg23[%swap3A_148, %swap3A_149], %div3A_145 {strides = array<i32>} : memref<512x128xf32, #tpu.memory_space<vmem>>, vector<512x128xf32>,
      %get3A_151 = arith.constant 0 : index
      %get3A_152 = arith.constant 0 : index
      %get3A_153 = vector.load %arg12[%get3A_151, %get3A_152] : memref<128x256xf32, #tpu.memory_space<vmem>>, vector<128x256xf32>
      %dot_general3A_154 = arith.constant dense<0.000000e+00> : vector<512x256xf32>
      %dot_general3A_155 = tpu.matmul %div3A_140, %get3A_153, %dot_general3A_154 {dimension_numbers = #tpu.dot_dimension_numbers<[1], [0], [0], [1], [0, 0, 1, 1], [], []>, transpose_lhs_hint = false} : vector<512x128xf32>, vector<128x256xf32>, vector<512x256xf32> -> vector<512x256xf32>
      %get3A_156 = arith.constant 0 : index
      %get3A_157 = arith.constant 0 : index
      %get3A_158 = vector.load %arg13[%get3A_156, %get3A_157] : memref<1x256xf32, #tpu.memory_space<vmem>>, vector<1x256xf32>
      %add3A_159 = vector.broadcast %get3A_158 : vector<1x256xf32> to vector<512x256xf32>
      %add3A_160 = arith.addf %dot_general3A_155, %add3A_159 : vector<512x256xf32>
      %reduce_sum3A_161 = arith.constant dense<0.000000e+00> : vector<256xf32>
      %reduce_sum3A_162 = vector.multi_reduction <add>, %add3A_160, %reduce_sum3A_161 [0] : vector<512x256xf32> to vector<256xf32>
      %broadcast_in_dim3A_163 = vector.shape_cast %reduce_sum3A_162 : vector<256xf32> to vector<1x256xf32>
      %div3A_164 = arith.constant 5.120000e+02 : f32
      %div3A_165 = vector.broadcast %div3A_164 : f32 to vector<1x256xf32>
      %div3A_166 = arith.divf %broadcast_in_dim3A_163, %div3A_165 : vector<1x256xf32>
      %sub3A_167 = vector.broadcast %div3A_166 : vector<1x256xf32> to vector<512x256xf32>
      %sub3A_168 = arith.subf %add3A_160, %sub3A_167 : vector<512x256xf32>
      %integer_pow3A_169 = arith.mulf %sub3A_168, %sub3A_168 : vector<512x256xf32>
      %reduce_sum3A_170 = arith.constant dense<0.000000e+00> : vector<256xf32>
      %reduce_sum3A_171 = vector.multi_reduction <add>, %integer_pow3A_169, %reduce_sum3A_170 [0] : vector<512x256xf32> to vector<256xf32>
      %broadcast_in_dim3A_172 = vector.shape_cast %reduce_sum3A_171 : vector<256xf32> to vector<1x256xf32>
      %div3A_173 = arith.constant 5.120000e+02 : f32
      %div3A_174 = vector.broadcast %div3A_173 : f32 to vector<1x256xf32>
      %div3A_175 = arith.divf %broadcast_in_dim3A_172, %div3A_174 : vector<1x256xf32>
      %sub3A_176 = vector.broadcast %div3A_166 : vector<1x256xf32> to vector<512x256xf32>
      %sub3A_177 = arith.subf %add3A_160, %sub3A_176 : vector<512x256xf32>
      %add3A_178 = arith.constant 9.99999974E-6 : f32
      %add3A_179 = vector.broadcast %add3A_178 : f32 to vector<1x256xf32>
      %add3A_180 = arith.addf %div3A_175, %add3A_179 : vector<1x256xf32>
      %sqrt3A = math.sqrt %add3A_180 : vector<1x256xf32>
      %div3A_181 = vector.broadcast %sqrt3A : vector<1x256xf32> to vector<512x256xf32>
      %div3A_182 = arith.divf %sub3A_177, %div3A_181 : vector<512x256xf32>
      %get3A_183 = arith.constant 0 : index
      %get3A_184 = arith.constant 0 : index
      %get3A_185 = vector.load %arg16[%get3A_183, %get3A_184] : memref<1x256xf32, #tpu.memory_space<vmem>>, vector<1x256xf32>
      %mul3A_186 = vector.broadcast %get3A_185 : vector<1x256xf32> to vector<512x256xf32>
      %mul3A_187 = arith.mulf %div3A_182, %mul3A_186 : vector<512x256xf32>
      %get3A_188 = arith.constant 0 : index
      %get3A_189 = arith.constant 0 : index
      %get3A_190 = vector.load %arg17[%get3A_188, %get3A_189] : memref<1x256xf32, #tpu.memory_space<vmem>>, vector<1x256xf32>
      %add3A_191 = vector.broadcast %get3A_190 : vector<1x256xf32> to vector<512x256xf32>
      %add3A_192 = arith.addf %mul3A_187, %add3A_191 : vector<512x256xf32>
      %max3A_193 = arith.constant 0.000000e+00 : f32
      %max3A_194 = vector.broadcast %max3A_193 : f32 to vector<512x256xf32>
      %max3A_195 = arith.maximumf %add3A_192, %max3A_194 : vector<512x256xf32>
      %get3A_196 = arith.constant 0 : index
      %get3A_197 = arith.constant 0 : index
      %get3A_198 = vector.load %arg14[%get3A_196, %get3A_197] : memref<256x1xf32, #tpu.memory_space<vmem>>, vector<256x1xf32>
      %dot_general3A_199 = arith.constant dense<0.000000e+00> : vector<512x1xf32>
      %dot_general3A_200 = tpu.matmul %max3A_195, %get3A_198, %dot_general3A_199 {dimension_numbers = #tpu.dot_dimension_numbers<[1], [0], [0], [1], [0, 0, 1, 1], [], []>, transpose_lhs_hint = false} : vector<512x256xf32>, vector<256x1xf32>, vector<512x1xf32> -> vector<512x1xf32>
      %get3A_201 = arith.constant 0 : index
      %get3A_202 = arith.constant 0 : index
      %get3A_203 = vector.load %arg15[%get3A_201, %get3A_202] : memref<1x1xf32, #tpu.memory_space<vmem>>, vector<1x1xf32>
      %add3A_204 = vector.broadcast %get3A_203 : vector<1x1xf32> to vector<512x1xf32>
      %add3A_205 = arith.addf %dot_general3A_200, %add3A_204 : vector<512x1xf32>
      %swap3A_206 = arith.constant 0 : index
      %swap3A_207 = arith.constant 0 : index
      %swap3A_208 = vector.load %arg21[%swap3A_206, %swap3A_207] : memref<512x1xf32, #tpu.memory_space<vmem>>, vector<512x1xf32>
      tpu.vector_store %arg21[%swap3A_206, %swap3A_207], %add3A_205 {strides = array<i32>} : memref<512x1xf32, #tpu.memory_space<vmem>>, vector<512x1xf32>,
      %slice3A_209 = vector.extract_strided_slice %get3A_132 {offsets = [0, 0], sizes = [512, 1], strides = [1, 1]} : vector<512x8xf32> to vector<512x1xf32>
      %add3A_210 = arith.constant 9.99999993E-9 : f32
      %add3A_211 = vector.broadcast %add3A_210 : f32 to vector<512x1xf32>
      %add3A_212 = arith.addf %slice3A_209, %add3A_211 : vector<512x1xf32>
      %slice3A_213 = vector.extract_strided_slice %get3A_132 {offsets = [0, 1], sizes = [512, 1], strides = [1, 1]} : vector<512x8xf32> to vector<512x1xf32>
      %add3A_214 = arith.constant 9.99999993E-9 : f32
      %add3A_215 = vector.broadcast %add3A_214 : f32 to vector<512x1xf32>
      %add3A_216 = arith.addf %slice3A_213, %add3A_215 : vector<512x1xf32>
      %add3A_217 = arith.addf %add3A_212, %add3A_216 : vector<512x1xf32>
      %div3A_218 = arith.divf %add3A_212, %add3A_217 : vector<512x1xf32>
      %sub3A_219 = arith.constant 5.000000e-01 : f32
      %sub3A_220 = vector.broadcast %sub3A_219 : f32 to vector<512x1xf32>
      %sub3A_221 = arith.subf %div3A_218, %sub3A_220 : vector<512x1xf32>
      %abs3A = math.absf %sub3A_221 : vector<512x1xf32>
      %reduce_sum3A_222 = vector.shape_cast %abs3A : vector<512x1xf32> to vector<1x512x1xf32>
      %reduce_sum3A_223 = arith.constant dense<0.000000e+00> : vector<1xf32>
      %reduce_sum3A_224 = vector.multi_reduction <add>, %reduce_sum3A_222, %reduce_sum3A_223 [1, 2] : vector<1x512x1xf32> to vector<1xf32>
      %reduce_sum3A_225 = vector.shape_cast %reduce_sum3A_224 : vector<1xf32> to vector<1x1x1xf32>
      %reduce_sum3A_226 = vector.extract %reduce_sum3A_225[0, 0, 0] : f32 from vector<1x1x1xf32>
      %div3A_227 = arith.constant 5.120000e+02 : f32
      %div3A_228 = arith.divf %reduce_sum3A_226, %div3A_227 : f32
      %slice3A_229 = vector.extract_strided_slice %get3A_132 {offsets = [0, 3], sizes = [512, 1], strides = [1, 1]} : vector<512x8xf32> to vector<512x1xf32>
      %reduce_sum3A_230 = vector.shape_cast %slice3A_229 : vector<512x1xf32> to vector<1x512x1xf32>
      %reduce_sum3A_231 = arith.constant dense<0.000000e+00> : vector<1xf32>
      %reduce_sum3A_232 = vector.multi_reduction <add>, %reduce_sum3A_230, %reduce_sum3A_231 [1, 2] : vector<1x512x1xf32> to vector<1xf32>
      %reduce_sum3A_233 = vector.shape_cast %reduce_sum3A_232 : vector<1xf32> to vector<1x1x1xf32>
      %reduce_sum3A_234 = vector.extract %reduce_sum3A_233[0, 0, 0] : f32 from vector<1x1x1xf32>
      %mul3A_235 = arith.constant 2.500000e-01 : f32
      %mul3A_236 = arith.mulf %mul3A_235, %reduce_sum3A_234 : f32
      %div3A_237 = arith.constant 1.280000e+06 : f32
      %div3A_238 = arith.divf %mul3A_236, %div3A_237 : f32
      %broadcast_in_dim3A_239 = vector.broadcast %div3A_238 : f32 to vector<1x1xf32>
      %broadcast_in_dim3A_240 = vector.broadcast %div3A_228 : f32 to vector<1x1xf32>
      %concatenate3A_241 = tpu.concatenate %broadcast_in_dim3A_239, %broadcast_in_dim3A_240 in 1 : vector<1x1xf32>, vector<1x1xf32> -> vector<1x2xf32>
      %swap3A_242 = arith.constant 0 : index
      %swap3A_243 = arith.constant 0 : index
      %swap3A_244 = vector.load %arg24[%swap3A_242, %swap3A_243] : memref<1x2xf32, #tpu.memory_space<vmem>>, vector<1x2xf32>
      tpu.vector_store %arg24[%swap3A_242, %swap3A_243], %concatenate3A_241 {strides = array<i32>} : memref<1x2xf32, #tpu.memory_space<vmem>>, vector<1x2xf32>,
    } else {
    }
    return
  }
  func.func @transform_0(%arg0: i32) -> (i32, i32) {
    %c0_i32 = arith.constant 0 : i32
    %c0_i32_0 = arith.constant 0 : i32
    return %arg0, %c0_i32 : i32, i32
  }
  func.func @transform_1(%arg0: i32) -> (i32, i32) {
    %c0_i32 = arith.constant 0 : i32
    %c0_i32_0 = arith.constant 0 : i32
    return %arg0, %c0_i32 : i32, i32
  }
  func.func @transform_2(%arg0: i32) -> (i32, i32) {
    %c0_i32 = arith.constant 0 : i32
    %c0_i32_0 = arith.constant 0 : i32
    return %arg0, %c0_i32 : i32, i32
  }
  func.func @transform_3(%arg0: i32) -> (i32, i32, i32) {
    %c0_i32 = arith.constant 0 : i32
    %c0_i32_0 = arith.constant 0 : i32
    %c0_i32_1 = arith.constant 0 : i32
    return %arg0, %c0_i32, %c0_i32_0 : i32, i32, i32
  }
  func.func @transform_4(%arg0: i32) -> (i32, i32) {
    %c0_i32 = arith.constant 0 : i32
    %c0_i32_0 = arith.constant 0 : i32
    %c0_i32_1 = arith.constant 0 : i32
    return %c0_i32, %c0_i32_0 : i32, i32
  }
  func.func @transform_5(%arg0: i32) -> (i32, i32) {
    %c0_i32 = arith.constant 0 : i32
    %c0_i32_0 = arith.constant 0 : i32
    %c0_i32_1 = arith.constant 0 : i32
    return %c0_i32, %c0_i32_0 : i32, i32
  }
  func.func @transform_6(%arg0: i32) -> (i32, i32) {
    %c0_i32 = arith.constant 0 : i32
    %c0_i32_0 = arith.constant 0 : i32
    %c0_i32_1 = arith.constant 0 : i32
    return %c0_i32, %c0_i32_0 : i32, i32
  }
  func.func @transform_7(%arg0: i32) -> (i32, i32) {
    %c0_i32 = arith.constant 0 : i32
    %c0_i32_0 = arith.constant 0 : i32
    %c0_i32_1 = arith.constant 0 : i32
    return %c0_i32, %c0_i32_0 : i32, i32
  }
  func.func @transform_8(%arg0: i32) -> (i32, i32) {
    %c0_i32 = arith.constant 0 : i32
    %c0_i32_0 = arith.constant 0 : i32
    %c0_i32_1 = arith.constant 0 : i32
    return %c0_i32, %c0_i32_0 : i32, i32
  }
  func.func @transform_9(%arg0: i32) -> (i32, i32) {
    %c0_i32 = arith.constant 0 : i32
    %c0_i32_0 = arith.constant 0 : i32
    %c0_i32_1 = arith.constant 0 : i32
    return %c0_i32, %c0_i32_0 : i32, i32
  }
  func.func @transform_10(%arg0: i32) -> (i32, i32) {
    %c0_i32 = arith.constant 0 : i32
    %c0_i32_0 = arith.constant 0 : i32
    %c0_i32_1 = arith.constant 0 : i32
    return %c0_i32, %c0_i32_0 : i32, i32
  }
  func.func @transform_11(%arg0: i32) -> (i32, i32) {
    %c0_i32 = arith.constant 0 : i32
    %c0_i32_0 = arith.constant 0 : i32
    %c0_i32_1 = arith.constant 0 : i32
    return %c0_i32, %c0_i32_0 : i32, i32
  }
  func.func @transform_12(%arg0: i32) -> (i32, i32) {
    %c0_i32 = arith.constant 0 : i32
    %c0_i32_0 = arith.constant 0 : i32
    %c0_i32_1 = arith.constant 0 : i32
    return %c0_i32, %c0_i32_0 : i32, i32
  }
  func.func @transform_13(%arg0: i32) -> (i32, i32) {
    %c0_i32 = arith.constant 0 : i32
    %c0_i32_0 = arith.constant 0 : i32
    %c0_i32_1 = arith.constant 0 : i32
    return %c0_i32, %c0_i32_0 : i32, i32
  }
  func.func @transform_14(%arg0: i32) -> (i32, i32) {
    %c0_i32 = arith.constant 0 : i32
    %c0_i32_0 = arith.constant 0 : i32
    %c0_i32_1 = arith.constant 0 : i32
    return %c0_i32, %c0_i32_0 : i32, i32
  }
  func.func @transform_15(%arg0: i32) -> (i32, i32) {
    %c0_i32 = arith.constant 0 : i32
    %c0_i32_0 = arith.constant 0 : i32
    %c0_i32_1 = arith.constant 0 : i32
    return %c0_i32, %c0_i32_0 : i32, i32
  }
  func.func @transform_16(%arg0: i32) -> (i32, i32) {
    %c0_i32 = arith.constant 0 : i32
    %c0_i32_0 = arith.constant 0 : i32
    %c0_i32_1 = arith.constant 0 : i32
    return %c0_i32, %c0_i32_0 : i32, i32
  }
  func.func @transform_17(%arg0: i32) -> (i32, i32) {
    %c0_i32 = arith.constant 0 : i32
    %c0_i32_0 = arith.constant 0 : i32
    %c0_i32_1 = arith.constant 0 : i32
    return %c0_i32, %c0_i32_0 : i32, i32
  }
  func.func @transform_18(%arg0: i32) -> (i32, i32) {
    %c0_i32 = arith.constant 0 : i32
    %c0_i32_0 = arith.constant 0 : i32
    %c0_i32_1 = arith.constant 0 : i32
    return %c0_i32, %c0_i32_0 : i32, i32
  }
  func.func @transform_19(%arg0: i32) -> (i32, i32) {
    %c0_i32 = arith.constant 0 : i32
    %c0_i32_0 = arith.constant 0 : i32
    %c0_i32_1 = arith.constant 0 : i32
    return %c0_i32, %c0_i32_0 : i32, i32
  }
  func.func @transform_20(%arg0: i32) -> (i32, i32) {
    %c0_i32 = arith.constant 0 : i32
    %c0_i32_0 = arith.constant 0 : i32
    %c0_i32_1 = arith.constant 0 : i32
    return %c0_i32, %c0_i32_0 : i32, i32
  }
  func.func @transform_21(%arg0: i32) -> (i32, i32) {
    %c0_i32 = arith.constant 0 : i32
    %c0_i32_0 = arith.constant 0 : i32
    %c0_i32_1 = arith.constant 0 : i32
    return %c0_i32, %c0_i32_0 : i32, i32
  }
  func.func @transform_22(%arg0: i32) -> (i32, i32) {
    %c0_i32 = arith.constant 0 : i32
    %c0_i32_0 = arith.constant 0 : i32
    %c0_i32_1 = arith.constant 0 : i32
    return %c0_i32, %c0_i32_0 : i32, i32
  }
  func.func @transform_23(%arg0: i32) -> (i32, i32) {
    %c0_i32 = arith.constant 0 : i32
    %c0_i32_0 = arith.constant 0 : i32
    %c0_i32_1 = arith.constant 0 : i32
    return %c0_i32, %c0_i32_0 : i32, i32
  }
}

</mosaic_0001>

<sc_bundles>
// kernel: kernel.4.cloned.1.call-start
scs
__scs_entry_jumppad:
0x0: {  	(pc) =	sbr.rel $0x88, $3  }
0x1: {  	(tag) =	ssettag $0x0;
	lr =	simm.s32 $0x1  }
0x2: {  	[smem:$0x3F91] =	sst lr;
	_ =	strace $0xD0000000  }
0x3: {  	_ = 	snop  }
0x4: {  	_ = 	snop  }
0x5: {  	_ = 	snop  }
0x6: {  	_ = 	snop  }
0x7: {  	_ = 	snop  }
__scs_overlays_trampoline_lowered:
0x8: {  	[smem:$0x3FA0] =	sst s0  }
0x9: {  	[smem:$0x3FA1] =	sst s1  }
0xa: {  	[smem:$0x3FA2] =	sst s2  }
0xb: {  	[smem:$0x3FA3] =	sst s3  }
0xc: {  	[smem:$0x3FA4] =	sst s4  }
0xd: {  	[smem:$0x3FA5] =	sst s5  }
0xe: {  	[smem:$0x3FA6] =	sst s6  }
0xf: {  	[smem:$0x3FA7] =	sst s7  }
0x10: {  	[smem:$0x3FA8] =	sst s8  }
0x11: {  	[smem:$0x3FA9] =	sst s9;
	s0 =	simm.s32 @!p0 $0x0  }
0x12: {  	s1 =	sld [smem:$0x3F8F];
	s0 =	simm.s32 @p0 $0x1  }
0x13: {  	[smem:$0x3FAA] =	sst s0;
	s0 =	simm.s32 @!p1 $0x0  }
0x14: {  	s2 =	sld [smem:$0x3F8E];
	s0 =	simm.s32 @p1 $0x1  }
0x15: {  	[smem:$0x3FAB] =	sst s0;
	s0 =	simm.s32 @!p2 $0x0  }
0x16: {  	s3 =	sld [smem:$0x3FDB];
	s0 =	simm.s32 @p2 $0x1  }
0x17: {  	s4 =	simm.s32 $0x1BF5;
	[smem:$0x3FAD] =	sst s0  }
0x18: {  	s0 =	sld [smem:$0x3F90];
	_ =	swait.ge [sflag:s4], $0x0  }
0x19: {  	s7 =	sld [smem:$0x3F91]  }
0x1a: {  	s8 =	sadd.s32 $0xFFFFE003, lr  }
0x1b: {  	s9 =	sadd.s32 $0xFFFFFEF7, lr;
	s5 =	simm.s32 $0xFFFFFFFF;
	p2 =	slt.u32 s8, $0xFFFFF086  }
0x1c: {  	p1 =	slt.u32 s9, $0xF7A;
	s5 =	simm.s32 @!p2 $0x0  }
0x1d: {  	s5 =	simm.s32 @p1 $0x1;
	p0 =	seq.s32 s7, s2  }
0x1e: {  	s7 =	smul.u32 @!p0 $0xF7A, s2;
	p2 =	seq.s32 @!p0 s5, $0x0  }
0x1f: {  	s9 =	smul.u32 $0xF7A, s1;
	s8 =	simm.s32 @!p0 $0x1BF5;
	p2 =	por !p2, p0  }
0x20: {  	[sflag:s8] =	ssyncset.s32 @!p0 $0xFFFFF086;
	s6 =	sadd.s32 @!p0 s3, s7;
	s7 =	simm.s32 @!p0 $0x108  }
0x21: {  	s3 =	sadd.s32 s3, s9;
	s6 =	sadd.s32 @!p0 $0x88, s6;
	s7 =	simm.s32 @p2 $0x1082  }
0x22: {  	[simem:s7], [sflag:s8] =	dma.local @!p0 [hbm:s6], $0xF7A  }
0x23: {  	s9 =	sor.u32 $0xD0000000, s2;
	s6 =	simm.s32 $0x108;
	_ =	swait.ge @!p0 [sflag:s8], $0x0  }
0x24: {  	s3 =	sadd.s32 $0x88, s3;
	s6 =	simm.s32 @!p1 $0x1082;
	[sflag:s4] =	ssyncset.s32 $0xFFFFF086  }
0x25: {  	[simem:s6], [sflag:s4] =	dma.local [hbm:s3], $0xF7A  }
0x26: {  	[smem:$0x3F91] =	sst s1;
	(tag) =	ssettag s2;
	_ =	strace s9  }
0x27: {  	s1 =	sld [smem:$0x3FA1]  }
0x28: {  	s2 =	sld [smem:$0x3FA2]  }
0x29: {  	s4 =	sld [smem:$0x3FA4]  }
0x2a: {  	p0 =	seq.s32 s5, $0x0;
	s5 =	sld [smem:$0x3FA5]  }
0x2b: {  	s6 =	sld [smem:$0x3FA6]  }
0x2c: {  	s7 =	sld [smem:$0x3FA7]  }
0x2d: {  	s3 =	simm.s32 $0x108;
	s8 =	sld [smem:$0x3FA8]  }
0x2e: {  	s3 =	simm.s32 @!p0 $0x1082;
	s9 =	sld [smem:$0x3FA9]  }
0x2f: {  	lr =	sadd.s32 s0, s3;
	s0 =	sld [smem:$0x3FA0]  }
0x30: {  	s3 =	sld [smem:$0x3FA3]  }
0x31: {  	[smem:$0x3FAC] =	sst s10  }
0x32: {  	s10 =	sld [smem:$0x3FAA];
	_ =	sdelay $0x3  }
0x33: {  	p0 =	seq.s32 s10, $0x1;
	s10 =	sld [smem:$0x3FAC];
	_ =	sdelay $0x3  }
0x34: {  	[smem:$0x3FAC] =	sst s10  }
0x35: {  	s10 =	sld [smem:$0x3FAB];
	_ =	sdelay $0x3  }
0x36: {  	p1 =	seq.s32 s10, $0x1;
	s10 =	sld [smem:$0x3FAC];
	_ =	sdelay $0x3  }
0x37: {  	[smem:$0x3FAC] =	sst s10  }
0x38: {  	s10 =	sld [smem:$0x3FAD]  }
0x39: {  	_ = 	snop;
	(pc) =	sbr.ind lr, $3  }
0x3a: {  	_ = 	snop  }
0x3b: {  	_ = 	snop  }
0x3c: {  	p2 =	seq.s32 s10, $0x1;
	s10 =	sld [smem:$0x3FAC]  }
0x3d: {  	_ =	shalt  }
0x3e: {  	_ =	shalt  }
0x3f: {  	_ =	shalt  }
0x40: {  	_ =	shalt  }
0x41: {  	_ =	shalt  }
0x42: {  	_ =	shalt  }
0x43: {  	_ =	shalt  }
0x44: {  	_ =	shalt  }
0x45: {  	_ =	shalt  }
0x46: {  	_ =	shalt  }
0x47: {  	_ =	shalt  }
0x48: {  	_ =	shalt  }
0x49: {  	_ =	shalt  }
0x4a: {  	_ =	shalt  }
0x4b: {  	_ =	shalt  }
0x4c: {  	_ =	shalt  }
0x4d: {  	_ =	shalt  }
0x4e: {  	_ =	shalt  }
0x4f: {  	_ =	shalt  }
0x50: {  	_ =	shalt  }
0x51: {  	_ =	shalt  }
0x52: {  	_ =	shalt  }
0x53: {  	_ =	shalt  }
0x54: {  	_ =	shalt  }
0x55: {  	_ =	shalt  }
0x56: {  	_ =	shalt  }
0x57: {  	_ =	shalt  }
0x58: {  	_ =	shalt  }
0x59: {  	_ =	shalt  }
0x5a: {  	_ =	shalt  }
0x5b: {  	_ =	shalt  }
0x5c: {  	_ =	shalt  }
0x5d: {  	_ =	shalt  }
0x5e: {  	_ =	shalt  }
0x5f: {  	_ =	shalt  }
0x60: {  	_ =	shalt  }
0x61: {  	_ =	shalt  }
0x62: {  	_ =	shalt  }
0x63: {  	_ =	shalt  }
0x64: {  	_ =	shalt  }
0x65: {  	_ =	shalt  }
0x66: {  	_ =	shalt  }
0x67: {  	_ =	shalt  }
0x68: {  	_ =	shalt  }
0x69: {  	_ =	shalt  }
0x6a: {  	_ =	shalt  }
0x6b: {  	_ =	shalt  }
0x6c: {  	_ =	shalt  }
0x6d: {  	_ =	shalt  }
0x6e: {  	_ =	shalt  }
0x6f: {  	_ =	shalt  }
0x70: {  	_ =	shalt  }
0x71: {  	_ =	shalt  }
0x72: {  	_ =	shalt  }
0x73: {  	_ =	shalt  }
0x74: {  	_ =	shalt  }
0x75: {  	_ =	shalt  }
0x76: {  	_ =	shalt  }
0x77: {  	_ =	shalt  }
0x78: {  	_ =	shalt  }
0x79: {  	_ =	shalt  }
0x7a: {  	_ =	shalt  }
0x7b: {  	_ =	shalt  }
0x7c: {  	_ =	shalt  }
0x7d: {  	_ =	shalt  }
0x7e: {  	_ =	shalt  }
0x7f: {  	_ =	shalt  }
0x80: {  	_ =	shalt  }
0x81: {  	_ =	shalt  }
0x82: {  	_ =	shalt  }
0x83: {  	_ =	shalt  }
0x84: {  	_ =	shalt  }
0x85: {  	_ =	shalt  }
0x86: {  	_ =	shalt  }
0x87: {  	_ =	shalt  }
.Lfunc_end0:
.L_simem_size_0:
called_computation_lowered:
.L_overlay_start_0:
0x88: {  	s2 =	sld [smem:$0x3FD9]  }
0x89: {  	s3 =	sld [smem:$0x3FFE];
	_ =	sdelay $0x1  }
0x8a: {  	s1 =	srdreg.scid  }
0x8b: {  	s0 =	sand.u32 $0x1, s1  }
0x8c: {  	s17 =	sshll.u32 s0, $0xA;
	s2 =	sadd.s32 s3, s2  }
0x8d: {  	s2 =	sadd.s32 s2, s17  }
0x8e: {  	[smem:$0x3FB8] =	sst s2  }
0x8f: {  	_ = 	snop  }
0x90: {  	s2 =	sld [smem:$0x3FC9];
	(tm) =	ssettm $0x1  }
0x91: {  	s18 =	sld [smem:$0x3FFB];
	_ =	sdelay $0x3  }
0x92: {  	_ =	strace s18  }
0x93: {  	s3 =	sld [smem:$0x3FFC];
	_ =	sdelay $0x3  }
0x94: {  	_ =	strace s3  }
0x95: {  	s3 =	sld [smem:$0x3FFD];
	_ =	sdelay $0x3  }
0x96: {  	_ =	strace s3  }
0x97: {  	_ =	strace $0x8FFFFFFF  }
0x98: {  	s19 =	sld [smem:$0x3FDB];
	_ =	sdelay $0x1  }
0x99: {  	s4 =	simm.s32 $_scs_section_size  }
0x9a: {  	s5 =	simm.s32 $_size__tile_overlayer_lowered;
	s6 =	simm.s32 $_tile_overlayer_lowered  }
0x9b: {  	s22 =	simm.s32 $0x1BFF;
	s21 =	sshll.u32 s6, $0x1;
	s3 =	sadd.s32 s4, s19  }
0x9c: {  	s7 =	simm.s32 $0x0;
	s20 =	sshll.u32 s5, $0x1;
	s5 =	sadd.s32 s21, s3  }
0x9d: {  	[timem:s7], [sflag:s22] =	dma.local [hbm:s5], s20  }
0x9e: {  	_ =	swait.ge [sflag:s22], s20  }
0x9f: {  	s4 =	ssub.s32 $0x0, s20;
	[sflag:s22] =	ssyncset.done $0x0  }
0xa0: {  	[sflag:s22] =	ssyncadd.s32 s4;
	_ =	sdelay $0x1  }
0xa1: {  	s23 =	simm.s32 $0x1B8B  }
0xa2: {  	_ =	swait.ge [sflag:s23], $0x1  }
0xa3: {  	[sflag:s23] =	ssyncset.done $0x0  }
0xa4: {  	s25 =	simm.s32 $0x1B8E;
	s24 =	sld [smem:$0x3FFE];
	[sflag:s23] =	ssyncadd.s32 $0xFFFFFFFF  }
0xa5: {  	s26 =	simm.s32 $execute0_lowered;
	[smem:$0x3FD2] =	sst s25  }
0xa6: {  	s5 =	sshll.u32 s26, $0x1;
	_ =	strace $0x80000046;
	[dreg:$0x1] =	wrdreg $0xFFFFFFFF  }
0xa7: {  	s28 =	simm.s32 $_size_execute0_lowered;
	s3 =	sadd.s32 s3, s5;
	[dreg:$0x0] =	wrdreg $0x0  }
0xa8: {  	s5 =	sshll.u32 s28, $0x1;
	[dreg:$0x2] =	wrdreg s3  }
0xa9: {  	[dreg:$0x3] =	wrdreg s5  }
0xaa: {  	[dreg:$0x4] =	wrdreg $0xC0  }
0xab: {  	_ =	task [dreg:s7], $0x5FFFF  }
0xac: {  	[dreg:$0x1] =	wrdreg $0xFFFFFFFF  }
0xad: {  	[dreg:$0x0] =	wrdreg $0x60  }
0xae: {  	[dreg:$0x2] =	wrdreg s2  }
0xaf: {  	[dreg:$0x3] =	wrdreg s24  }
0xb0: {  	[dreg:$0x4] =	wrdreg $0x74000  }
0xb1: {  	[dreg:$0x5] =	wrdreg $0x9  }
0xb2: {  	_ =	task.clear_ibuf [dreg:s7], $0x6FFFF;
	_ =	strace $0x90000046  }
0xb3: {  	s29 =	simm.s32 $0x9;
	_ =	strace $0x80000048  }
0xb4: {  	_ =	swait.ge [sflag:s29], $0x1  }
0xb5: {  	[sflag:s29] =	ssyncadd.s32 $0xFFFFFFFF  }
0xb6: {  	_ =	strace $0x90000048  }
0xb7: {  	_ =	sfence  }
0xb8: {  	s30 =	sld [smem:$0x0];
	_ =	sdelay $0x2  }
0xb9: {  	s31 =	sshll.u32 s1, $0xD;
	s1 =	sshrl.u32 s1, $0x2  }
0xba: {  	s3 =	sand.u32 $0x4000, s31;
	s1 =	sadd.s32 s1, s30  }
0xbb: {  	s0 =	sor.u32 s3, s0;
	s1 =	sshll.u32 s1, $0x11  }
0xbc: {  	s0 =	sor.u32 s1, s0  }
0xbd: {  	s0 =	sadd.s32 $0x8F2B, s0  }
0xbe: {  	[sflag:s0] =	ssyncadd.remote.s32 $0x1  }
0xbf: {  	_ =	sfence.sel $0xFFFF  }
0xc0: {  	[dreg:$0x0] =	wrdreg $0xFFFFFFFF;
	(pc) =	sbr.abs _section_cstart, $3  }
0xc1: {  	[dreg:$0x1] =	wrdreg $0xFFFFFFFF  }
0xc2: {  	_ =	task.clear_ibuf [dreg:s7], $0x2FFFF;
	_ =	strace $0x9FFFFFFF  }
0xc3: {  	(tm) =	ssettm $0x7FFFFFFF  }
tec
execute0_lowered:
.L_overlay_start_1:
0x0: {  	(tag) =	ssettag $0x1  }
0x1: {  	s0 =	rddreg [dreg:$0x1]  }
0x2: {  	s2 =	rddreg [dreg:$0x2];
	s10 =	stileid.u32  }
0x3: {  	s1 =	srdreg.scid;
	s3 =	simm.s32 $0x0;
	s5 =	smul.u32 $0x14000, s10  }
0x4: {  	s6 =	sand.u32 $0x1, s1;
	[smem:$0x7FF] =	sst s3;
	s8 =	smul.u32 $0x50000, s10  }
0x5: {  	s3 =	sadd.s32 $0xC200, s0;
	s4 =	sadd.s32 $0x2400, s0;
	s25 =	smul.u32 $0x2710, s10  }
0x6: {  	s22 =	sshll.u32 s10, $0x6;
	s1 =	smul.u32 $0x140000, s6;
	_ =	strace $0x80000047  }
0x7: {  	s18 =	ssub.s32 $0x2, s6;
	s9 =	sshll.u32 s6, $0x4;
	s15 =	sor.u32 $0x1C15, s22  }
0x8: {  	s6 =	smul.u32 $0x27100, s6;
	s7 =	sshrl.u32 s5, $0x3;
	s19 =	sshrl.u32 s18, $0x1  }
0x9: {  	s9 =	sor.u32 s10, s9;
	s20 =	sshrl.u32 s8, $0x2;
	[dreg:$0x1b] =	wrdreg s15  }
0xa: {  	s1 =	sadd.s32 s5, s1;
	s17 =	sadd.s32 s7, s0;
	s21 =	smul.u32 $0x2710, s9  }
0xb: {  	s7 =	sadd.s32 s20, s2;
	s6 =	sadd.s32 s25, s6;
	s1 =	sshrl.u32 s1, $0x3  }
0xc: {  	[dreg:$0x19] =	wrdreg s7;
	s5 =	sadd.s32 $0x16000, s17;
	s10 =	sadd.s32 $0x208, s6  }
0xd: {  	s17 =	sadd.s32 $0x1B8, s6;
	s0 =	sadd.s32 s1, s0;
	s24 =	sshrl.u32 s21, $0x3  }
0xe: {  	s1 =	ssub.s32 s18, s19;
	[dreg:$0x1a] =	wrdreg s5;
	s26 =	sadd.s32 s3, s24  }
0xf: {  	s11 =	sshrl.u32 s10, $0x3;
	s28 =	sadd.s32 s4, s24;
	[dreg:$0x1c] =	wrdreg s26  }
0x10: {  	s19 =	sshrl.u32 s17, $0x3;
	s13 =	sadd.s32 s11, s4;
	[dreg:$0x1d] =	wrdreg s28  }
0x11: {  	s20 =	sadd.s32 s19, s4;
	[dreg:$0x4] =	wrdreg s13  }
0x12: {  	s23 =	sadd.s32 $0x28, s21;
	s22 =	sadd.s32 s19, s3;
	[dreg:$0x8] =	wrdreg s20  }
0x13: {  	s9 =	sadd.s32 $0x78, s21;
	s0 =	sadd.s32 $0x3E000, s0;
	[dreg:$0x9] =	wrdreg s22  }
0x14: {  	s5 =	sshrl.u32 s23, $0x3;
	s1 =	smax.u32 s1, $0x1;
	[smem:$0x7FB] =	sst s0  }
0x15: {  	s21 =	sadd.s32 $0x168, s6;
	s30 =	sadd.s32 s3, s5;
	[smem:$0x7FC] =	sst s1  }
0x16: {  	s2 =	sadd.s32 $0xA, s24;
	s5 =	sadd.s32 s4, s5;
	[dreg:$0x1e] =	wrdreg s30  }
0x17: {  	s23 =	sshrl.u32 s21, $0x3;
	s7 =	sadd.s32 s3, s2;
	[dreg:$0x1f] =	wrdreg s5  }
0x18: {  	s17 =	sadd.s32 $0xC8, s6;
	s24 =	sadd.s32 s23, s4;
	[smem:$0x7F7] =	sst s7  }
0x19: {  	s19 =	sshrl.u32 s17, $0x3;
	s26 =	sadd.s32 s23, s3;
	[dreg:$0xa] =	wrdreg s24  }
0x1a: {  	s20 =	sadd.s32 s19, s4;
	[dreg:$0xb] =	wrdreg s26  }
0x1b: {  	s22 =	sadd.s32 s19, s3;
	[dreg:$0x12] =	wrdreg s20  }
0x1c: {  	s25 =	sadd.s32 $0x140, s6;
	s5 =	sadd.s32 s4, s2;
	[dreg:$0x13] =	wrdreg s22  }
0x1d: {  	s28 =	sshrl.u32 s25, $0x3;
	s7 =	sadd.s32 s11, s3;
	[smem:$0x7F8] =	sst s5  }
0x1e: {  	s21 =	sadd.s32 $0xA0, s6;
	s30 =	sadd.s32 s28, s4;
	[dreg:$0x5] =	wrdreg s7  }
0x1f: {  	s23 =	sshrl.u32 s21, $0x3;
	s8 =	sadd.s32 s28, s3;
	[dreg:$0xc] =	wrdreg s30  }
0x20: {  	s25 =	sadd.s32 s23, s4;
	[dreg:$0xd] =	wrdreg s8  }
0x21: {  	s31 =	simm.s32 $0x28;
	s28 =	sadd.s32 $0x190, s6;
	[dreg:$0x14] =	wrdreg s25  }
0x22: {  	s2 =	sadd.s32 $0x118, s6;
	s26 =	sadd.s32 s23, s3;
	[smem:$0x7FD] =	sst s28  }
0x23: {  	s5 =	sshrl.u32 s9, $0x3;
	[dreg:$0x15] =	wrdreg s26;
	s30 =	simm.s32 $0xC00  }
0x24: {  	s10 =	sshrl.u32 s2, $0x3;
	s12 =	sadd.s32 s3, s5;
	[dreg:$0x16] =	wrdreg s30  }
0x25: {  	s29 =	smov.u32 s4;
	s11 =	sadd.s32 s10, s4;
	[smem:$0x7F9] =	sst s12  }
0x26: {  	s9 =	sadd.s32 $0x1E0, s6;
	s13 =	sadd.s32 s10, s3;
	[dreg:$0xe] =	wrdreg s11  }
0x27: {  	s14 =	sshrl.u32 s9, $0x3;
	s5 =	sadd.s32 s4, s5;
	[dreg:$0xf] =	wrdreg s13  }
0x28: {  	s16 =	sadd.s32 s14, s4;
	s12 =	sadd.s32 $0xF0, s6;
	[smem:$0x7FA] =	sst s5  }
0x29: {  	s18 =	sadd.s32 s14, s3;
	[dreg:$0x6] =	wrdreg s16;
	s14 =	sshrl.u32 s12, $0x3  }
0x2a: {  	s1 =	simm.s32 $0x15;
	[dreg:$0x7] =	wrdreg s18;
	s16 =	sadd.s32 s14, s4  }
0x2b: {  	s21 =	simm.s32 $0xC80;
	s18 =	sadd.s32 s14, s3;
	[dreg:$0x10] =	wrdreg s16  }
0x2c: {  	s24 =	smov.u32 s3;
	s2 =	simm.s32 $0x0;
	[dreg:$0x11] =	wrdreg s18  }
.LBB2_1:
0x2d: {  	[smem:$0x7F5] =	sst s2  }
0x2e: {  	s0 =	rddreg [dreg:$0x19]  }
0x2f: {  	s20 =	rddreg [dreg:$0x1a];
	s19 =	sshrl.u32 s0, $0x3  }
0x30: {  	[smem:$0x7F6] =	sst s19  }
0x31: {  	[spmem:s19], [sflag:s15] =	dma.local [hbm:s20], $0x2800  }
0x32: {  	_ =	swait.ge [sflag:s1], $0x2800  }
0x33: {  	[sflag:s1] =	ssyncset.done $0x0  }
0x34: {  	[sflag:s1] =	ssyncadd.s32 $0xFFFFD800  }
0x35: {  	[bflag:$0x0] =	sbarrier.arrive $0xFFFF  }
0x36: {  	s22 =	rddreg [dreg:$0x1c]  }
0x37: {  	s12 =	simm.s32 $0x0;
	s23 =	rddreg [dreg:$0x1d]  }
0x38: {  	[tilespmem:s12], [sflag:$0x1] =	stream.linear.gather [hbm4b:s22+s12], $0x28, $0x38;
	[tilespmem:$0x1B400] =	vst v63  }
0x39: {  	s6 =	simm.s32 $0x800;
	s25 =	rddreg [dreg:$0x1e]  }
0x3a: {  	[tilespmem:s6], [sflag:$0x1] =	stream.linear.gather [hbm4b:s23+s12], $0x28, $0x38;
	[tilespmem:$0x1B400] =	vst v63  }
0x3b: {  	s26 =	simm.s32 $0x80;
	s28 =	rddreg [dreg:$0x1f]  }
0x3c: {  	[tilespmem:s26], [sflag:$0x2] =	stream.linear.gather [hbm4b:s25+s12], $0x28, $0x38;
	[tilespmem:$0x1B400] =	vst v63  }
0x3d: {  	s7 =	simm.s32 $0x880;
	s2 =	sld [smem:$0x7F7]  }
0x3e: {  	[tilespmem:s7], [sflag:$0x2] =	stream.linear.gather [hbm4b:s28+s12], $0x28, $0x38;
	[tilespmem:$0x1B400] =	vst v63  }
0x3f: {  	s8 =	simm.s32 $0x100;
	s3 =	sld [smem:$0x7F8]  }
0x40: {  	[tilespmem:s8], [sflag:$0x3] =	stream.linear.gather [hbm4b:s2+s12], $0x28, $0x38;
	[tilespmem:$0x1B400] =	vst v63  }
0x41: {  	s10 =	simm.s32 $0x900;
	s4 =	sld [smem:$0x7F9]  }
0x42: {  	[tilespmem:s10], [sflag:$0x3] =	stream.linear.gather [hbm4b:s3+s12], $0x28, $0x38;
	[tilespmem:$0x1B400] =	vst v63  }
0x43: {  	s5 =	simm.s32 $0x180;
	s11 =	sld [smem:$0x7FA]  }
0x44: {  	[tilespmem:s5], [sflag:$0x4] =	stream.linear.gather [hbm4b:s4+s12], $0x28, $0x38;
	[tilespmem:$0x1B400] =	vst v63  }
0x45: {  	s13 =	simm.s32 $0x1;
	s20 =	simm.s32 $0x980  }
0x46: {  	[tilespmem:s20], [sflag:$0x4] =	stream.linear.gather [hbm4b:s11+s12], $0x28, $0x38;
	[tilespmem:$0x1B400] =	vst v63  }
0x47: {  	_ =	swait.ge [sflag:s13], $0x28  }
0x48: {  	[sflag:s13] =	ssyncset.done $0x0  }
0x49: {  	[sflag:s13] =	ssyncadd.s32 $0xFFFFFFD8  }
0x4a: {  	_ =	swait.ge [sflag:s13], $0x28  }
0x4b: {  	[sflag:s13] =	ssyncset.done $0x0  }
0x4c: {  	[sflag:s13] =	ssyncadd.s32 $0xFFFFFFD8  }
0x4d: {  	s14 =	simm.s32 $0x2;
	s22 =	simm.s32 $0x1000;
	s3 =	rddreg [dreg:$0x0]  }
0x4e: {  	[tilespmem:s22], [sflag:$0xB] =	stream.indirect.gather [hbm4b:s3+s31], $0x80, s12, s31, $0xb8;
	[tilespmem:$0x1B400] =	vst v63  }
0x4f: {  	_ =	swait.ge [sflag:s14], $0x28  }
0x50: {  	[sflag:s14] =	ssyncset.done $0x0  }
0x51: {  	[sflag:s14] =	ssyncadd.s32 $0xFFFFFFD8  }
0x52: {  	_ =	swait.ge [sflag:s14], $0x28  }
0x53: {  	p0 =	por $0x1, $0x1;
	[sflag:s14] =	ssyncset.done $0x0  }
0x54: {  	s23 =	simm.s32 $0x2400;
	s16 =	rddreg [dreg:$0x15];
	[sflag:s14] =	ssyncadd.s32 $0xFFFFFFD8  }
0x55: {  	[tilespmem:s23], [sflag:$0xC] =	stream.indirect.gather [hbm4b:s3+s31], $0x80, s26, s31, $0xb8;
	[tilespmem:$0x1B400] =	vst v63  }
0x56: {  	s11 =	simm.s32 $0x200;
	s17 =	rddreg [dreg:$0x14];
	s0 =	sadd.s32 $0x0, s16  }
0x57: {  	[tilespmem:s11], [sflag:$0x5] =	stream.linear.gather [hbm4b:s0+s12], $0x28, $0x38;
	[tilespmem:$0x1B400] =	vst v63  }
0x58: {  	s13 =	simm.s32 $0xA00;
	s18 =	sadd.s32 $0x0, s17;
	s0 =	simm.s32 @!p0 $0x12  }
0x59: {  	[tilespmem:s13], [sflag:$0x5] =	stream.linear.gather [hbm4b:s18+s12], $0x28, $0x38;
	[tilespmem:$0x1B400] =	vst v63  }
0x5a: {  	_ =	swait.ge @!p0 [sflag:s0], $0x1400  }
0x5b: {  	[sflag:s0] =	ssyncset.done @!p0 $0x0  }
0x5c: {  	s19 =	simm.s32 $0x3;
	[sflag:s0] =	ssyncadd.s32 @!p0 $0xFFFFEC00  }
0x5d: {  	_ =	swait.ge [sflag:s19], $0x28  }
0x5e: {  	[sflag:s19] =	ssyncset.done $0x0  }
0x5f: {  	[sflag:s19] =	ssyncadd.s32 $0xFFFFFFD8  }
0x60: {  	_ =	swait.ge [sflag:s19], $0x28  }
0x61: {  	[sflag:s19] =	ssyncset.done $0x0  }
0x62: {  	s16 =	simm.s32 $0x3800;
	[sflag:s19] =	ssyncadd.s32 $0xFFFFFFD8  }
0x63: {  	[tilespmem:s16], [sflag:$0xD] =	stream.indirect.gather [hbm4b:s3+s31], $0x80, s8, s31, $0xb8;
	[tilespmem:$0x1B400] =	vst v63  }
0x64: {  	s8 =	simm.s32 $0xB  }
0x65: {  	_ =	swait.ge [sflag:s8], $0x1400  }
0x66: {  	[sflag:s8] =	ssyncset.done $0x0  }
0x67: {  	s25 =	rddreg [dreg:$0x13];
	[sflag:s8] =	ssyncadd.s32 $0xFFFFEC00  }
0x68: {  	s4 =	rddreg [dreg:$0x2]  }
0x69: {  	[spmem:s4] =	stream.indirect.scatter.add.f32 [tilespmem:s22], [sflag:$0x10], $0x80, s6, s31, $0xb8;
	[tilespmem:$0x1B400] =	vst v63  }
0x6a: {  	s26 =	rddreg [dreg:$0x12];
	s0 =	sadd.s32 $0x0, s25;
	s6 =	simm.s32 $0x280  }
0x6b: {  	[tilespmem:s6], [sflag:$0x6] =	stream.linear.gather [hbm4b:s0+s12], $0x28, $0x38;
	[tilespmem:$0x1B400] =	vst v63  }
0x6c: {  	s9 =	simm.s32 $0xA80;
	s1 =	simm.s32 @!p0 $0x13;
	s28 =	sadd.s32 $0x0, s26  }
0x6d: {  	[tilespmem:s9], [sflag:$0x6] =	stream.linear.gather [hbm4b:s28+s12], $0x28, $0x38;
	[tilespmem:$0x1B400] =	vst v63  }
0x6e: {  	_ =	swait.ge @!p0 [sflag:s1], $0x1400  }
0x6f: {  	[sflag:s1] =	ssyncset.done @!p0 $0x0  }
0x70: {  	s2 =	simm.s32 $0x4;
	[sflag:s1] =	ssyncadd.s32 @!p0 $0xFFFFEC00  }
0x71: {  	_ =	swait.ge [sflag:s2], $0x28  }
0x72: {  	[sflag:s2] =	ssyncset.done $0x0  }
0x73: {  	[sflag:s2] =	ssyncadd.s32 $0xFFFFFFD8  }
0x74: {  	_ =	swait.ge [sflag:s2], $0x28  }
0x75: {  	[sflag:s2] =	ssyncset.done $0x0  }
0x76: {  	s15 =	simm.s32 $0xC;
	s17 =	simm.s32 $0x4C00;
	[sflag:s2] =	ssyncadd.s32 $0xFFFFFFD8  }
0x77: {  	[tilespmem:s17], [sflag:$0xE] =	stream.indirect.gather [hbm4b:s3+s31], $0x80, s5, s31, $0xb8;
	[tilespmem:$0x1B400] =	vst v63  }
0x78: {  	_ =	swait.ge [sflag:s15], $0x1400  }
0x79: {  	[sflag:s15] =	ssyncset.done $0x0  }
0x7a: {  	s5 =	rddreg [dreg:$0x11];
	[sflag:s15] =	ssyncadd.s32 $0xFFFFEC00  }
0x7b: {  	[spmem:s4] =	stream.indirect.scatter.add.f32 [tilespmem:s23], [sflag:$0x11], $0x80, s7, s31, $0xb8;
	[tilespmem:$0x1B400] =	vst v63  }
0x7c: {  	s14 =	rddreg [dreg:$0x10];
	s0 =	sadd.s32 $0x0, s5;
	s5 =	simm.s32 $0x300  }
0x7d: {  	[tilespmem:s5], [sflag:$0x7] =	stream.linear.gather [hbm4b:s0+s12], $0x28, $0x38;
	[tilespmem:$0x1B400] =	vst v63  }
0x7e: {  	s1 =	simm.s32 @!p0 $0x14;
	s18 =	sadd.s32 $0x0, s14;
	s7 =	simm.s32 $0xB00  }
0x7f: {  	[tilespmem:s7], [sflag:$0x7] =	stream.linear.gather [hbm4b:s18+s12], $0x28, $0x38;
	[tilespmem:$0x1B400] =	vst v63  }
0x80: {  	_ =	swait.ge @!p0 [sflag:s1], $0x1400  }
0x81: {  	[sflag:s1] =	ssyncset.done @!p0 $0x0  }
0x82: {  	s19 =	simm.s32 $0x5;
	[sflag:s1] =	ssyncadd.s32 @!p0 $0xFFFFEC00  }
0x83: {  	_ =	swait.ge [sflag:s19], $0x28  }
0x84: {  	[sflag:s19] =	ssyncset.done $0x0  }
0x85: {  	[sflag:s19] =	ssyncadd.s32 $0xFFFFFFD8  }
0x86: {  	_ =	swait.ge [sflag:s19], $0x28  }
0x87: {  	[sflag:s19] =	ssyncset.done $0x0  }
0x88: {  	s14 =	simm.s32 $0x6000;
	[sflag:s19] =	ssyncadd.s32 $0xFFFFFFD8  }
0x89: {  	[tilespmem:s14], [sflag:$0xF] =	stream.indirect.gather [hbm4b:s3+s31], $0x80, s11, s31, $0xb8;
	[tilespmem:$0x1B400] =	vst v63  }
0x8a: {  	s11 =	simm.s32 $0xD  }
0x8b: {  	_ =	swait.ge [sflag:s11], $0x1400  }
0x8c: {  	[sflag:s11] =	ssyncset.done $0x0  }
0x8d: {  	s25 =	rddreg [dreg:$0xf];
	[sflag:s11] =	ssyncadd.s32 $0xFFFFEC00  }
0x8e: {  	[spmem:s4] =	stream.indirect.scatter.add.f32 [tilespmem:s16], [sflag:$0x12], $0x80, s10, s31, $0xb8;
	[tilespmem:$0x1B400] =	vst v63  }
0x8f: {  	s26 =	rddreg [dreg:$0xe];
	s0 =	sadd.s32 $0x0, s25;
	s10 =	simm.s32 $0x380  }
0x90: {  	[tilespmem:s10], [sflag:$0x8] =	stream.linear.gather [hbm4b:s0+s12], $0x28, $0x38;
	[tilespmem:$0x1B400] =	vst v63  }
0x91: {  	s2 =	simm.s32 $0xB80;
	s1 =	simm.s32 $0x10;
	s28 =	sadd.s32 $0x0, s26  }
0x92: {  	[tilespmem:s2], [sflag:$0x8] =	stream.linear.gather [hbm4b:s28+s12], $0x28, $0x38;
	[tilespmem:$0x1B400] =	vst v63  }
0x93: {  	_ =	swait.ge [sflag:s1], $0x1400  }
0x94: {  	[sflag:s1] =	ssyncset.done $0x0  }
0x95: {  	s18 =	simm.s32 $0x6;
	[sflag:s1] =	ssyncadd.s32 $0xFFFFEC00  }
0x96: {  	_ =	swait.ge [sflag:s18], $0x28  }
0x97: {  	[sflag:s18] =	ssyncset.done $0x0  }
0x98: {  	[sflag:s18] =	ssyncadd.s32 $0xFFFFFFD8  }
0x99: {  	_ =	swait.ge [sflag:s18], $0x28  }
0x9a: {  	[sflag:s18] =	ssyncset.done $0x0  }
0x9b: {  	s19 =	simm.s32 $0xE;
	[sflag:s18] =	ssyncadd.s32 $0xFFFFFFD8  }
0x9c: {  	[tilespmem:s22], [sflag:$0xB] =	stream.indirect.gather [hbm4b:s3+s31], $0x80, s6, s31, $0xb8;
	[tilespmem:$0x1B400] =	vst v63  }
0x9d: {  	_ =	swait.ge [sflag:s19], $0x1400  }
0x9e: {  	[sflag:s19] =	ssyncset.done $0x0  }
0x9f: {  	s25 =	rddreg [dreg:$0xd];
	[sflag:s19] =	ssyncadd.s32 $0xFFFFEC00  }
0xa0: {  	[spmem:s4] =	stream.indirect.scatter.add.f32 [tilespmem:s17], [sflag:$0x13], $0x80, s20, s31, $0xb8;
	[tilespmem:$0x1B400] =	vst v63  }
0xa1: {  	s18 =	simm.s32 $0x400;
	s26 =	rddreg [dreg:$0xc];
	s0 =	sadd.s32 $0x0, s25  }
0xa2: {  	[tilespmem:s18], [sflag:$0x9] =	stream.linear.gather [hbm4b:s0+s12], $0x28, $0x38;
	[tilespmem:$0x1B400] =	vst v63  }
0xa3: {  	s28 =	rddreg [dreg:$0x16];
	s19 =	sadd.s32 $0x0, s26;
	s20 =	simm.s32 $0x11  }
0xa4: {  	[tilespmem:s28], [sflag:$0x9] =	stream.linear.gather [hbm4b:s19+s12], $0x28, $0x38;
	[tilespmem:$0x1B400] =	vst v63  }
0xa5: {  	_ =	swait.ge [sflag:s20], $0x1400  }
0xa6: {  	[sflag:s20] =	ssyncset.done $0x0  }
0xa7: {  	s25 =	simm.s32 $0x7;
	[sflag:s20] =	ssyncadd.s32 $0xFFFFEC00  }
0xa8: {  	_ =	swait.ge [sflag:s25], $0x28  }
0xa9: {  	[sflag:s25] =	ssyncset.done $0x0  }
0xaa: {  	[sflag:s25] =	ssyncadd.s32 $0xFFFFFFD8  }
0xab: {  	_ =	swait.ge [sflag:s25], $0x28  }
0xac: {  	[sflag:s25] =	ssyncset.done $0x0  }
0xad: {  	s19 =	simm.s32 $0xF;
	[sflag:s25] =	ssyncadd.s32 $0xFFFFFFD8  }
0xae: {  	[tilespmem:s23], [sflag:$0xC] =	stream.indirect.gather [hbm4b:s3+s31], $0x80, s5, s31, $0xb8;
	[tilespmem:$0x1B400] =	vst v63  }
0xaf: {  	_ =	swait.ge [sflag:s19], $0x1400  }
0xb0: {  	[sflag:s19] =	ssyncset.done $0x0  }
0xb1: {  	s26 =	rddreg [dreg:$0xb];
	[sflag:s19] =	ssyncadd.s32 $0xFFFFEC00  }
0xb2: {  	[spmem:s4] =	stream.indirect.scatter.add.f32 [tilespmem:s14], [sflag:$0x14], $0x80, s13, s31, $0xb8;
	[tilespmem:$0x1B400] =	vst v63  }
0xb3: {  	s5 =	simm.s32 $0x480;
	s28 =	rddreg [dreg:$0xa];
	s0 =	sadd.s32 $0x0, s26  }
0xb4: {  	[tilespmem:s5], [sflag:$0xA] =	stream.linear.gather [hbm4b:s0+s12], $0x28, $0x38;
	[tilespmem:$0x1B400] =	vst v63  }
0xb5: {  	s20 =	simm.s32 $0x12;
	s6 =	sadd.s32 $0x0, s28  }
0xb6: {  	[tilespmem:s21], [sflag:$0xA] =	stream.linear.gather [hbm4b:s6+s12], $0x28, $0x38;
	[tilespmem:$0x1B400] =	vst v63  }
0xb7: {  	_ =	swait.ge [sflag:s20], $0x1400  }
0xb8: {  	[sflag:s20] =	ssyncset.done $0x0  }
0xb9: {  	s21 =	simm.s32 $0x8;
	[sflag:s20] =	ssyncadd.s32 $0xFFFFEC00  }
0xba: {  	_ =	swait.ge [sflag:s21], $0x28  }
0xbb: {  	[sflag:s21] =	ssyncset.done $0x0  }
0xbc: {  	[sflag:s21] =	ssyncadd.s32 $0xFFFFFFD8  }
0xbd: {  	_ =	swait.ge [sflag:s21], $0x28  }
0xbe: {  	[sflag:s21] =	ssyncset.done $0x0  }
0xbf: {  	[sflag:s21] =	ssyncadd.s32 $0xFFFFFFD8  }
0xc0: {  	[tilespmem:s16], [sflag:$0xD] =	stream.indirect.gather [hbm4b:s3+s31], $0x80, s10, s31, $0xb8;
	[tilespmem:$0x1B400] =	vst v63  }
0xc1: {  	_ =	swait.ge [sflag:s8], $0x1400  }
0xc2: {  	[sflag:s8] =	ssyncset.done $0x0;
	s10 =	sld [smem:$0x7FD]  }
0xc3: {  	p1 =	por $0x0, $0x0;
	[sflag:s8] =	ssyncadd.s32 $0xFFFFEC00  }
0xc4: {  	[spmem:s4] =	stream.indirect.scatter.add.f32 [tilespmem:s22], [sflag:$0x10], $0x80, s9, s31, $0xb8;
	[tilespmem:$0x1B400] =	vst v63  }
0xc5: {  	p0 =	por p1, p1;
	s1 =	sshrl.u32 @!p1 s10, $0x3  }
0xc6: {  	s0 =	simm.s32 @!p0 $0x0;
	s6 =	sadd.s32 @!p1 s24, s1  }
0xc7: {  	[tilespmem:s0], [sflag:$0x1] =	stream.linear.gather @!p0 [hbm4b:s6+s0], $0x28, $0x38;
	[tilespmem:$0x1B400] =	vst v63  }
0xc8: {  	s22 =	simm.s32 $0x13;
	s1 =	sadd.s32 @!p1 s29, s1;
	s6 =	simm.s32 @!p0 $0x800  }
0xc9: {  	[tilespmem:s6], [sflag:$0x1] =	stream.linear.gather @!p0 [hbm4b:s1+s0], $0x28, $0x38;
	[tilespmem:$0x1B400] =	vst v63  }
0xca: {  	_ =	swait.ge [sflag:s22], $0x1400  }
0xcb: {  	[sflag:s22] =	ssyncset.done $0x0  }
0xcc: {  	s25 =	simm.s32 $0x9;
	[sflag:s22] =	ssyncadd.s32 $0xFFFFEC00  }
0xcd: {  	_ =	swait.ge [sflag:s25], $0x28  }
0xce: {  	[sflag:s25] =	ssyncset.done $0x0  }
0xcf: {  	[sflag:s25] =	ssyncadd.s32 $0xFFFFFFD8  }
0xd0: {  	_ =	swait.ge [sflag:s25], $0x28  }
0xd1: {  	[sflag:s25] =	ssyncset.done $0x0  }
0xd2: {  	[sflag:s25] =	ssyncadd.s32 $0xFFFFFFD8  }
0xd3: {  	[tilespmem:s17], [sflag:$0xE] =	stream.indirect.gather [hbm4b:s3+s31], $0x80, s18, s31, $0xb8;
	[tilespmem:$0x1B400] =	vst v63  }
0xd4: {  	_ =	swait.ge [sflag:s15], $0x1400  }
0xd5: {  	[sflag:s15] =	ssyncset.done $0x0  }
0xd6: {  	s1 =	rddreg [dreg:$0x9];
	[sflag:s15] =	ssyncadd.s32 $0xFFFFEC00  }
0xd7: {  	[spmem:s4] =	stream.indirect.scatter.add.f32 [tilespmem:s23], [sflag:$0x11], $0x80, s7, s31, $0xb8;
	[tilespmem:$0x1B400] =	vst v63  }
0xd8: {  	s6 =	rddreg [dreg:$0x8];
	s7 =	sadd.s32 @!p0 $0x0, s1;
	s1 =	simm.s32 @!p0 $0x80  }
0xd9: {  	[tilespmem:s1], [sflag:$0x2] =	stream.linear.gather @!p0 [hbm4b:s7+s0], $0x28, $0x38;
	[tilespmem:$0x1B400] =	vst v63  }
0xda: {  	s26 =	simm.s32 $0x14;
	s6 =	sadd.s32 @!p0 $0x0, s6;
	s7 =	simm.s32 @!p0 $0x880  }
0xdb: {  	[tilespmem:s7], [sflag:$0x2] =	stream.linear.gather @!p0 [hbm4b:s6+s0], $0x28, $0x38;
	[tilespmem:$0x1B400] =	vst v63  }
0xdc: {  	_ =	swait.ge [sflag:s26], $0x1400  }
0xdd: {  	[sflag:s26] =	ssyncset.done $0x0  }
0xde: {  	s28 =	simm.s32 $0xA;
	[sflag:s26] =	ssyncadd.s32 $0xFFFFEC00  }
0xdf: {  	_ =	swait.ge [sflag:s28], $0x28  }
0xe0: {  	[sflag:s28] =	ssyncset.done $0x0  }
0xe1: {  	[sflag:s28] =	ssyncadd.s32 $0xFFFFFFD8  }
0xe2: {  	_ =	swait.ge [sflag:s28], $0x28  }
0xe3: {  	[sflag:s28] =	ssyncset.done $0x0  }
0xe4: {  	[sflag:s28] =	ssyncadd.s32 $0xFFFFFFD8  }
0xe5: {  	[tilespmem:s14], [sflag:$0xF] =	stream.indirect.gather [hbm4b:s3+s31], $0x80, s5, s31, $0xb8;
	[tilespmem:$0x1B400] =	vst v63  }
0xe6: {  	_ =	swait.ge [sflag:s11], $0x1400  }
0xe7: {  	[sflag:s11] =	ssyncset.done $0x0  }
0xe8: {  	s6 =	simm.s32 @p0 $0xE;
	[sflag:s11] =	ssyncadd.s32 $0xFFFFEC00  }
0xe9: {  	[spmem:s4] =	stream.indirect.scatter.add.f32 [tilespmem:s16], [sflag:$0x12], $0x80, s2, s31, $0xb8;
	[tilespmem:$0x1B400] =	vst v63  }
0xea: {  	_ =	swait.ge @p0 [sflag:s6], $0x1400  }
0xeb: {  	s8 =	simm.s32 @p0 $0x4C00;
	s22 =	simm.s32 @p0 $0x28;
	[sflag:s6] =	ssyncset.done @p0 $0x0  }
0xec: {  	s7 =	simm.s32 @p0 $0xC00;
	[sflag:s6] =	ssyncadd.s32 @p0 $0xFFFFEC00;
	s6 =	rddreg [dreg:$0x7]  }
0xed: {  	[spmem:s4] =	stream.indirect.scatter.add.f32 @p0 [tilespmem:s8], [sflag:$0x13], $0x80, s7, s22, $0xb8;
	[tilespmem:$0x1B400] =	vst v63  }
0xee: {  	s7 =	rddreg [dreg:$0x6];
	s6 =	sadd.s32 @!p0 $0x0, s6;
	s8 =	simm.s32 @!p0 $0x100  }
0xef: {  	[tilespmem:s8], [sflag:$0x3] =	stream.linear.gather @!p0 [hbm4b:s6+s0], $0x28, $0x38;
	[tilespmem:$0x1B400] =	vst v63  }
0xf0: {  	s7 =	sadd.s32 @!p0 $0x0, s7;
	s6 =	simm.s32 @!p0 $0x900;
	s8 =	simm.s32 @!p0 $0x10  }
0xf1: {  	[tilespmem:s6], [sflag:$0x3] =	stream.linear.gather @!p0 [hbm4b:s7+s0], $0x28, $0x38;
	[tilespmem:$0x1B400] =	vst v63  }
0xf2: {  	_ =	swait.ge @!p0 [sflag:s8], $0x1400  }
0xf3: {  	[sflag:s8] =	ssyncset.done @!p0 $0x0  }
0xf4: {  	s6 =	simm.s32 @!p0 $0x1;
	[sflag:s8] =	ssyncadd.s32 @!p0 $0xFFFFEC00  }
0xf5: {  	_ =	swait.ge @!p0 [sflag:s6], $0x28  }
0xf6: {  	[sflag:s6] =	ssyncset.done @!p0 $0x0  }
0xf7: {  	[sflag:s6] =	ssyncadd.s32 @!p0 $0xFFFFFFD8  }
0xf8: {  	_ =	swait.ge @!p0 [sflag:s6], $0x28  }
0xf9: {  	s7 =	simm.s32 @!p0 $0x28;
	[sflag:s6] =	ssyncset.done @!p0 $0x0  }
0xfa: {  	s8 =	simm.s32 @!p0 $0x1000;
	[sflag:s6] =	ssyncadd.s32 @!p0 $0xFFFFFFD8;
	s6 =	simm.s32 @!p0 $0xE  }
0xfb: {  	[tilespmem:s8], [sflag:$0xB] =	stream.indirect.gather @!p0 [hbm4b:s3+s7], $0x80, s0, s7, $0xb8;
	[tilespmem:$0x1B400] =	vst v63  }
0xfc: {  	_ =	swait.ge @!p0 [sflag:s6], $0x1400  }
0xfd: {  	s22 =	simm.s32 @!p0 $0xC00;
	[sflag:s6] =	ssyncset.done @!p0 $0x0  }
0xfe: {  	s8 =	simm.s32 @!p0 $0x4C00;
	[sflag:s6] =	ssyncadd.s32 @!p0 $0xFFFFEC00;
	s6 =	rddreg [dreg:$0x5]  }
0xff: {  	[spmem:s4] =	stream.indirect.scatter.add.f32 @!p0 [tilespmem:s8], [sflag:$0x13], $0x80, s22, s7, $0xb8;
	[tilespmem:$0x1B400] =	vst v63  }
0x100: {  	s8 =	rddreg [dreg:$0x4];
	s6 =	sadd.s32 @!p0 $0x0, s6;
	s22 =	simm.s32 @!p0 $0x180  }
0x101: {  	[tilespmem:s22], [sflag:$0x4] =	stream.linear.gather @!p0 [hbm4b:s6+s0], $0x28, $0x38;
	[tilespmem:$0x1B400] =	vst v63  }
0x102: {  	s8 =	sadd.s32 @!p0 $0x0, s8;
	s6 =	simm.s32 @!p0 $0x980;
	s22 =	simm.s32 @!p0 $0x11  }
0x103: {  	[tilespmem:s6], [sflag:$0x4] =	stream.linear.gather @!p0 [hbm4b:s8+s0], $0x28, $0x38;
	[tilespmem:$0x1B400] =	vst v63  }
0x104: {  	_ =	swait.ge @!p0 [sflag:s22], $0x1400  }
0x105: {  	[sflag:s22] =	ssyncset.done @!p0 $0x0  }
0x106: {  	s0 =	simm.s32 @!p0 $0x2;
	[sflag:s22] =	ssyncadd.s32 @!p0 $0xFFFFEC00  }
0x107: {  	_ =	swait.ge @!p0 [sflag:s0], $0x28  }
0x108: {  	[sflag:s0] =	ssyncset.done @!p0 $0x0  }
0x109: {  	[sflag:s0] =	ssyncadd.s32 @!p0 $0xFFFFFFD8  }
0x10a: {  	p1 =	por $0x0, $0x0;
	s23 =	sadd.s32 $0x190, s10;
	_ =	swait.ge @!p0 [sflag:s0], $0x28  }
0x10b: {  	s6 =	sshrl.u32 @!p1 s23, $0x3;
	[sflag:s0] =	ssyncset.done @!p0 $0x0  }
0x10c: {  	s8 =	simm.s32 @!p0 $0x2400;
	[sflag:s0] =	ssyncadd.s32 @!p0 $0xFFFFFFD8;
	s0 =	sadd.s32 @!p1 s29, s6  }
0x10d: {  	[tilespmem:s8], [sflag:$0xC] =	stream.indirect.gather @!p0 [hbm4b:s3+s7], $0x80, s1, s7, $0xb8;
	[tilespmem:$0x1B400] =	vst v63  }
0x10e: {  	s30 =	sadd.s32 @!p1 s24, s6;
	s1 =	simm.s32 $0x32;
	[dreg:$0x17] =	wrdreg s0  }
0x10f: {  	s8 =	simm.s32 $0x64;
	p0 =	por p1, p1;
	_ =	swait.ge [sflag:s19], $0x1400  }
0x110: {  	s0 =	sadd.s32 $0x190, s23;
	s22 =	rddreg [dreg:$0x15];
	[sflag:s19] =	ssyncset.done $0x0  }
.LBB2_2:
0x111: {  	s25 =	rddreg [dreg:$0x14];
	s26 =	simm.s32 $0xF;
	s2 =	smov.u32 s8  }
0x112: {  	s18 =	simm.s32 $0x6000;
	s15 =	simm.s32 $0xC80;
	[sflag:s26] =	ssyncadd.s32 $0xFFFFEC00  }
0x113: {  	s22 =	sadd.s32 s1, s22;
	s11 =	simm.s32 $0x200;
	s4 =	rddreg [dreg:$0x2]  }
0x114: {  	[spmem:s4] =	stream.indirect.scatter.add.f32 [tilespmem:s18], [sflag:$0x14], $0x80, s15, s31, $0xb8;
	[tilespmem:$0x1B400] =	vst v63  }
0x115: {  	s19 =	simm.s32 $0x0;
	p3 =	seq.s32 s1, $0x0;
	s7 =	simm.s32 $0xA00  }
0x116: {  	[tilespmem:s11], [sflag:$0x5] =	stream.linear.gather [hbm4b:s22+s19], $0x28, $0x38;
	[tilespmem:$0x1B400] =	vst v63  }
0x117: {  	[dreg:$0x18] =	wrdreg s2;
	s16 =	sadd.s32 s1, s25;
	s25 =	simm.s32 @!p3 $0x12  }
0x118: {  	[tilespmem:s7], [sflag:$0x5] =	stream.linear.gather [hbm4b:s16+s19], $0x28, $0x38;
	[tilespmem:$0x1B400] =	vst v63  }
0x119: {  	_ =	swait.ge @!p3 [sflag:s25], $0x1400  }
0x11a: {  	[sflag:s25] =	ssyncset.done @!p3 $0x0  }
0x11b: {  	s10 =	simm.s32 $0x3;
	[sflag:s25] =	ssyncadd.s32 @!p3 $0xFFFFEC00  }
0x11c: {  	_ =	swait.ge [sflag:s10], $0x28  }
0x11d: {  	[sflag:s10] =	ssyncset.done $0x0  }
0x11e: {  	[sflag:s10] =	ssyncadd.s32 $0xFFFFFFD8  }
0x11f: {  	_ =	swait.ge [sflag:s10], $0x28  }
0x120: {  	[sflag:s10] =	ssyncset.done $0x0  }
0x121: {  	[sflag:s10] =	ssyncadd.s32 $0xFFFFFFD8  }
0x122: {  	s17 =	simm.s32 $0x100;
	s16 =	simm.s32 $0x3800;
	s3 =	rddreg [dreg:$0x0]  }
0x123: {  	[tilespmem:s16], [sflag:$0xD] =	stream.indirect.gather [hbm4b:s3+s31], $0x80, s17, s31, $0xb8;
	[tilespmem:$0x1B400] =	vst v63  }
0x124: {  	p1 =	seq.s32 s8, $0x4B0;
	s12 =	smov.u32 s24;
	s17 =	simm.s32 $0xB  }
0x125: {  	s9 =	simm.s32 $0x280;
	s28 =	sshrl.u32 @!p1 s0, $0x3;
	_ =	swait.ge [sflag:s17], $0x1400  }
0x126: {  	s23 =	sadd.s32 @!p1 s24, s28;
	s24 =	simm.s32 $0x800;
	[sflag:s17] =	ssyncset.done $0x0  }
0x127: {  	s15 =	simm.s32 $0x1000;
	s20 =	rddreg [dreg:$0x13];
	[sflag:s17] =	ssyncadd.s32 $0xFFFFEC00  }
0x128: {  	[spmem:s4] =	stream.indirect.scatter.add.f32 [tilespmem:s15], [sflag:$0x10], $0x80, s24, s31, $0xb8;
	[tilespmem:$0x1B400] =	vst v63  }
0x129: {  	s22 =	sadd.s32 @!p1 s29, s28;
	s21 =	rddreg [dreg:$0x12];
	s25 =	sadd.s32 s1, s20  }
0x12a: {  	[tilespmem:s9], [sflag:$0x6] =	stream.linear.gather [hbm4b:s25+s19], $0x28, $0x38;
	[tilespmem:$0x1B400] =	vst v63  }
0x12b: {  	s28 =	simm.s32 @!p3 $0x13;
	s2 =	sadd.s32 s1, s21;
	s21 =	simm.s32 $0xA80  }
0x12c: {  	[tilespmem:s21], [sflag:$0x6] =	stream.linear.gather [hbm4b:s2+s19], $0x28, $0x38;
	[tilespmem:$0x1B400] =	vst v63  }
0x12d: {  	_ =	swait.ge @!p3 [sflag:s28], $0x1400  }
0x12e: {  	[sflag:s28] =	ssyncset.done @!p3 $0x0  }
0x12f: {  	s5 =	simm.s32 $0x4;
	[sflag:s28] =	ssyncadd.s32 @!p3 $0xFFFFEC00  }
0x130: {  	_ =	swait.ge [sflag:s5], $0x28  }
0x131: {  	[sflag:s5] =	ssyncset.done $0x0  }
0x132: {  	[sflag:s5] =	ssyncadd.s32 $0xFFFFFFD8  }
0x133: {  	_ =	swait.ge [sflag:s5], $0x28  }
0x134: {  	s6 =	smov.u32 s29;
	s13 =	simm.s32 $0x180;
	[sflag:s5] =	ssyncset.done $0x0  }
0x135: {  	s29 =	simm.s32 $0xC;
	s24 =	simm.s32 $0x4C00;
	[sflag:s5] =	ssyncadd.s32 $0xFFFFFFD8  }
0x136: {  	[tilespmem:s24], [sflag:$0xE] =	stream.indirect.gather [hbm4b:s3+s31], $0x80, s13, s31, $0xb8;
	[tilespmem:$0x1B400] =	vst v63  }
0x137: {  	_ =	swait.ge [sflag:s29], $0x1400  }
0x138: {  	s20 =	simm.s32 $0x2400;
	[sflag:s29] =	ssyncset.done $0x0  }
0x139: {  	s5 =	simm.s32 $0x880;
	s14 =	rddreg [dreg:$0x11];
	[sflag:s29] =	ssyncadd.s32 $0xFFFFEC00  }
0x13a: {  	[spmem:s4] =	stream.indirect.scatter.add.f32 [tilespmem:s20], [sflag:$0x11], $0x80, s5, s31, $0xb8;
	[tilespmem:$0x1B400] =	vst v63  }
0x13b: {  	s2 =	rddreg [dreg:$0x10];
	s25 =	sadd.s32 s1, s14;
	s5 =	simm.s32 $0x300  }
0x13c: {  	[tilespmem:s5], [sflag:$0x7] =	stream.linear.gather [hbm4b:s25+s19], $0x28, $0x38;
	[tilespmem:$0x1B400] =	vst v63  }
0x13d: {  	s28 =	simm.s32 @!p3 $0x14;
	s13 =	sadd.s32 s1, s2;
	s14 =	simm.s32 $0xB00  }
0x13e: {  	[tilespmem:s14], [sflag:$0x7] =	stream.linear.gather [hbm4b:s13+s19], $0x28, $0x38;
	[tilespmem:$0x1B400] =	vst v63  }
0x13f: {  	_ =	swait.ge @!p3 [sflag:s28], $0x1400  }
0x140: {  	[sflag:s28] =	ssyncset.done @!p3 $0x0  }
0x141: {  	s2 =	simm.s32 $0x5;
	[sflag:s28] =	ssyncadd.s32 @!p3 $0xFFFFEC00  }
0x142: {  	_ =	swait.ge [sflag:s2], $0x28  }
0x143: {  	[sflag:s2] =	ssyncset.done $0x0  }
0x144: {  	[sflag:s2] =	ssyncadd.s32 $0xFFFFFFD8  }
0x145: {  	_ =	swait.ge [sflag:s2], $0x28  }
0x146: {  	[sflag:s2] =	ssyncset.done $0x0  }
0x147: {  	[sflag:s2] =	ssyncadd.s32 $0xFFFFFFD8  }
0x148: {  	[tilespmem:s18], [sflag:$0xF] =	stream.indirect.gather [hbm4b:s3+s31], $0x80, s11, s31, $0xb8;
	[tilespmem:$0x1B400] =	vst v63  }
0x149: {  	s11 =	simm.s32 $0xD  }
0x14a: {  	_ =	swait.ge [sflag:s11], $0x1400  }
0x14b: {  	[sflag:s11] =	ssyncset.done $0x0  }
0x14c: {  	s2 =	simm.s32 $0x900;
	s25 =	rddreg [dreg:$0xf];
	[sflag:s11] =	ssyncadd.s32 $0xFFFFEC00  }
0x14d: {  	[spmem:s4] =	stream.indirect.scatter.add.f32 [tilespmem:s16], [sflag:$0x12], $0x80, s2, s31, $0xb8;
	[tilespmem:$0x1B400] =	vst v63  }
0x14e: {  	s13 =	rddreg [dreg:$0xe];
	s25 =	sadd.s32 s1, s25;
	s2 =	simm.s32 $0x380  }
0x14f: {  	[tilespmem:s2], [sflag:$0x8] =	stream.linear.gather [hbm4b:s25+s19], $0x28, $0x38;
	[tilespmem:$0x1B400] =	vst v63  }
0x150: {  	s28 =	simm.s32 $0x10;
	s10 =	sadd.s32 s1, s13;
	s13 =	simm.s32 $0xB80  }
0x151: {  	[tilespmem:s13], [sflag:$0x8] =	stream.linear.gather [hbm4b:s10+s19], $0x28, $0x38;
	[tilespmem:$0x1B400] =	vst v63  }
0x152: {  	_ =	swait.ge [sflag:s28], $0x1400  }
0x153: {  	[sflag:s28] =	ssyncset.done $0x0  }
0x154: {  	s25 =	simm.s32 $0x6;
	[sflag:s28] =	ssyncadd.s32 $0xFFFFEC00  }
0x155: {  	_ =	swait.ge [sflag:s25], $0x28  }
0x156: {  	[sflag:s25] =	ssyncset.done $0x0  }
0x157: {  	[sflag:s25] =	ssyncadd.s32 $0xFFFFFFD8  }
0x158: {  	_ =	swait.ge [sflag:s25], $0x28  }
0x159: {  	[sflag:s25] =	ssyncset.done $0x0  }
0x15a: {  	s28 =	simm.s32 $0xE;
	[sflag:s25] =	ssyncadd.s32 $0xFFFFFFD8  }
0x15b: {  	[tilespmem:s15], [sflag:$0xB] =	stream.indirect.gather [hbm4b:s3+s31], $0x80, s9, s31, $0xb8;
	[tilespmem:$0x1B400] =	vst v63  }
0x15c: {  	_ =	swait.ge [sflag:s28], $0x1400  }
0x15d: {  	[sflag:s28] =	ssyncset.done $0x0  }
0x15e: {  	s9 =	simm.s32 $0x980;
	s25 =	rddreg [dreg:$0xd];
	[sflag:s28] =	ssyncadd.s32 $0xFFFFEC00  }
0x15f: {  	[spmem:s4] =	stream.indirect.scatter.add.f32 [tilespmem:s24], [sflag:$0x13], $0x80, s9, s31, $0xb8;
	[tilespmem:$0x1B400] =	vst v63  }
0x160: {  	s28 =	rddreg [dreg:$0xc];
	s25 =	sadd.s32 s1, s25;
	s9 =	simm.s32 $0x400  }
0x161: {  	[tilespmem:s9], [sflag:$0x9] =	stream.linear.gather [hbm4b:s25+s19], $0x28, $0x38;
	[tilespmem:$0x1B400] =	vst v63  }
0x162: {  	s10 =	rddreg [dreg:$0x16];
	s28 =	sadd.s32 s1, s28;
	s25 =	simm.s32 $0x11  }
0x163: {  	[tilespmem:s10], [sflag:$0x9] =	stream.linear.gather [hbm4b:s28+s19], $0x28, $0x38;
	[tilespmem:$0x1B400] =	vst v63  }
0x164: {  	_ =	swait.ge [sflag:s25], $0x1400  }
0x165: {  	[sflag:s25] =	ssyncset.done $0x0  }
0x166: {  	s28 =	simm.s32 $0x7;
	[sflag:s25] =	ssyncadd.s32 $0xFFFFEC00  }
0x167: {  	_ =	swait.ge [sflag:s28], $0x28  }
0x168: {  	[sflag:s28] =	ssyncset.done $0x0  }
0x169: {  	[sflag:s28] =	ssyncadd.s32 $0xFFFFFFD8  }
0x16a: {  	_ =	swait.ge [sflag:s28], $0x28  }
0x16b: {  	[sflag:s28] =	ssyncset.done $0x0  }
0x16c: {  	[sflag:s28] =	ssyncadd.s32 $0xFFFFFFD8  }
0x16d: {  	[tilespmem:s20], [sflag:$0xC] =	stream.indirect.gather [hbm4b:s3+s31], $0x80, s5, s31, $0xb8;
	[tilespmem:$0x1B400] =	vst v63  }
0x16e: {  	_ =	swait.ge [sflag:s26], $0x1400  }
0x16f: {  	[sflag:s26] =	ssyncset.done $0x0  }
0x170: {  	s25 =	rddreg [dreg:$0xb];
	[sflag:s26] =	ssyncadd.s32 $0xFFFFEC00  }
0x171: {  	[spmem:s4] =	stream.indirect.scatter.add.f32 [tilespmem:s18], [sflag:$0x14], $0x80, s7, s31, $0xb8;
	[tilespmem:$0x1B400] =	vst v63  }
0x172: {  	s5 =	simm.s32 $0x480;
	s28 =	rddreg [dreg:$0xa];
	s10 =	sadd.s32 s1, s25  }
0x173: {  	[tilespmem:s5], [sflag:$0xA] =	stream.linear.gather [hbm4b:s10+s19], $0x28, $0x38;
	[tilespmem:$0x1B400] =	vst v63  }
0x174: {  	s25 =	simm.s32 $0xC80;
	s7 =	sadd.s32 s1, s28;
	s28 =	simm.s32 $0x12  }
0x175: {  	[tilespmem:s25], [sflag:$0xA] =	stream.linear.gather [hbm4b:s7+s19], $0x28, $0x38;
	[tilespmem:$0x1B400] =	vst v63  }
0x176: {  	_ =	swait.ge [sflag:s28], $0x1400  }
0x177: {  	[sflag:s28] =	ssyncset.done $0x0  }
0x178: {  	s10 =	simm.s32 $0x8;
	[sflag:s28] =	ssyncadd.s32 $0xFFFFEC00  }
0x179: {  	_ =	swait.ge [sflag:s10], $0x28  }
0x17a: {  	[sflag:s10] =	ssyncset.done $0x0  }
0x17b: {  	[sflag:s10] =	ssyncadd.s32 $0xFFFFFFD8  }
0x17c: {  	_ =	swait.ge [sflag:s10], $0x28  }
0x17d: {  	[sflag:s10] =	ssyncset.done $0x0  }
0x17e: {  	[sflag:s10] =	ssyncadd.s32 $0xFFFFFFD8  }
0x17f: {  	[tilespmem:s16], [sflag:$0xD] =	stream.indirect.gather [hbm4b:s3+s31], $0x80, s2, s31, $0xb8;
	[tilespmem:$0x1B400] =	vst v63  }
0x180: {  	_ =	swait.ge [sflag:s17], $0x1400  }
0x181: {  	[sflag:s17] =	ssyncset.done $0x0  }
0x182: {  	[sflag:s17] =	ssyncadd.s32 $0xFFFFEC00  }
0x183: {  	[spmem:s4] =	stream.indirect.scatter.add.f32 [tilespmem:s15], [sflag:$0x10], $0x80, s21, s31, $0xb8;
	[tilespmem:$0x1B400] =	vst v63  }
0x184: {  	s25 =	simm.s32 @!p0 $0x0  }
0x185: {  	[tilespmem:s25], [sflag:$0x1] =	stream.linear.gather @!p0 [hbm4b:s30+s25], $0x28, $0x38;
	[tilespmem:$0x1B400] =	vst v63  }
0x186: {  	s10 =	simm.s32 @!p0 $0x800;
	s2 =	rddreg [dreg:$0x17];
	s15 =	simm.s32 $0x13  }
0x187: {  	[tilespmem:s10], [sflag:$0x1] =	stream.linear.gather @!p0 [hbm4b:s2+s25], $0x28, $0x38;
	[tilespmem:$0x1B400] =	vst v63  }
0x188: {  	_ =	swait.ge [sflag:s15], $0x1400  }
0x189: {  	s17 =	smov.u32 s22;
	[sflag:s15] =	ssyncset.done $0x0  }
0x18a: {  	s19 =	simm.s32 $0x9;
	[dreg:$0x17] =	wrdreg s17;
	[sflag:s15] =	ssyncadd.s32 $0xFFFFEC00  }
0x18b: {  	_ =	swait.ge [sflag:s19], $0x28  }
0x18c: {  	[sflag:s19] =	ssyncset.done $0x0  }
0x18d: {  	[sflag:s19] =	ssyncadd.s32 $0xFFFFFFD8  }
0x18e: {  	_ =	swait.ge [sflag:s19], $0x28  }
0x18f: {  	[sflag:s19] =	ssyncset.done $0x0  }
0x190: {  	[sflag:s19] =	ssyncadd.s32 $0xFFFFFFD8  }
0x191: {  	[tilespmem:s24], [sflag:$0xE] =	stream.indirect.gather [hbm4b:s3+s31], $0x80, s9, s31, $0xb8;
	[tilespmem:$0x1B400] =	vst v63  }
0x192: {  	_ =	swait.ge [sflag:s29], $0x1400  }
0x193: {  	[sflag:s29] =	ssyncset.done $0x0  }
0x194: {  	s22 =	simm.s32 @!p0 $0x80;
	s10 =	rddreg [dreg:$0x9];
	[sflag:s29] =	ssyncadd.s32 $0xFFFFEC00  }
0x195: {  	[spmem:s4] =	stream.indirect.scatter.add.f32 [tilespmem:s20], [sflag:$0x11], $0x80, s14, s31, $0xb8;
	[tilespmem:$0x1B400] =	vst v63  }
0x196: {  	s30 =	smov.u32 s23;
	s23 =	rddreg [dreg:$0x8];
	s10 =	sadd.s32 @!p0 s1, s10  }
0x197: {  	[tilespmem:s22], [sflag:$0x2] =	stream.linear.gather @!p0 [hbm4b:s10+s25], $0x28, $0x38;
	[tilespmem:$0x1B400] =	vst v63  }
0x198: {  	s28 =	simm.s32 @!p0 $0x880;
	s21 =	simm.s32 $0x14;
	s10 =	sadd.s32 @!p0 s1, s23  }
0x199: {  	[tilespmem:s28], [sflag:$0x2] =	stream.linear.gather @!p0 [hbm4b:s10+s25], $0x28, $0x38;
	[tilespmem:$0x1B400] =	vst v63  }
0x19a: {  	_ =	swait.ge [sflag:s21], $0x1400  }
0x19b: {  	[sflag:s21] =	ssyncset.done $0x0  }
0x19c: {  	s23 =	simm.s32 $0xA;
	[sflag:s21] =	ssyncadd.s32 $0xFFFFEC00  }
0x19d: {  	_ =	swait.ge [sflag:s23], $0x28  }
0x19e: {  	[sflag:s23] =	ssyncset.done $0x0  }
0x19f: {  	[sflag:s23] =	ssyncadd.s32 $0xFFFFFFD8  }
0x1a0: {  	_ =	swait.ge [sflag:s23], $0x28  }
0x1a1: {  	[sflag:s23] =	ssyncset.done $0x0  }
0x1a2: {  	[sflag:s23] =	ssyncadd.s32 $0xFFFFFFD8  }
0x1a3: {  	[tilespmem:s18], [sflag:$0xF] =	stream.indirect.gather [hbm4b:s3+s31], $0x80, s5, s31, $0xb8;
	[tilespmem:$0x1B400] =	vst v63  }
0x1a4: {  	_ =	swait.ge [sflag:s11], $0x1400  }
0x1a5: {  	[sflag:s11] =	ssyncset.done $0x0  }
0x1a6: {  	s10 =	simm.s32 @p0 $0xE;
	[sflag:s11] =	ssyncadd.s32 $0xFFFFEC00  }
0x1a7: {  	[spmem:s4] =	stream.indirect.scatter.add.f32 [tilespmem:s16], [sflag:$0x12], $0x80, s13, s31, $0xb8;
	[tilespmem:$0x1B400] =	vst v63  }
0x1a8: {  	_ =	swait.ge @p0 [sflag:s10], $0x1400  }
0x1a9: {  	s15 =	simm.s32 @p0 $0x28;
	s28 =	simm.s32 @p0 $0x4C00;
	[sflag:s10] =	ssyncset.done @p0 $0x0  }
0x1aa: {  	s23 =	simm.s32 @p0 $0xC00;
	s19 =	rddreg [dreg:$0x7];
	[sflag:s10] =	ssyncadd.s32 @p0 $0xFFFFEC00  }
0x1ab: {  	[spmem:s4] =	stream.indirect.scatter.add.f32 @p0 [tilespmem:s28], [sflag:$0x13], $0x80, s23, s15, $0xb8;
	[tilespmem:$0x1B400] =	vst v63  }
0x1ac: {  	s10 =	rddreg [dreg:$0x6];
	s15 =	sadd.s32 @!p0 s1, s19;
	s19 =	simm.s32 @!p0 $0x100  }
0x1ad: {  	[tilespmem:s19], [sflag:$0x3] =	stream.linear.gather @!p0 [hbm4b:s15+s25], $0x28, $0x38;
	[tilespmem:$0x1B400] =	vst v63  }
0x1ae: {  	s23 =	simm.s32 @!p0 $0x900;
	s10 =	sadd.s32 @!p0 s1, s10;
	s15 =	simm.s32 @!p0 $0x10  }
0x1af: {  	[tilespmem:s23], [sflag:$0x3] =	stream.linear.gather @!p0 [hbm4b:s10+s25], $0x28, $0x38;
	[tilespmem:$0x1B400] =	vst v63  }
0x1b0: {  	_ =	swait.ge @!p0 [sflag:s15], $0x1400  }
0x1b1: {  	[sflag:s15] =	ssyncset.done @!p0 $0x0  }
0x1b2: {  	s10 =	simm.s32 @!p0 $0x1;
	[sflag:s15] =	ssyncadd.s32 @!p0 $0xFFFFEC00  }
0x1b3: {  	_ =	swait.ge @!p0 [sflag:s10], $0x28  }
0x1b4: {  	[sflag:s10] =	ssyncset.done @!p0 $0x0  }
0x1b5: {  	[sflag:s10] =	ssyncadd.s32 @!p0 $0xFFFFFFD8  }
0x1b6: {  	_ =	swait.ge @!p0 [sflag:s10], $0x28  }
0x1b7: {  	s19 =	simm.s32 @!p0 $0x1000;
	[sflag:s10] =	ssyncset.done @!p0 $0x0  }
0x1b8: {  	s15 =	simm.s32 @!p0 $0x28;
	[sflag:s10] =	ssyncadd.s32 @!p0 $0xFFFFFFD8;
	s10 =	simm.s32 @!p0 $0xE  }
0x1b9: {  	[tilespmem:s19], [sflag:$0xB] =	stream.indirect.gather @!p0 [hbm4b:s3+s15], $0x80, s25, s15, $0xb8;
	[tilespmem:$0x1B400] =	vst v63  }
0x1ba: {  	_ =	swait.ge @!p0 [sflag:s10], $0x1400  }
0x1bb: {  	s23 =	simm.s32 @!p0 $0xC00;
	[sflag:s10] =	ssyncset.done @!p0 $0x0  }
0x1bc: {  	s19 =	simm.s32 @!p0 $0x4C00;
	s28 =	rddreg [dreg:$0x5];
	[sflag:s10] =	ssyncadd.s32 @!p0 $0xFFFFEC00  }
0x1bd: {  	[spmem:s4] =	stream.indirect.scatter.add.f32 @!p0 [tilespmem:s19], [sflag:$0x13], $0x80, s23, s15, $0xb8;
	[tilespmem:$0x1B400] =	vst v63  }
0x1be: {  	s10 =	rddreg [dreg:$0x4];
	s19 =	sadd.s32 @!p0 s1, s28;
	s23 =	simm.s32 @!p0 $0x180  }
0x1bf: {  	[tilespmem:s23], [sflag:$0x4] =	stream.linear.gather @!p0 [hbm4b:s19+s25], $0x28, $0x38;
	[tilespmem:$0x1B400] =	vst v63  }
0x1c0: {  	s28 =	simm.s32 @!p0 $0x980;
	s10 =	sadd.s32 @!p0 s1, s10;
	s19 =	simm.s32 @!p0 $0x11  }
0x1c1: {  	[tilespmem:s28], [sflag:$0x4] =	stream.linear.gather @!p0 [hbm4b:s10+s25], $0x28, $0x38;
	[tilespmem:$0x1B400] =	vst v63  }
0x1c2: {  	s24 =	rddreg [dreg:$0x18];
	_ =	swait.ge @!p0 [sflag:s19], $0x1400  }
0x1c3: {  	[sflag:s19] =	ssyncset.done @!p0 $0x0  }
0x1c4: {  	s7 =	simm.s32 @!p0 $0x2;
	[sflag:s19] =	ssyncadd.s32 @!p0 $0xFFFFEC00  }
0x1c5: {  	_ =	swait.ge @!p0 [sflag:s7], $0x28  }
0x1c6: {  	[sflag:s7] =	ssyncset.done @!p0 $0x0  }
0x1c7: {  	s8 =	sadd.s32 $0x32, s8;
	[sflag:s7] =	ssyncadd.s32 @!p0 $0xFFFFFFD8  }
0x1c8: {  	p2 =	sne.s32 s8, $0x4E2;
	_ =	swait.ge @!p0 [sflag:s7], $0x28  }
.Ltmp0:
0x1c9: {  	s0 =	sadd.s32 $0x190, s0;
	[sflag:s7] =	ssyncset.done @!p0 $0x0;
	(pc) =	sbr.rel @p2 .LBB2_2-.Ltmp0, $4  }
0x1ca: {  	s29 =	smov.u32 s6;
	s10 =	simm.s32 @!p0 $0x2400;
	[sflag:s7] =	ssyncadd.s32 @!p0 $0xFFFFFFD8  }
0x1cb: {  	[tilespmem:s10], [sflag:$0xC] =	stream.indirect.gather @!p0 [hbm4b:s3+s15], $0x80, s22, s15, $0xb8;
	[tilespmem:$0x1B400] =	vst v63  }
0x1cc: {  	s1 =	smov.u32 s24;
	s24 =	smov.u32 s12;
	_ =	swait.ge [sflag:s26], $0x1400  }
0x1cd: {  	p0 =	por p1, p1;
	s22 =	rddreg [dreg:$0x15];
	[sflag:s26] =	ssyncset.done $0x0  }
0x1ce: {  	s25 =	simm.s32 $0xF  }
0x1cf: {  	s0 =	rddreg [dreg:$0x14];
	[sflag:s25] =	ssyncadd.s32 $0xFFFFEC00  }
0x1d0: {  	s18 =	simm.s32 $0x6000;
	s26 =	simm.s32 $0xC80;
	s4 =	rddreg [dreg:$0x2]  }
0x1d1: {  	[spmem:s4] =	stream.indirect.scatter.add.f32 [tilespmem:s18], [sflag:$0x14], $0x80, s26, s31, $0xb8;
	[tilespmem:$0x1B400] =	vst v63  }
0x1d2: {  	s7 =	sadd.s32 s1, s22;
	s11 =	simm.s32 $0x200;
	s6 =	simm.s32 $0x0  }
0x1d3: {  	[tilespmem:s11], [sflag:$0x5] =	stream.linear.gather [hbm4b:s7+s6], $0x28, $0x38;
	[tilespmem:$0x1B400] =	vst v63  }
0x1d4: {  	p1 =	seq.s32 s1, $0x0;
	s13 =	simm.s32 $0xA00;
	s0 =	sadd.s32 s1, s0  }
0x1d5: {  	[tilespmem:s13], [sflag:$0x5] =	stream.linear.gather [hbm4b:s0+s6], $0x28, $0x38;
	[tilespmem:$0x1B400] =	vst v63  }
0x1d6: {  	s0 =	simm.s32 @!p1 $0x12  }
0x1d7: {  	_ =	swait.ge @!p1 [sflag:s0], $0x1400  }
0x1d8: {  	[sflag:s0] =	ssyncset.done @!p1 $0x0  }
0x1d9: {  	s23 =	simm.s32 $0x3;
	[sflag:s0] =	ssyncadd.s32 @!p1 $0xFFFFEC00  }
0x1da: {  	_ =	swait.ge [sflag:s23], $0x28  }
0x1db: {  	[sflag:s23] =	ssyncset.done $0x0  }
0x1dc: {  	[sflag:s23] =	ssyncadd.s32 $0xFFFFFFD8  }
0x1dd: {  	_ =	swait.ge [sflag:s23], $0x28  }
0x1de: {  	[sflag:s23] =	ssyncset.done $0x0  }
0x1df: {  	s28 =	simm.s32 $0x100;
	[sflag:s23] =	ssyncadd.s32 $0xFFFFFFD8  }
0x1e0: {  	s16 =	simm.s32 $0x3800;
	s17 =	simm.s32 $0xB;
	s3 =	rddreg [dreg:$0x0]  }
0x1e1: {  	[tilespmem:s16], [sflag:$0xD] =	stream.indirect.gather [hbm4b:s3+s31], $0x80, s28, s31, $0xb8;
	[tilespmem:$0x1B400] =	vst v63  }
0x1e2: {  	_ =	swait.ge [sflag:s17], $0x1400  }
0x1e3: {  	s8 =	simm.s32 $0x800;
	[sflag:s17] =	ssyncset.done $0x0  }
0x1e4: {  	s10 =	simm.s32 $0x1000;
	s2 =	rddreg [dreg:$0x13];
	[sflag:s17] =	ssyncadd.s32 $0xFFFFEC00  }
0x1e5: {  	[spmem:s4] =	stream.indirect.scatter.add.f32 [tilespmem:s10], [sflag:$0x10], $0x80, s8, s31, $0xb8;
	[tilespmem:$0x1B400] =	vst v63  }
0x1e6: {  	s9 =	simm.s32 $0x280;
	s5 =	rddreg [dreg:$0x12];
	s0 =	sadd.s32 s1, s2  }
0x1e7: {  	[tilespmem:s9], [sflag:$0x6] =	stream.linear.gather [hbm4b:s0+s6], $0x28, $0x38;
	[tilespmem:$0x1B400] =	vst v63  }
0x1e8: {  	s20 =	simm.s32 $0xA80;
	s7 =	simm.s32 @!p1 $0x13;
	s12 =	sadd.s32 s1, s5  }
0x1e9: {  	[tilespmem:s20], [sflag:$0x6] =	stream.linear.gather [hbm4b:s12+s6], $0x28, $0x38;
	[tilespmem:$0x1B400] =	vst v63  }
0x1ea: {  	_ =	swait.ge @!p1 [sflag:s7], $0x1400  }
0x1eb: {  	[sflag:s7] =	ssyncset.done @!p1 $0x0  }
0x1ec: {  	s14 =	simm.s32 $0x4;
	[sflag:s7] =	ssyncadd.s32 @!p1 $0xFFFFEC00  }
0x1ed: {  	_ =	swait.ge [sflag:s14], $0x28  }
0x1ee: {  	[sflag:s14] =	ssyncset.done $0x0  }
0x1ef: {  	[sflag:s14] =	ssyncadd.s32 $0xFFFFFFD8  }
0x1f0: {  	_ =	swait.ge [sflag:s14], $0x28  }
0x1f1: {  	s15 =	simm.s32 $0x180;
	[sflag:s14] =	ssyncset.done $0x0  }
0x1f2: {  	s21 =	simm.s32 $0x4C00;
	s22 =	simm.s32 $0xC;
	[sflag:s14] =	ssyncadd.s32 $0xFFFFFFD8  }
0x1f3: {  	[tilespmem:s21], [sflag:$0xE] =	stream.indirect.gather [hbm4b:s3+s31], $0x80, s15, s31, $0xb8;
	[tilespmem:$0x1B400] =	vst v63  }
0x1f4: {  	_ =	swait.ge [sflag:s22], $0x1400  }
0x1f5: {  	s28 =	simm.s32 $0x880;
	[sflag:s22] =	ssyncset.done $0x0  }
0x1f6: {  	s15 =	simm.s32 $0x2400;
	s19 =	rddreg [dreg:$0x11];
	[sflag:s22] =	ssyncadd.s32 $0xFFFFEC00  }
0x1f7: {  	[spmem:s4] =	stream.indirect.scatter.add.f32 [tilespmem:s15], [sflag:$0x11], $0x80, s28, s31, $0xb8;
	[tilespmem:$0x1B400] =	vst v63  }
0x1f8: {  	s5 =	simm.s32 $0x300;
	s23 =	rddreg [dreg:$0x10];
	s0 =	sadd.s32 s1, s19  }
0x1f9: {  	[tilespmem:s5], [sflag:$0x7] =	stream.linear.gather [hbm4b:s0+s6], $0x28, $0x38;
	[tilespmem:$0x1B400] =	vst v63  }
0x1fa: {  	s7 =	simm.s32 @!p1 $0x14;
	s14 =	simm.s32 $0xB00;
	s2 =	sadd.s32 s1, s23  }
0x1fb: {  	[tilespmem:s14], [sflag:$0x7] =	stream.linear.gather [hbm4b:s2+s6], $0x28, $0x38;
	[tilespmem:$0x1B400] =	vst v63  }
0x1fc: {  	_ =	swait.ge @!p1 [sflag:s7], $0x1400  }
0x1fd: {  	[sflag:s7] =	ssyncset.done @!p1 $0x0  }
0x1fe: {  	s8 =	simm.s32 $0x5;
	[sflag:s7] =	ssyncadd.s32 @!p1 $0xFFFFEC00  }
0x1ff: {  	_ =	swait.ge [sflag:s8], $0x28  }
0x200: {  	[sflag:s8] =	ssyncset.done $0x0  }
0x201: {  	[sflag:s8] =	ssyncadd.s32 $0xFFFFFFD8  }
0x202: {  	_ =	swait.ge [sflag:s8], $0x28  }
0x203: {  	[sflag:s8] =	ssyncset.done $0x0  }
0x204: {  	[sflag:s8] =	ssyncadd.s32 $0xFFFFFFD8  }
0x205: {  	[tilespmem:s18], [sflag:$0xF] =	stream.indirect.gather [hbm4b:s3+s31], $0x80, s11, s31, $0xb8;
	[tilespmem:$0x1B400] =	vst v63  }
0x206: {  	s11 =	simm.s32 $0xD  }
0x207: {  	_ =	swait.ge [sflag:s11], $0x1400  }
0x208: {  	[sflag:s11] =	ssyncset.done $0x0  }
0x209: {  	s23 =	simm.s32 $0x900;
	s12 =	rddreg [dreg:$0xf];
	[sflag:s11] =	ssyncadd.s32 $0xFFFFEC00  }
0x20a: {  	[spmem:s4] =	stream.indirect.scatter.add.f32 [tilespmem:s16], [sflag:$0x12], $0x80, s23, s31, $0xb8;
	[tilespmem:$0x1B400] =	vst v63  }
0x20b: {  	s19 =	rddreg [dreg:$0xe];
	s0 =	sadd.s32 s1, s12;
	s23 =	simm.s32 $0x380  }
0x20c: {  	[tilespmem:s23], [sflag:$0x8] =	stream.linear.gather [hbm4b:s0+s6], $0x28, $0x38;
	[tilespmem:$0x1B400] =	vst v63  }
0x20d: {  	s2 =	simm.s32 $0xB80;
	s28 =	sadd.s32 s1, s19;
	s12 =	simm.s32 $0x10  }
0x20e: {  	[tilespmem:s2], [sflag:$0x8] =	stream.linear.gather [hbm4b:s28+s6], $0x28, $0x38;
	[tilespmem:$0x1B400] =	vst v63  }
0x20f: {  	_ =	swait.ge [sflag:s12], $0x1400  }
0x210: {  	[sflag:s12] =	ssyncset.done $0x0  }
0x211: {  	s7 =	simm.s32 $0x6;
	[sflag:s12] =	ssyncadd.s32 $0xFFFFEC00  }
0x212: {  	_ =	swait.ge [sflag:s7], $0x28  }
0x213: {  	[sflag:s7] =	ssyncset.done $0x0  }
0x214: {  	[sflag:s7] =	ssyncadd.s32 $0xFFFFFFD8  }
0x215: {  	_ =	swait.ge [sflag:s7], $0x28  }
0x216: {  	[sflag:s7] =	ssyncset.done $0x0  }
0x217: {  	s8 =	simm.s32 $0xE;
	[sflag:s7] =	ssyncadd.s32 $0xFFFFFFD8  }
0x218: {  	[tilespmem:s10], [sflag:$0xB] =	stream.indirect.gather [hbm4b:s3+s31], $0x80, s9, s31, $0xb8;
	[tilespmem:$0x1B400] =	vst v63  }
0x219: {  	_ =	swait.ge [sflag:s8], $0x1400  }
0x21a: {  	[sflag:s8] =	ssyncset.done $0x0  }
0x21b: {  	s19 =	simm.s32 $0x980;
	s9 =	rddreg [dreg:$0xd];
	[sflag:s8] =	ssyncadd.s32 $0xFFFFEC00  }
0x21c: {  	[spmem:s4] =	stream.indirect.scatter.add.f32 [tilespmem:s21], [sflag:$0x13], $0x80, s19, s31, $0xb8;
	[tilespmem:$0x1B400] =	vst v63  }
0x21d: {  	s7 =	rddreg [dreg:$0xc];
	s0 =	sadd.s32 s1, s9;
	s9 =	simm.s32 $0x400  }
0x21e: {  	[tilespmem:s9], [sflag:$0x9] =	stream.linear.gather [hbm4b:s0+s6], $0x28, $0x38;
	[tilespmem:$0x1B400] =	vst v63  }
0x21f: {  	s28 =	rddreg [dreg:$0x16];
	s19 =	sadd.s32 s1, s7  }
0x220: {  	[tilespmem:s28], [sflag:$0x9] =	stream.linear.gather [hbm4b:s19+s6], $0x28, $0x38;
	[tilespmem:$0x1B400] =	vst v63  }
0x221: {  	s19 =	simm.s32 $0x11  }
0x222: {  	_ =	swait.ge [sflag:s19], $0x1400  }
0x223: {  	[sflag:s19] =	ssyncset.done $0x0  }
0x224: {  	s28 =	simm.s32 $0x7;
	[sflag:s19] =	ssyncadd.s32 $0xFFFFEC00  }
0x225: {  	_ =	swait.ge [sflag:s28], $0x28  }
0x226: {  	[sflag:s28] =	ssyncset.done $0x0  }
0x227: {  	[sflag:s28] =	ssyncadd.s32 $0xFFFFFFD8  }
0x228: {  	_ =	swait.ge [sflag:s28], $0x28  }
0x229: {  	[sflag:s28] =	ssyncset.done $0x0  }
0x22a: {  	[sflag:s28] =	ssyncadd.s32 $0xFFFFFFD8  }
0x22b: {  	[tilespmem:s15], [sflag:$0xC] =	stream.indirect.gather [hbm4b:s3+s31], $0x80, s5, s31, $0xb8;
	[tilespmem:$0x1B400] =	vst v63  }
0x22c: {  	_ =	swait.ge [sflag:s25], $0x1400  }
0x22d: {  	[sflag:s25] =	ssyncset.done $0x0  }
0x22e: {  	s7 =	rddreg [dreg:$0xb];
	[sflag:s25] =	ssyncadd.s32 $0xFFFFEC00  }
0x22f: {  	[spmem:s4] =	stream.indirect.scatter.add.f32 [tilespmem:s18], [sflag:$0x14], $0x80, s13, s31, $0xb8;
	[tilespmem:$0x1B400] =	vst v63  }
0x230: {  	s5 =	simm.s32 $0x480;
	s8 =	rddreg [dreg:$0xa];
	s0 =	sadd.s32 s1, s7  }
0x231: {  	[tilespmem:s5], [sflag:$0xA] =	stream.linear.gather [hbm4b:s0+s6], $0x28, $0x38;
	[tilespmem:$0x1B400] =	vst v63  }
0x232: {  	s13 =	sadd.s32 s1, s8  }
0x233: {  	[tilespmem:s26], [sflag:$0xA] =	stream.linear.gather [hbm4b:s13+s6], $0x28, $0x38;
	[tilespmem:$0x1B400] =	vst v63  }
0x234: {  	s13 =	simm.s32 $0x12  }
0x235: {  	_ =	swait.ge [sflag:s13], $0x1400  }
0x236: {  	[sflag:s13] =	ssyncset.done $0x0  }
0x237: {  	s28 =	simm.s32 $0x8;
	[sflag:s13] =	ssyncadd.s32 $0xFFFFEC00  }
0x238: {  	_ =	swait.ge [sflag:s28], $0x28  }
0x239: {  	[sflag:s28] =	ssyncset.done $0x0  }
0x23a: {  	[sflag:s28] =	ssyncadd.s32 $0xFFFFFFD8  }
0x23b: {  	_ =	swait.ge [sflag:s28], $0x28  }
0x23c: {  	[sflag:s28] =	ssyncset.done $0x0  }
0x23d: {  	[sflag:s28] =	ssyncadd.s32 $0xFFFFFFD8  }
0x23e: {  	[tilespmem:s16], [sflag:$0xD] =	stream.indirect.gather [hbm4b:s3+s31], $0x80, s23, s31, $0xb8;
	[tilespmem:$0x1B400] =	vst v63  }
0x23f: {  	_ =	swait.ge [sflag:s17], $0x1400  }
0x240: {  	[sflag:s17] =	ssyncset.done $0x0  }
0x241: {  	[sflag:s17] =	ssyncadd.s32 $0xFFFFEC00  }
0x242: {  	[spmem:s4] =	stream.indirect.scatter.add.f32 [tilespmem:s10], [sflag:$0x10], $0x80, s20, s31, $0xb8;
	[tilespmem:$0x1B400] =	vst v63  }
0x243: {  	s0 =	simm.s32 @!p0 $0x0  }
0x244: {  	[tilespmem:s0], [sflag:$0x1] =	stream.linear.gather @!p0 [hbm4b:s30+s0], $0x28, $0x38;
	[tilespmem:$0x1B400] =	vst v63  }
0x245: {  	s7 =	simm.s32 @!p0 $0x800;
	s6 =	rddreg [dreg:$0x17];
	s30 =	simm.s32 $0x13  }
0x246: {  	[tilespmem:s7], [sflag:$0x1] =	stream.linear.gather @!p0 [hbm4b:s6+s0], $0x28, $0x38;
	[tilespmem:$0x1B400] =	vst v63  }
0x247: {  	_ =	swait.ge [sflag:s30], $0x1400  }
0x248: {  	[sflag:s30] =	ssyncset.done $0x0  }
0x249: {  	s20 =	simm.s32 $0x9;
	[sflag:s30] =	ssyncadd.s32 $0xFFFFEC00  }
0x24a: {  	_ =	swait.ge [sflag:s20], $0x28  }
0x24b: {  	[sflag:s20] =	ssyncset.done $0x0  }
0x24c: {  	[sflag:s20] =	ssyncadd.s32 $0xFFFFFFD8  }
0x24d: {  	_ =	swait.ge [sflag:s20], $0x28  }
0x24e: {  	[sflag:s20] =	ssyncset.done $0x0  }
0x24f: {  	[sflag:s20] =	ssyncadd.s32 $0xFFFFFFD8  }
0x250: {  	[tilespmem:s21], [sflag:$0xE] =	stream.indirect.gather [hbm4b:s3+s31], $0x80, s9, s31, $0xb8;
	[tilespmem:$0x1B400] =	vst v63  }
0x251: {  	_ =	swait.ge [sflag:s22], $0x1400  }
0x252: {  	[sflag:s22] =	ssyncset.done $0x0  }
0x253: {  	s6 =	rddreg [dreg:$0x9];
	[sflag:s22] =	ssyncadd.s32 $0xFFFFEC00  }
0x254: {  	[spmem:s4] =	stream.indirect.scatter.add.f32 [tilespmem:s15], [sflag:$0x11], $0x80, s14, s31, $0xb8;
	[tilespmem:$0x1B400] =	vst v63  }
0x255: {  	s7 =	rddreg [dreg:$0x8];
	s8 =	sadd.s32 @!p0 s1, s6;
	s6 =	simm.s32 @!p0 $0x80  }
0x256: {  	[tilespmem:s6], [sflag:$0x2] =	stream.linear.gather @!p0 [hbm4b:s8+s0], $0x28, $0x38;
	[tilespmem:$0x1B400] =	vst v63  }
0x257: {  	s7 =	sadd.s32 @!p0 s1, s7;
	s22 =	simm.s32 $0x14;
	s8 =	simm.s32 @!p0 $0x880  }
0x258: {  	[tilespmem:s8], [sflag:$0x2] =	stream.linear.gather @!p0 [hbm4b:s7+s0], $0x28, $0x38;
	[tilespmem:$0x1B400] =	vst v63  }
0x259: {  	_ =	swait.ge [sflag:s22], $0x1400  }
0x25a: {  	[sflag:s22] =	ssyncset.done $0x0  }
0x25b: {  	s23 =	simm.s32 $0xA;
	[sflag:s22] =	ssyncadd.s32 $0xFFFFEC00  }
0x25c: {  	_ =	swait.ge [sflag:s23], $0x28  }
0x25d: {  	[sflag:s23] =	ssyncset.done $0x0  }
0x25e: {  	[sflag:s23] =	ssyncadd.s32 $0xFFFFFFD8  }
0x25f: {  	_ =	swait.ge [sflag:s23], $0x28  }
0x260: {  	[sflag:s23] =	ssyncset.done $0x0  }
0x261: {  	[sflag:s23] =	ssyncadd.s32 $0xFFFFFFD8  }
0x262: {  	[tilespmem:s18], [sflag:$0xF] =	stream.indirect.gather [hbm4b:s3+s31], $0x80, s5, s31, $0xb8;
	[tilespmem:$0x1B400] =	vst v63  }
0x263: {  	_ =	swait.ge [sflag:s11], $0x1400  }
0x264: {  	[sflag:s11] =	ssyncset.done $0x0  }
0x265: {  	s7 =	simm.s32 @p0 $0xE;
	[sflag:s11] =	ssyncadd.s32 $0xFFFFEC00  }
0x266: {  	[spmem:s4] =	stream.indirect.scatter.add.f32 [tilespmem:s16], [sflag:$0x12], $0x80, s2, s31, $0xb8;
	[tilespmem:$0x1B400] =	vst v63  }
0x267: {  	_ =	swait.ge @p0 [sflag:s7], $0x1400  }
0x268: {  	s10 =	simm.s32 @p0 $0x4C00;
	s15 =	simm.s32 @p0 $0x28;
	[sflag:s7] =	ssyncset.done @p0 $0x0  }
0x269: {  	s8 =	simm.s32 @p0 $0xC00;
	[sflag:s7] =	ssyncadd.s32 @p0 $0xFFFFEC00;
	s7 =	rddreg [dreg:$0x7]  }
0x26a: {  	[spmem:s4] =	stream.indirect.scatter.add.f32 @p0 [tilespmem:s10], [sflag:$0x13], $0x80, s8, s15, $0xb8;
	[tilespmem:$0x1B400] =	vst v63  }
0x26b: {  	s8 =	rddreg [dreg:$0x6];
	s7 =	sadd.s32 @!p0 s1, s7;
	s10 =	simm.s32 @!p0 $0x100  }
0x26c: {  	[tilespmem:s10], [sflag:$0x3] =	stream.linear.gather @!p0 [hbm4b:s7+s0], $0x28, $0x38;
	[tilespmem:$0x1B400] =	vst v63  }
0x26d: {  	s8 =	sadd.s32 @!p0 s1, s8;
	s7 =	simm.s32 @!p0 $0x900;
	s10 =	simm.s32 @!p0 $0x10  }
0x26e: {  	[tilespmem:s7], [sflag:$0x3] =	stream.linear.gather @!p0 [hbm4b:s8+s0], $0x28, $0x38;
	[tilespmem:$0x1B400] =	vst v63  }
0x26f: {  	_ =	swait.ge @!p0 [sflag:s10], $0x1400  }
0x270: {  	[sflag:s10] =	ssyncset.done @!p0 $0x0  }
0x271: {  	s7 =	simm.s32 @!p0 $0x1;
	[sflag:s10] =	ssyncadd.s32 @!p0 $0xFFFFEC00  }
0x272: {  	_ =	swait.ge @!p0 [sflag:s7], $0x28  }
0x273: {  	[sflag:s7] =	ssyncset.done @!p0 $0x0  }
0x274: {  	[sflag:s7] =	ssyncadd.s32 @!p0 $0xFFFFFFD8  }
0x275: {  	_ =	swait.ge @!p0 [sflag:s7], $0x28  }
0x276: {  	s8 =	simm.s32 @!p0 $0x28;
	[sflag:s7] =	ssyncset.done @!p0 $0x0  }
0x277: {  	s10 =	simm.s32 @!p0 $0x1000;
	[sflag:s7] =	ssyncadd.s32 @!p0 $0xFFFFFFD8;
	s7 =	simm.s32 @!p0 $0xE  }
0x278: {  	[tilespmem:s10], [sflag:$0xB] =	stream.indirect.gather @!p0 [hbm4b:s3+s8], $0x80, s0, s8, $0xb8;
	[tilespmem:$0x1B400] =	vst v63  }
0x279: {  	_ =	swait.ge @!p0 [sflag:s7], $0x1400  }
0x27a: {  	s15 =	simm.s32 @!p0 $0xC00;
	[sflag:s7] =	ssyncset.done @!p0 $0x0  }
0x27b: {  	s10 =	simm.s32 @!p0 $0x4C00;
	[sflag:s7] =	ssyncadd.s32 @!p0 $0xFFFFEC00;
	s7 =	rddreg [dreg:$0x5]  }
0x27c: {  	[spmem:s4] =	stream.indirect.scatter.add.f32 @!p0 [tilespmem:s10], [sflag:$0x13], $0x80, s15, s8, $0xb8;
	[tilespmem:$0x1B400] =	vst v63  }
0x27d: {  	s10 =	rddreg [dreg:$0x4];
	s7 =	sadd.s32 @!p0 s1, s7;
	s15 =	simm.s32 @!p0 $0x180  }
0x27e: {  	[tilespmem:s15], [sflag:$0x4] =	stream.linear.gather @!p0 [hbm4b:s7+s0], $0x28, $0x38;
	[tilespmem:$0x1B400] =	vst v63  }
0x27f: {  	s1 =	sadd.s32 @!p0 s1, s10;
	s7 =	simm.s32 @!p0 $0x980  }
0x280: {  	[tilespmem:s7], [sflag:$0x4] =	stream.linear.gather @!p0 [hbm4b:s1+s0], $0x28, $0x38;
	[tilespmem:$0x1B400] =	vst v63  }
0x281: {  	s0 =	simm.s32 @!p0 $0x11  }
0x282: {  	_ =	swait.ge @!p0 [sflag:s0], $0x1400  }
0x283: {  	[sflag:s0] =	ssyncset.done @!p0 $0x0  }
0x284: {  	[sflag:s0] =	ssyncadd.s32 @!p0 $0xFFFFEC00;
	s0 =	simm.s32 @!p0 $0x2  }
0x285: {  	_ =	swait.ge @!p0 [sflag:s0], $0x28  }
0x286: {  	[sflag:s0] =	ssyncset.done @!p0 $0x0  }
0x287: {  	[sflag:s0] =	ssyncadd.s32 @!p0 $0xFFFFFFD8  }
0x288: {  	_ =	swait.ge @!p0 [sflag:s0], $0x28  }
0x289: {  	[sflag:s0] =	ssyncset.done @!p0 $0x0  }
0x28a: {  	[sflag:s0] =	ssyncadd.s32 @!p0 $0xFFFFFFD8;
	s0 =	simm.s32 @!p0 $0x2400  }
0x28b: {  	[tilespmem:s0], [sflag:$0xC] =	stream.indirect.gather @!p0 [hbm4b:s3+s8], $0x80, s6, s8, $0xb8;
	[tilespmem:$0x1B400] =	vst v63  }
0x28c: {  	_ =	swait.ge [sflag:s25], $0x1400  }
0x28d: {  	[sflag:s25] =	ssyncset.done $0x0  }
0x28e: {  	[sflag:s25] =	ssyncadd.s32 $0xFFFFEC00  }
0x28f: {  	[spmem:s4] =	stream.indirect.scatter.add.f32 [tilespmem:s18], [sflag:$0x14], $0x80, s26, s31, $0xb8;
	[tilespmem:$0x1B400] =	vst v63  }
0x290: {  	_ =	swait.ge [sflag:s12], $0x1400  }
0x291: {  	[sflag:s12] =	ssyncset.done $0x0  }
0x292: {  	[sflag:s12] =	ssyncadd.s32 $0xFFFFEC00  }
0x293: {  	_ =	swait.ge [sflag:s19], $0x1400  }
0x294: {  	[sflag:s19] =	ssyncset.done $0x0  }
0x295: {  	[sflag:s19] =	ssyncadd.s32 $0xFFFFEC00  }
0x296: {  	_ =	swait.ge [sflag:s13], $0x1400  }
0x297: {  	[sflag:s13] =	ssyncset.done $0x0  }
0x298: {  	[sflag:s13] =	ssyncadd.s32 $0xFFFFEC00  }
0x299: {  	_ =	swait.ge [sflag:s30], $0x1400  }
0x29a: {  	[sflag:s30] =	ssyncset.done $0x0  }
0x29b: {  	[sflag:s30] =	ssyncadd.s32 $0xFFFFEC00  }
0x29c: {  	_ =	swait.ge [sflag:s22], $0x1400  }
0x29d: {  	[sflag:s22] =	ssyncset.done $0x0  }
0x29e: {  	[sflag:s22] =	ssyncadd.s32 $0xFFFFEC00  }
0x29f: {  	[bflag:$0x0] =	sbarrier.arrive $0xFFFF  }
0x2a0: {  	s25 =	sld [smem:$0x7FB]  }
0x2a1: {  	s26 =	sld [smem:$0x7F6];
	_ =	sdelay $0x1  }
0x2a2: {  	s1 =	simm.s32 $0x15;
	s15 =	rddreg [dreg:$0x1b]  }
0x2a3: {  	[hbm:s25], [sflag:s15] =	dma.local [spmem:s26], $0x2800  }
0x2a4: {  	_ =	swait.ge [sflag:s1], $0x2800  }
0x2a5: {  	s28 =	sld [smem:$0x7F5]  }
0x2a6: {  	s30 =	sld [smem:$0x7FC];
	_ =	sdelay $0x1  }
0x2a7: {  	s2 =	sadd.s32 $0x1, s28  }
0x2a8: {  	p0 =	sne.s32 s2, s30  }
.Ltmp1:
0x2a9: {  	_ = 	snop;
	(pc) =	sbr.rel @p0 .LBB2_1-.Ltmp1, $3  }
0x2aa: {  	_ =	sdelay $0x1  }
0x2ab: {  	[sflag:s1] =	ssyncset.done $0x0  }
0x2ac: {  	s21 =	simm.s32 $0xC80;
	[sflag:s1] =	ssyncadd.s32 $0xFFFFD800  }
0x2ad: {  	_ =	sfence.sel $0x180000  }
0x2ae: {  	[bflag:$0x0] =	sbarrier.arrive $0xFFFF  }
0x2af: {  	_ =	strace $0x90000047  }
0x2b0: {  	s0 =	stileid.u32;
	[bflag:$0x2] =	sbarrier.arrive $0xFFFF  }
0x2b1: {  	p0 =	sne.s32 s0, $0x0;
	s0 =	rddreg [dreg:$0x3]  }
0x2b2: {  	s0 =	sadd.s32 @!p0 $0x100000, s0  }
0x2b3: {  	[sflag:s0] =	ssyncadd.tile.s32 @!p0 $0x1;
	_ =	shalt  }
.Lfunc_end2:
_tile_overlayer_lowered:
.L_overlay_start_2:
0x2b4: {  	(tag) =	ssettag $0x2  }
0x2b5: {  	s0 =	rddreg [dreg:$0x0];
	s2 =	stileid.u32  }
0x2b6: {  	s1 =	rddreg [dreg:$0x1];
	p0 =	sne.s32 s2, $0x0  }
0x2b7: {  	s3 =	rddreg [dreg:$0x2];
	[bflag:$0x3] =	sbarrier.arrive $0xFFFF;
	s2 =	simm.s32 @!p0 $0x1C15  }
0x2b8: {  	[timem:s3], [sflag:s2] =	dma.local @!p0 [hbm:s0], s1  }
0x2b9: {  	s0 =	simm.s32 @!p0 $0x15  }
0x2ba: {  	_ =	swait.ge @!p0 [sflag:s0], s1  }
0x2bb: {  	s1 =	ssub.s32 @!p0 $0x0, s1;
	[sflag:s0] =	ssyncset.done @!p0 $0x0  }
0x2bc: {  	[sflag:s0] =	ssyncadd.s32 @!p0 s1  }
0x2bd: {  	[bflag:$0x3] =	sbarrier.arrive $0xFFFF  }
0x2be: {  	_ =	shalt  }

</sc_bundles>
